<compile_context>
chip_gen: v7x
topology: tpu7x:2x2x1
jax: 0.10.2.dev20260603
libtpu: 0.0.44.dev20260713+nightly
codegen_flags: <defaults>
</compile_context>

<pallas_src>
import functools

import jax
import jax.numpy as jnp
from jax import lax
from jax.experimental import pallas as pl
from jax.experimental.pallas import tpu as pltpu
from jax.experimental.pallas import tpu_sc as plsc

N_NODES = 10000
NG = 64

NC = 2
NS = 16
NW = NC * NS
CHUNK = 128
ROWS_PER_SUB = N_NODES // NS

EDGE_BLK = 2048
NODE_BLK = 2000


def _f32(x):
    return x.astype(jnp.float32)



@functools.lru_cache(maxsize=None)
def _make_gather(e_pad):
    cw = e_pad // (NW * CHUNK)
    epw = cw * CHUNK
    mesh = plsc.VectorSubcoreMesh(
        core_axis_name="c", subcore_axis_name="s", num_cores=NC,
        num_subcores=NS)

    @functools.partial(
        pl.kernel, mesh=mesh,
        out_type=jax.ShapeDtypeStruct((e_pad, 16), jnp.float32),
        compiler_params=pltpu.CompilerParams(use_tc_tiling_on_sc=False),
        scratch_types=[
            pltpu.VMEM((cw, CHUNK), jnp.int32),
            pltpu.VMEM((epw, 16), jnp.float32),
            pltpu.SemaphoreType.DMA,
        ],
    )
    def gather(table_hbm, idx_hbm, out_hbm, idx_v, rows_v, sem):
        c = lax.axis_index("c")
        s = lax.axis_index("s")
        wid = s * NC + c
        pltpu.sync_copy(idx_hbm.at[pl.ds(wid * cw, cw)], idx_v)

        def fire(j, carry):
            pltpu.async_copy(table_hbm.at[idx_v.at[j]],
                             rows_v.at[pl.ds(j * CHUNK, CHUNK)], sem)
            return carry

        def drain(j, carry):
            pltpu.make_async_copy(table_hbm.at[idx_v.at[j]],
                                  rows_v.at[pl.ds(j * CHUNK, CHUNK)],
                                  sem).wait()
            return carry

        lax.fori_loop(0, cw, fire, 0)
        lax.fori_loop(0, cw, drain, 0)
        pltpu.sync_copy(rows_v, out_hbm.at[pl.ds(wid * epw, epw)])

    return gather


@functools.lru_cache(maxsize=None)
def _make_scatter_add(e_pad):
    cw = e_pad // (NW * CHUNK)
    assert cw % 2 == 0
    hw = cw // 2
    mesh = plsc.VectorSubcoreMesh(
        core_axis_name="c", subcore_axis_name="s", num_cores=NC,
        num_subcores=NS)

    @functools.partial(
        pl.kernel, mesh=mesh,
        out_type=jax.ShapeDtypeStruct((NC, N_NODES, 32), jnp.float32),
        compiler_params=pltpu.CompilerParams(use_tc_tiling_on_sc=False),
        scratch_types=[
            pltpu.VMEM_SHARED((N_NODES, 32), jnp.float32),
            pltpu.VMEM((cw, CHUNK), jnp.int32),
            pltpu.VMEM((hw * CHUNK, 32), jnp.float32),
            pltpu.SemaphoreType.DMA,
            pltpu.SemaphoreType.DMA,
        ],
    )
    def scatter(msg_hbm, idx_hbm, zeros_hbm, out_hbm, acc, idx_v, rows_v,
                sem, sem2):
        c = lax.axis_index("c")
        s = lax.axis_index("s")
        wid = s * NC + c
        pltpu.sync_copy(zeros_hbm.at[pl.ds(s * ROWS_PER_SUB, ROWS_PER_SUB)],
                        acc.at[pl.ds(s * ROWS_PER_SUB, ROWS_PER_SUB)])
        pltpu.sync_copy(idx_hbm.at[pl.ds(wid * cw, cw)], idx_v)
        plsc.subcore_barrier()

        def half(hf, carry):
            base = (wid * cw + hf * hw) * CHUNK
            pltpu.async_copy(msg_hbm.at[pl.ds(base, hw * CHUNK)], rows_v,
                             sem).wait()

            def fire(j, cc):
                pltpu.async_copy(rows_v.at[pl.ds(j * CHUNK, CHUNK)],
                                 acc.at[idx_v.at[hf * hw + j]], sem2,
                                 add=True)
                return cc

            def drain(j, cc):
                pltpu.make_async_copy(rows_v.at[pl.ds(j * CHUNK, CHUNK)],
                                      acc.at[idx_v.at[hf * hw + j]],
                                      sem2).wait()
                return cc

            lax.fori_loop(0, hw, fire, 0)
            lax.fori_loop(0, hw, drain, 0)
            return carry

        lax.fori_loop(0, 2, half, 0)
        plsc.subcore_barrier()
        pltpu.sync_copy(acc.at[pl.ds(s * ROWS_PER_SUB, ROWS_PER_SUB)],
                        out_hbm.at[c, pl.ds(s * ROWS_PER_SUB, ROWS_PER_SUB)])

    return scatter



def _edge_msg_kernel(xj_ref, aT_ref, waT_ref, baT_ref, bsT_ref, out_ref,
                     *, out_c, with_count, n_real):
    blk = xj_ref.shape[0]
    eye_i = jnp.eye(16, dtype=jnp.float32)
    xjT = lax.dot_general(eye_i, xj_ref[...], (((1,), (1,)), ((), ())),
                          preferred_element_type=jnp.float32)
    aT = aT_ref[...]
    hT = jnp.maximum(waT_ref[...] * aT + baT_ref[...], 0.0)
    yT = jnp.dot(bsT_ref[...], xjT,
                 preferred_element_type=jnp.float32)
    msgT = yT[16 * out_c:, :]
    for k in range(16):
        msgT = msgT + hT[k:k + 1, :] * yT[k * out_c:(k + 1) * out_c, :]
    col = pl.program_id(0) * blk + lax.broadcasted_iota(
        jnp.int32, (1, blk), 1)
    validT = (col < n_real).astype(jnp.float32)
    msgT = msgT * validT
    if with_count:
        outT = jnp.concatenate(
            [msgT, validT, jnp.zeros((31 - out_c, blk), jnp.float32)], axis=0)
    else:
        outT = msgT
    eye_o = jnp.eye(32, dtype=jnp.float32)
    out_ref[...] = lax.dot_general(outT, eye_o, (((0,), (0,)), ((), ())),
                                   preferred_element_type=jnp.float32)


def _edge_msg(xj, aT, waT, baT, bstackT, out_c, with_count, n_real):
    e_pad = xj.shape[0]
    grid = e_pad // EDGE_BLK
    kern = functools.partial(_edge_msg_kernel, out_c=out_c,
                             with_count=with_count, n_real=n_real)
    return pl.pallas_call(
        kern,
        grid=(grid,),
        in_specs=[
            pl.BlockSpec((EDGE_BLK, 16), lambda i: (i, 0)),
            pl.BlockSpec((1, EDGE_BLK), lambda i: (0, i)),
            pl.BlockSpec((16, 1), lambda i: (0, 0)),
            pl.BlockSpec((16, 1), lambda i: (0, 0)),
            pl.BlockSpec(bstackT.shape, lambda i: (0, 0)),
        ],
        out_specs=pl.BlockSpec((EDGE_BLK, 32), lambda i: (i, 0)),
        out_shape=jax.ShapeDtypeStruct((e_pad, 32), jnp.float32),
    )(xj, aT, waT, baT, bstackT)


def _node1_kernel(p0_ref, p1_ref, x_ref, root_ref, bias_ref, h_ref, cnt_ref):
    s = p0_ref[...] + p1_ref[...]
    cnt = s[:, 16:17]
    mean = s[:, :16] / jnp.maximum(cnt, 1.0)
    xr = jnp.dot(x_ref[...], root_ref[...], preferred_element_type=jnp.float32)
    h_ref[...] = jnp.maximum(xr + mean + bias_ref[...], 0.0)
    cnt_ref[...] = cnt


def _node1(p0, p1, x, root1, bias1):
    grid = N_NODES // NODE_BLK
    return pl.pallas_call(
        _node1_kernel,
        grid=(grid,),
        in_specs=[
            pl.BlockSpec((NODE_BLK, 32), lambda i: (i, 0)),
            pl.BlockSpec((NODE_BLK, 32), lambda i: (i, 0)),
            pl.BlockSpec((NODE_BLK, 16), lambda i: (i, 0)),
            pl.BlockSpec((16, 16), lambda i: (0, 0)),
            pl.BlockSpec((1, 16), lambda i: (0, 0)),
        ],
        out_specs=[
            pl.BlockSpec((NODE_BLK, 16), lambda i: (i, 0)),
            pl.BlockSpec((NODE_BLK, 1), lambda i: (i, 0)),
        ],
        out_shape=[
            jax.ShapeDtypeStruct((N_NODES, 16), jnp.float32),
            jax.ShapeDtypeStruct((N_NODES, 1), jnp.float32),
        ],
    )(p0, p1, x, root1, bias1)


def _node2_kernel(q0_ref, q1_ref, h_ref, cnt_ref, batch_ref, root_ref,
                  bias_ref, h2_ref, g_ref, gs_ref, gc_ref):
    i = pl.program_id(0)
    nblk = pl.num_programs(0)
    s = q0_ref[...] + q1_ref[...]
    mean = s / jnp.maximum(cnt_ref[...], 1.0)
    hr = jnp.dot(h_ref[...], root_ref[...], preferred_element_type=jnp.float32)
    h2 = jnp.maximum(hr + mean + bias_ref[...], 0.0)
    h2_ref[...] = h2

    @pl.when(i == 0)
    def _init():
        gs_ref[...] = jnp.zeros_like(gs_ref)
        gc_ref[...] = jnp.zeros_like(gc_ref)

    gid = lax.broadcasted_iota(jnp.int32, (1, NG), 1)
    oh = (batch_ref[...] == gid).astype(jnp.float32)
    dn = (((0,), (0,)), ((), ()))
    gs_ref[...] += lax.dot_general(oh, h2, dn,
                                   preferred_element_type=jnp.float32)
    gc_ref[...] += lax.dot_general(
        oh, jnp.ones_like(h2), dn, preferred_element_type=jnp.float32)

    @pl.when(i == nblk - 1)
    def _fin():
        g_ref[...] = gs_ref[...] / jnp.maximum(gc_ref[...], 1.0)


def _node2(q0, q1, h, cnt, batch2d, root2, bias2):
    grid = N_NODES // NODE_BLK
    return pl.pallas_call(
        _node2_kernel,
        grid=(grid,),
        in_specs=[
            pl.BlockSpec((NODE_BLK, 32), lambda i: (i, 0)),
            pl.BlockSpec((NODE_BLK, 32), lambda i: (i, 0)),
            pl.BlockSpec((NODE_BLK, 16), lambda i: (i, 0)),
            pl.BlockSpec((NODE_BLK, 1), lambda i: (i, 0)),
            pl.BlockSpec((NODE_BLK, 1), lambda i: (i, 0)),
            pl.BlockSpec((16, 32), lambda i: (0, 0)),
            pl.BlockSpec((1, 32), lambda i: (0, 0)),
        ],
        out_specs=[
            pl.BlockSpec((NODE_BLK, 32), lambda i: (i, 0)),
            pl.BlockSpec((NG, 32), lambda i: (0, 0)),
        ],
        out_shape=[
            jax.ShapeDtypeStruct((N_NODES, 32), jnp.float32),
            jax.ShapeDtypeStruct((NG, 32), jnp.float32),
        ],
        scratch_shapes=[
            pltpu.VMEM((NG, 32), jnp.float32),
            pltpu.VMEM((NG, 32), jnp.float32),
        ],
    )(q0, q1, h, cnt, batch2d, root2, bias2)



def kernel(x, edge_index, edge_attr, batch, W1a, b1a, W1b, b1b, W2a, b2a,
           W2b, b2b, root1, bias1, root2, bias2):
    n, in_c = x.shape
    e = edge_index.shape[1]
    hid = root1.shape[1]
    out_c = root2.shape[1]

    e_pad = ((e + NW * CHUNK - 1) // (NW * CHUNK)) * (NW * CHUNK)
    pad = e_pad - e
    src = jnp.pad(edge_index[0].astype(jnp.int32), (0, pad)).reshape(-1, CHUNK)
    dst = jnp.pad(edge_index[1].astype(jnp.int32), (0, pad)).reshape(-1, CHUNK)
    aT = jnp.pad(_f32(edge_attr), ((0, pad), (0, 0))).reshape(1, e_pad)
    zeros32 = jnp.zeros((n, 32), jnp.float32)

    bs1T = jnp.concatenate(
        [W1b.reshape(hid, in_c, hid).transpose(1, 0, 2).reshape(in_c, hid * hid),
         b1b.reshape(in_c, hid)], axis=1).T
    bs2T = jnp.concatenate(
        [W2b.reshape(hid, hid, out_c).transpose(1, 0, 2).reshape(hid, hid * out_c),
         b2b.reshape(hid, out_c)], axis=1).T

    gather = _make_gather(e_pad)
    scatter = _make_scatter_add(e_pad)

    xj = gather(_f32(x), src)
    m1 = _edge_msg(xj, aT, W1a.reshape(16, 1), b1a.reshape(16, 1), bs1T,
                   hid, True, e)
    p = scatter(m1, dst, zeros32)
    h, cnt = _node1(p[0], p[1], _f32(x), root1, bias1.reshape(1, 16))

    hj = gather(h, src)
    m2 = _edge_msg(hj, aT, W2a.reshape(16, 1), b2a.reshape(16, 1), bs2T,
                   out_c, False, e)
    q = scatter(m2, dst, zeros32)
    h2, g = _node2(q[0], q[1], h, cnt, batch.astype(jnp.int32).reshape(-1, 1),
                   root2, bias2.reshape(1, 32))

    return (h2, g, batch)

# --- scband reference (transcript-rebuilt; emitter-appended) ---
"""Pipeline reference for scband-graph-encoder-1520418422912 (READ-ONLY COPY).

The authoritative reference and input builder live on the scoring server;
editing this copy changes nothing except your own understanding.
"""

import jax, jax.numpy as jnp
import numpy as np

N = 10000
E = 160000
IN_C = 16
HID = 16
OUT_C = 32
NG = 64


def _mlp(e, Wa, ba, Wb, bb):
    return jax.nn.relu(e @ Wa + ba) @ Wb + bb


def _nnconv(x, edge_index, edge_attr, Wa, ba, Wb, bb, root, bias, in_c, out_c):
    n = x.shape[0]
    w = _mlp(edge_attr, Wa, ba, Wb, bb).reshape(-1, in_c, out_c)
    src = edge_index[0]
    dst = edge_index[1]
    xj = jnp.take(x, src, axis=0)
    msg = jnp.einsum('ei,eio->eo', xj, w)
    s = jax.ops.segment_sum(msg, dst, num_segments=n)
    cnt = jax.ops.segment_sum(jnp.ones((msg.shape[0],), dtype=msg.dtype), dst, num_segments=n)
    mean = s / jnp.clip(cnt, 1.0)[:, None]
    return x @ root + mean + bias


def setup_inputs(seed: int = 0):
    key = jax.random.key(seed)
    ks = jax.random.split(key, 14)
    inp = {}
    inp['x'] = jax.random.normal(ks[0], (N, IN_C), dtype=jnp.float32)
    inp['edge_index'] = jax.random.randint(ks[1], (2, E), 0, N)
    inp['edge_attr'] = jax.random.uniform(ks[2], (E, 1), dtype=jnp.float32)
    inp['batch'] = jnp.sort(jax.random.randint(ks[3], (N,), 0, NG))

    def xav(k, shape):
        fan_in, fan_out = shape[0], shape[1]
        lim = (6.0 / (fan_in + fan_out)) ** 0.5
        return jax.random.uniform(k, shape, dtype=jnp.float32, minval=-lim, maxval=lim)

    inp['W1a'] = xav(ks[4], (1, HID))
    inp['b1a'] = jnp.zeros((HID,), jnp.float32)
    inp['W1b'] = xav(ks[5], (HID, IN_C * HID))
    inp['b1b'] = jnp.zeros((IN_C * HID,), jnp.float32)
    inp['W2a'] = xav(ks[6], (1, HID))
    inp['b2a'] = jnp.zeros((HID,), jnp.float32)
    inp['W2b'] = xav(ks[7], (HID, HID * OUT_C))
    inp['b2b'] = jnp.zeros((HID * OUT_C,), jnp.float32)
    inp['root1'] = xav(ks[8], (IN_C, HID))
    inp['bias1'] = jnp.zeros((HID,), jnp.float32)
    inp['root2'] = xav(ks[9], (HID, OUT_C))
    inp['bias2'] = jnp.zeros((OUT_C,), jnp.float32)
    return inp


def reference(x, edge_index, edge_attr, batch, W1a, b1a, W1b, b1b, W2a, b2a, W2b, b2b, root1, bias1, root2, bias2):
    h = jax.nn.relu(_nnconv(x, edge_index, edge_attr, W1a, b1a, W1b, b1b, root1, bias1, IN_C, HID))
    h = jax.nn.relu(_nnconv(h, edge_index, edge_attr, W2a, b2a, W2b, b2b, root2, bias2, HID, OUT_C))
    gs = jax.ops.segment_sum(h, batch, num_segments=NG)
    gc = jax.ops.segment_sum(jnp.ones((h.shape[0],), dtype=h.dtype), batch, num_segments=NG)
    g = gs / jnp.clip(gc, 1.0)[:, None]
    return (h, g, batch)

if __name__ == "__main__":
    import jax
    _d = setup_inputs()
    print(jax.jit(kernel)(*tuple(_d.values())))

</pallas_src>

<mosaic_0001>
#map = affine_map<(d0, d1) -> (0, 0)>
module attributes {stable_mosaic.version = 14 : i64} {
  func.func @gather(%arg0: i32, %arg1: i32, %arg2: memref<10000x16xf32, #tpu.memory_space<hbm>>, %arg3: memref<1280x128xi32, #tpu.memory_space<hbm>>, %arg4: memref<163840x16xf32, #tpu.memory_space<hbm>>, %arg5: memref<40x128xi32, #tpu.memory_space<vmem>>, %arg6: memref<5120x16xf32, #tpu.memory_space<vmem>>, %arg7: memref<!tpu.dma_semaphore, #tpu.memory_space<semaphore_mem>>) attributes {dimension_semantics = [#tpu.dimension_semantics<core_parallel>, #tpu.dimension_semantics<subcore_parallel>], iteration_bounds = array<i64: 2, 16>, scalar_prefetch = 0 : i64, scratch_operands = 3 : i64, tpu.core_type = #tpu.core_type<sc_vector_subcore>, window_params = [{transform_indices = #map}, {transform_indices = #map}, {transform_indices = #map}]} {
    %mul3A = arith.constant 2 : i32
    %mul3A_0 = arith.muli %arg1, %mul3A : i32
    %add3A = arith.addi %mul3A_0, %arg0 : i32
    %mul3A_1 = arith.constant 40 : i32
    %mul3A_2 = arith.muli %add3A, %mul3A_1 : i32
    "tpu.region"() ({
      %run_scoped3A = tpu.sem_alloc : memref<!tpu.dma_semaphore, #tpu.memory_space<semaphore_mem>>
      %dma_start3A = arith.constant 0 : i32
      %dma_start3A_16 = tpu.memref_slice %arg3[%mul3A_2, %dma_start3A] : memref<1280x128xi32, #tpu.memory_space<hbm>> -> memref<40x128xi32, #tpu.memory_space<hbm>>
      %dma_start3A_17 = arith.constant 0 : i32
      %dma_start3A_18 = tpu.memref_slice %arg3[%mul3A_2, %dma_start3A_17] : memref<1280x128xi32, #tpu.memory_space<hbm>> -> memref<40x128xi32, #tpu.memory_space<hbm>>
      tpu.enqueue_dma source(%dma_start3A_18 : memref<40x128xi32, #tpu.memory_space<hbm>>) target(%arg5 : memref<40x128xi32, #tpu.memory_space<vmem>>) target_semaphore(%run_scoped3A : memref<!tpu.dma_semaphore, #tpu.memory_space<semaphore_mem>>)
      %dma_wait3A = arith.constant 0 : i32
      %dma_wait3A_19 = tpu.memref_slice %arg3[%mul3A_2, %dma_wait3A] : memref<1280x128xi32, #tpu.memory_space<hbm>> -> memref<40x128xi32, #tpu.memory_space<hbm>>
      %dma_wait3A_20 = arith.constant 0 : i32
      %dma_wait3A_21 = tpu.memref_slice %arg3[%mul3A_2, %dma_wait3A_20] : memref<1280x128xi32, #tpu.memory_space<hbm>> -> memref<40x128xi32, #tpu.memory_space<hbm>>
      tpu.wait_dma2 semaphore(%run_scoped3A : memref<!tpu.dma_semaphore, #tpu.memory_space<semaphore_mem>>) src(%dma_wait3A_21 : memref<40x128xi32, #tpu.memory_space<hbm>>) dst(%arg5 : memref<40x128xi32, #tpu.memory_space<vmem>>)
      tpu.yield
    }) : () -> ()
    %scan3A = arith.constant 0 : i32
    %scan3A_3 = arith.constant 0 : i32
    %scan3A_4 = arith.constant 40 : i32
    %scan3A_5 = arith.addi %scan3A_3, %scan3A_4 : i32
    %scan3A_6 = arith.constant 1 : i32
    scf.for %scan3A_16 = %scan3A_3 to %scan3A_5 step %scan3A_6  : i32 {
      %mul3A_17 = arith.constant 128 : i32
      %mul3A_18 = arith.muli %scan3A_16, %mul3A_17 : i32
      %dma_start3A = arith.constant 0 : i32
      %dma_start3A_19 = tpu.memref_slice %arg6[%mul3A_18, %dma_start3A] : memref<5120x16xf32, #tpu.memory_space<vmem>> -> memref<128x16xf32, #tpu.memory_space<vmem>>
      %dma_start3A_20 = arith.constant 0 : i32
      %dma_start3A_21 = tpu.memref_slice %arg5[%scan3A_16, %dma_start3A_20] : memref<40x128xi32, #tpu.memory_space<vmem>> -> memref<1x128xi32, #tpu.memory_space<vmem>>
      %dma_start3A_22 = tpu.memref_squeeze %dma_start3A_21 : memref<1x128xi32, #tpu.memory_space<vmem>> -> memref<128xi32, #tpu.memory_space<vmem>>
      %dma_start3A_23 = arith.constant 0 : i32
      %dma_start3A_24 = arith.constant 0 : i32
      %dma_start3A_25 = tpu.memref_slice %arg2[%dma_start3A_23, %dma_start3A_24] : memref<10000x16xf32, #tpu.memory_space<hbm>> -> memref<10000x16xf32, #tpu.memory_space<hbm>>
      tpu.enqueue_indirect_dma source(%dma_start3A_25 : memref<10000x16xf32, #tpu.memory_space<hbm>>) target(%dma_start3A_19 : memref<128x16xf32, #tpu.memory_space<vmem>>) offsets(%dma_start3A_22 : memref<128xi32, #tpu.memory_space<vmem>>) semaphore(%arg7 : memref<!tpu.dma_semaphore, #tpu.memory_space<semaphore_mem>>)
    }
    %scan3A_7 = arith.constant 40 : i32
    %scan3A_8 = arith.constant 0 : i32
    %scan3A_9 = arith.constant 0 : i32
    %scan3A_10 = arith.constant 40 : i32
    %scan3A_11 = arith.addi %scan3A_9, %scan3A_10 : i32
    %scan3A_12 = arith.constant 1 : i32
    scf.for %scan3A_16 = %scan3A_9 to %scan3A_11 step %scan3A_12  : i32 {
      %mul3A_17 = arith.constant 128 : i32
      %mul3A_18 = arith.muli %scan3A_16, %mul3A_17 : i32
      %dma_wait3A = arith.constant 0 : i32
      %dma_wait3A_19 = tpu.memref_slice %arg6[%mul3A_18, %dma_wait3A] : memref<5120x16xf32, #tpu.memory_space<vmem>> -> memref<128x16xf32, #tpu.memory_space<vmem>>
      %dma_wait3A_20 = arith.constant 0 : i32
      %dma_wait3A_21 = tpu.memref_slice %arg5[%scan3A_16, %dma_wait3A_20] : memref<40x128xi32, #tpu.memory_space<vmem>> -> memref<1x128xi32, #tpu.memory_space<vmem>>
      %dma_wait3A_22 = tpu.memref_squeeze %dma_wait3A_21 : memref<1x128xi32, #tpu.memory_space<vmem>> -> memref<128xi32, #tpu.memory_space<vmem>>
      %dma_wait3A_23 = arith.constant 0 : i32
      %dma_wait3A_24 = arith.constant 0 : i32
      %dma_wait3A_25 = tpu.memref_slice %arg2[%dma_wait3A_23, %dma_wait3A_24] : memref<10000x16xf32, #tpu.memory_space<hbm>> -> memref<10000x16xf32, #tpu.memory_space<hbm>>
      tpu.wait_indirect_dma semaphore(%arg7 : memref<!tpu.dma_semaphore, #tpu.memory_space<semaphore_mem>>) src(%dma_wait3A_25 : memref<10000x16xf32, #tpu.memory_space<hbm>>) dst(%dma_wait3A_19 : memref<128x16xf32, #tpu.memory_space<vmem>>)
    }
    %scan3A_13 = arith.constant 40 : i32
    %mul3A_14 = arith.constant 5120 : i32
    %mul3A_15 = arith.muli %add3A, %mul3A_14 : i32
    "tpu.region"() ({
      %run_scoped3A = tpu.sem_alloc : memref<!tpu.dma_semaphore, #tpu.memory_space<semaphore_mem>>
      %dma_start3A = arith.constant 0 : i32
      %dma_start3A_16 = tpu.memref_slice %arg4[%mul3A_15, %dma_start3A] : memref<163840x16xf32, #tpu.memory_space<hbm>> -> memref<5120x16xf32, #tpu.memory_space<hbm>>
      %dma_start3A_17 = arith.constant 0 : i32
      %dma_start3A_18 = tpu.memref_slice %arg4[%mul3A_15, %dma_start3A_17] : memref<163840x16xf32, #tpu.memory_space<hbm>> -> memref<5120x16xf32, #tpu.memory_space<hbm>>
      tpu.enqueue_dma source(%arg6 : memref<5120x16xf32, #tpu.memory_space<vmem>>) target(%dma_start3A_18 : memref<5120x16xf32, #tpu.memory_space<hbm>>) target_semaphore(%run_scoped3A : memref<!tpu.dma_semaphore, #tpu.memory_space<semaphore_mem>>)
      %dma_wait3A = arith.constant 0 : i32
      %dma_wait3A_19 = tpu.memref_slice %arg4[%mul3A_15, %dma_wait3A] : memref<163840x16xf32, #tpu.memory_space<hbm>> -> memref<5120x16xf32, #tpu.memory_space<hbm>>
      %dma_wait3A_20 = arith.constant 0 : i32
      %dma_wait3A_21 = tpu.memref_slice %arg4[%mul3A_15, %dma_wait3A_20] : memref<163840x16xf32, #tpu.memory_space<hbm>> -> memref<5120x16xf32, #tpu.memory_space<hbm>>
      tpu.wait_dma2 semaphore(%run_scoped3A : memref<!tpu.dma_semaphore, #tpu.memory_space<semaphore_mem>>) src(%arg6 : memref<5120x16xf32, #tpu.memory_space<vmem>>) dst(%dma_wait3A_21 : memref<5120x16xf32, #tpu.memory_space<hbm>>)
      tpu.yield
    }) : () -> ()
    return
  }
}

#map = affine_map<(d0, d1) -> (0, 0)>
#map1 = affine_map<(d0, d1) -> (0, 0, 0)>
module attributes {stable_mosaic.version = 14 : i64} {
  func.func @scatter(%arg0: i32, %arg1: i32, %arg2: memref<163840x32xf32, #tpu.memory_space<hbm>>, %arg3: memref<1280x128xi32, #tpu.memory_space<hbm>>, %arg4: memref<10000x32xf32, #tpu.memory_space<hbm>>, %arg5: memref<2x10000x32xf32, #tpu.memory_space<hbm>>, %arg6: memref<10000x32xf32, #tpu.memory_space<vmem_shared>>, %arg7: memref<40x128xi32, #tpu.memory_space<vmem>>, %arg8: memref<2560x32xf32, #tpu.memory_space<vmem>>, %arg9: memref<!tpu.dma_semaphore, #tpu.memory_space<semaphore_mem>>, %arg10: memref<!tpu.dma_semaphore, #tpu.memory_space<semaphore_mem>>) attributes {dimension_semantics = [#tpu.dimension_semantics<core_parallel>, #tpu.dimension_semantics<subcore_parallel>], iteration_bounds = array<i64: 2, 16>, scalar_prefetch = 0 : i64, scratch_operands = 5 : i64, tpu.core_type = #tpu.core_type<sc_vector_subcore>, window_params = [{transform_indices = #map}, {transform_indices = #map}, {transform_indices = #map}, {transform_indices = #map1}]} {
    %mul3A = arith.constant 2 : i32
    %mul3A_0 = arith.muli %arg1, %mul3A : i32
    %add3A = arith.addi %mul3A_0, %arg0 : i32
    %mul3A_1 = arith.constant 625 : i32
    %mul3A_2 = arith.muli %arg1, %mul3A_1 : i32
    %mul3A_3 = arith.constant 625 : i32
    %mul3A_4 = arith.muli %arg1, %mul3A_3 : i32
    "tpu.region"() ({
      %run_scoped3A = tpu.sem_alloc : memref<!tpu.dma_semaphore, #tpu.memory_space<semaphore_mem>>
      %dma_start3A = arith.constant 0 : i32
      %dma_start3A_17 = tpu.memref_slice %arg6[%mul3A_4, %dma_start3A] : memref<10000x32xf32, #tpu.memory_space<vmem_shared>> -> memref<625x32xf32, #tpu.memory_space<vmem_shared>>
      %dma_start3A_18 = arith.constant 0 : i32
      %dma_start3A_19 = tpu.memref_slice %arg4[%mul3A_2, %dma_start3A_18] : memref<10000x32xf32, #tpu.memory_space<hbm>> -> memref<625x32xf32, #tpu.memory_space<hbm>>
      tpu.enqueue_dma source(%dma_start3A_19 : memref<625x32xf32, #tpu.memory_space<hbm>>) target(%dma_start3A_17 : memref<625x32xf32, #tpu.memory_space<vmem_shared>>) target_semaphore(%run_scoped3A : memref<!tpu.dma_semaphore, #tpu.memory_space<semaphore_mem>>)
      %dma_wait3A = arith.constant 0 : i32
      %dma_wait3A_20 = tpu.memref_slice %arg6[%mul3A_4, %dma_wait3A] : memref<10000x32xf32, #tpu.memory_space<vmem_shared>> -> memref<625x32xf32, #tpu.memory_space<vmem_shared>>
      %dma_wait3A_21 = arith.constant 0 : i32
      %dma_wait3A_22 = tpu.memref_slice %arg4[%mul3A_2, %dma_wait3A_21] : memref<10000x32xf32, #tpu.memory_space<hbm>> -> memref<625x32xf32, #tpu.memory_space<hbm>>
      tpu.wait_dma2 semaphore(%run_scoped3A : memref<!tpu.dma_semaphore, #tpu.memory_space<semaphore_mem>>) src(%dma_wait3A_22 : memref<625x32xf32, #tpu.memory_space<hbm>>) dst(%dma_wait3A_20 : memref<625x32xf32, #tpu.memory_space<vmem_shared>>)
      tpu.yield
    }) : () -> ()
    %mul3A_5 = arith.constant 40 : i32
    %mul3A_6 = arith.muli %add3A, %mul3A_5 : i32
    "tpu.region"() ({
      %run_scoped3A = tpu.sem_alloc : memref<!tpu.dma_semaphore, #tpu.memory_space<semaphore_mem>>
      %dma_start3A = arith.constant 0 : i32
      %dma_start3A_17 = tpu.memref_slice %arg3[%mul3A_6, %dma_start3A] : memref<1280x128xi32, #tpu.memory_space<hbm>> -> memref<40x128xi32, #tpu.memory_space<hbm>>
      %dma_start3A_18 = arith.constant 0 : i32
      %dma_start3A_19 = tpu.memref_slice %arg3[%mul3A_6, %dma_start3A_18] : memref<1280x128xi32, #tpu.memory_space<hbm>> -> memref<40x128xi32, #tpu.memory_space<hbm>>
      tpu.enqueue_dma source(%dma_start3A_19 : memref<40x128xi32, #tpu.memory_space<hbm>>) target(%arg7 : memref<40x128xi32, #tpu.memory_space<vmem>>) target_semaphore(%run_scoped3A : memref<!tpu.dma_semaphore, #tpu.memory_space<semaphore_mem>>)
      %dma_wait3A = arith.constant 0 : i32
      %dma_wait3A_20 = tpu.memref_slice %arg3[%mul3A_6, %dma_wait3A] : memref<1280x128xi32, #tpu.memory_space<hbm>> -> memref<40x128xi32, #tpu.memory_space<hbm>>
      %dma_wait3A_21 = arith.constant 0 : i32
      %dma_wait3A_22 = tpu.memref_slice %arg3[%mul3A_6, %dma_wait3A_21] : memref<1280x128xi32, #tpu.memory_space<hbm>> -> memref<40x128xi32, #tpu.memory_space<hbm>>
      tpu.wait_dma2 semaphore(%run_scoped3A : memref<!tpu.dma_semaphore, #tpu.memory_space<semaphore_mem>>) src(%dma_wait3A_22 : memref<40x128xi32, #tpu.memory_space<hbm>>) dst(%arg7 : memref<40x128xi32, #tpu.memory_space<vmem>>)
      tpu.yield
    }) : () -> ()
    %barrier3A = arith.constant 0 : index
    tpu.barrier barrier_id(%barrier3A)
    %scan3A = arith.constant 0 : i32
    %scan3A_7 = arith.constant 0 : i32
    %scan3A_8 = arith.constant 2 : i32
    %scan3A_9 = arith.addi %scan3A_7, %scan3A_8 : i32
    %scan3A_10 = arith.constant 1 : i32
    scf.for %scan3A_17 = %scan3A_7 to %scan3A_9 step %scan3A_10  : i32 {
      %mul3A_18 = arith.constant 40 : i32
      %mul3A_19 = arith.muli %add3A, %mul3A_18 : i32
      %mul3A_20 = arith.constant 20 : i32
      %mul3A_21 = arith.muli %scan3A_17, %mul3A_20 : i32
      %add3A_22 = arith.addi %mul3A_19, %mul3A_21 : i32
      %mul3A_23 = arith.constant 128 : i32
      %mul3A_24 = arith.muli %add3A_22, %mul3A_23 : i32
      %dma_start3A = arith.constant 0 : i32
      %dma_start3A_25 = tpu.memref_slice %arg2[%mul3A_24, %dma_start3A] : memref<163840x32xf32, #tpu.memory_space<hbm>> -> memref<2560x32xf32, #tpu.memory_space<hbm>>
      %dma_start3A_26 = arith.constant 0 : i32
      %dma_start3A_27 = tpu.memref_slice %arg2[%mul3A_24, %dma_start3A_26] : memref<163840x32xf32, #tpu.memory_space<hbm>> -> memref<2560x32xf32, #tpu.memory_space<hbm>>
      tpu.enqueue_dma source(%dma_start3A_27 : memref<2560x32xf32, #tpu.memory_space<hbm>>) target(%arg8 : memref<2560x32xf32, #tpu.memory_space<vmem>>) target_semaphore(%arg9 : memref<!tpu.dma_semaphore, #tpu.memory_space<semaphore_mem>>)
      %dma_wait3A = arith.constant 0 : i32
      %dma_wait3A_28 = tpu.memref_slice %arg2[%mul3A_24, %dma_wait3A] : memref<163840x32xf32, #tpu.memory_space<hbm>> -> memref<2560x32xf32, #tpu.memory_space<hbm>>
      %dma_wait3A_29 = arith.constant 0 : i32
      %dma_wait3A_30 = tpu.memref_slice %arg2[%mul3A_24, %dma_wait3A_29] : memref<163840x32xf32, #tpu.memory_space<hbm>> -> memref<2560x32xf32, #tpu.memory_space<hbm>>
      tpu.wait_dma2 semaphore(%arg9 : memref<!tpu.dma_semaphore, #tpu.memory_space<semaphore_mem>>) src(%dma_wait3A_30 : memref<2560x32xf32, #tpu.memory_space<hbm>>) dst(%arg8 : memref<2560x32xf32, #tpu.memory_space<vmem>>)
      %scan3A_31 = arith.constant 0 : i32
      %scan3A_32 = arith.constant 0 : i32
      %scan3A_33 = arith.constant 20 : i32
      %scan3A_34 = arith.addi %scan3A_32, %scan3A_33 : i32
      %scan3A_35 = arith.constant 1 : i32
      scf.for %scan3A_43 = %scan3A_32 to %scan3A_34 step %scan3A_35  : i32 {
        %mul3A_44 = arith.constant 128 : i32
        %mul3A_45 = arith.muli %scan3A_43, %mul3A_44 : i32
        %mul3A_46 = arith.constant 20 : i32
        %mul3A_47 = arith.muli %scan3A_17, %mul3A_46 : i32
        %add3A_48 = arith.addi %mul3A_47, %scan3A_43 : i32
        %dma_start3A_49 = arith.constant 0 : i32
        %dma_start3A_50 = tpu.memref_slice %arg8[%mul3A_45, %dma_start3A_49] : memref<2560x32xf32, #tpu.memory_space<vmem>> -> memref<128x32xf32, #tpu.memory_space<vmem>>
        %dma_start3A_51 = arith.constant 0 : i32
        %dma_start3A_52 = tpu.memref_slice %arg7[%add3A_48, %dma_start3A_51] : memref<40x128xi32, #tpu.memory_space<vmem>> -> memref<1x128xi32, #tpu.memory_space<vmem>>
        %dma_start3A_53 = tpu.memref_squeeze %dma_start3A_52 : memref<1x128xi32, #tpu.memory_space<vmem>> -> memref<128xi32, #tpu.memory_space<vmem>>
        %dma_start3A_54 = arith.constant 0 : i32
        %dma_start3A_55 = arith.constant 0 : i32
        %dma_start3A_56 = tpu.memref_slice %arg6[%dma_start3A_54, %dma_start3A_55] : memref<10000x32xf32, #tpu.memory_space<vmem_shared>> -> memref<10000x32xf32, #tpu.memory_space<vmem_shared>>
        tpu.enqueue_indirect_dma source(%dma_start3A_50 : memref<128x32xf32, #tpu.memory_space<vmem>>) target(%dma_start3A_56 : memref<10000x32xf32, #tpu.memory_space<vmem_shared>>) offsets(%dma_start3A_53 : memref<128xi32, #tpu.memory_space<vmem>>) semaphore(%arg10 : memref<!tpu.dma_semaphore, #tpu.memory_space<semaphore_mem>>) {add = true}
      }
      %scan3A_36 = arith.constant 20 : i32
      %scan3A_37 = arith.constant 0 : i32
      %scan3A_38 = arith.constant 0 : i32
      %scan3A_39 = arith.constant 20 : i32
      %scan3A_40 = arith.addi %scan3A_38, %scan3A_39 : i32
      %scan3A_41 = arith.constant 1 : i32
      scf.for %scan3A_43 = %scan3A_38 to %scan3A_40 step %scan3A_41  : i32 {
        %mul3A_44 = arith.constant 128 : i32
        %mul3A_45 = arith.muli %scan3A_43, %mul3A_44 : i32
        %mul3A_46 = arith.constant 20 : i32
        %mul3A_47 = arith.muli %scan3A_17, %mul3A_46 : i32
        %add3A_48 = arith.addi %mul3A_47, %scan3A_43 : i32
        %dma_wait3A_49 = arith.constant 0 : i32
        %dma_wait3A_50 = tpu.memref_slice %arg8[%mul3A_45, %dma_wait3A_49] : memref<2560x32xf32, #tpu.memory_space<vmem>> -> memref<128x32xf32, #tpu.memory_space<vmem>>
        %dma_wait3A_51 = arith.constant 0 : i32
        %dma_wait3A_52 = tpu.memref_slice %arg7[%add3A_48, %dma_wait3A_51] : memref<40x128xi32, #tpu.memory_space<vmem>> -> memref<1x128xi32, #tpu.memory_space<vmem>>
        %dma_wait3A_53 = tpu.memref_squeeze %dma_wait3A_52 : memref<1x128xi32, #tpu.memory_space<vmem>> -> memref<128xi32, #tpu.memory_space<vmem>>
        %dma_wait3A_54 = arith.constant 0 : i32
        %dma_wait3A_55 = arith.constant 0 : i32
        %dma_wait3A_56 = tpu.memref_slice %arg6[%dma_wait3A_54, %dma_wait3A_55] : memref<10000x32xf32, #tpu.memory_space<vmem_shared>> -> memref<10000x32xf32, #tpu.memory_space<vmem_shared>>
        tpu.wait_indirect_dma semaphore(%arg10 : memref<!tpu.dma_semaphore, #tpu.memory_space<semaphore_mem>>) src(%dma_wait3A_50 : memref<128x32xf32, #tpu.memory_space<vmem>>) dst(%dma_wait3A_56 : memref<10000x32xf32, #tpu.memory_space<vmem_shared>>)
      }
      %scan3A_42 = arith.constant 20 : i32
    }
    %scan3A_11 = arith.constant 2 : i32
    %barrier3A_12 = arith.constant 0 : index
    tpu.barrier barrier_id(%barrier3A_12)
    %mul3A_13 = arith.constant 625 : i32
    %mul3A_14 = arith.muli %arg1, %mul3A_13 : i32
    %mul3A_15 = arith.constant 625 : i32
    %mul3A_16 = arith.muli %arg1, %mul3A_15 : i32
    "tpu.region"() ({
      %run_scoped3A = tpu.sem_alloc : memref<!tpu.dma_semaphore, #tpu.memory_space<semaphore_mem>>
      %dma_start3A = arith.constant 0 : i32
      %dma_start3A_17 = tpu.memref_slice %arg5[%arg0, %mul3A_16, %dma_start3A] : memref<2x10000x32xf32, #tpu.memory_space<hbm>> -> memref<1x625x32xf32, #tpu.memory_space<hbm>>
      %dma_start3A_18 = tpu.memref_squeeze %dma_start3A_17 : memref<1x625x32xf32, #tpu.memory_space<hbm>> -> memref<625x32xf32, #tpu.memory_space<hbm>>
      %dma_start3A_19 = arith.constant 0 : i32
      %dma_start3A_20 = tpu.memref_slice %arg6[%mul3A_14, %dma_start3A_19] : memref<10000x32xf32, #tpu.memory_space<vmem_shared>> -> memref<625x32xf32, #tpu.memory_space<vmem_shared>>
      tpu.enqueue_dma source(%dma_start3A_20 : memref<625x32xf32, #tpu.memory_space<vmem_shared>>) target(%dma_start3A_18 : memref<625x32xf32, #tpu.memory_space<hbm>>) target_semaphore(%run_scoped3A : memref<!tpu.dma_semaphore, #tpu.memory_space<semaphore_mem>>)
      %dma_wait3A = arith.constant 0 : i32
      %dma_wait3A_21 = tpu.memref_slice %arg5[%arg0, %mul3A_16, %dma_wait3A] : memref<2x10000x32xf32, #tpu.memory_space<hbm>> -> memref<1x625x32xf32, #tpu.memory_space<hbm>>
      %dma_wait3A_22 = tpu.memref_squeeze %dma_wait3A_21 : memref<1x625x32xf32, #tpu.memory_space<hbm>> -> memref<625x32xf32, #tpu.memory_space<hbm>>
      %dma_wait3A_23 = arith.constant 0 : i32
      %dma_wait3A_24 = tpu.memref_slice %arg6[%mul3A_14, %dma_wait3A_23] : memref<10000x32xf32, #tpu.memory_space<vmem_shared>> -> memref<625x32xf32, #tpu.memory_space<vmem_shared>>
      tpu.wait_dma2 semaphore(%run_scoped3A : memref<!tpu.dma_semaphore, #tpu.memory_space<semaphore_mem>>) src(%dma_wait3A_24 : memref<625x32xf32, #tpu.memory_space<vmem_shared>>) dst(%dma_wait3A_22 : memref<625x32xf32, #tpu.memory_space<hbm>>)
      tpu.yield
    }) : () -> ()
    return
  }
}

#map = affine_map<(d0, d1) -> (0, 0)>
#map1 = affine_map<(d0, d1) -> (0, 0, 0)>
module attributes {stable_mosaic.version = 14 : i64} {
  func.func @scatter(%arg0: i32, %arg1: i32, %arg2: memref<163840x32xf32, #tpu.memory_space<hbm>>, %arg3: memref<1280x128xi32, #tpu.memory_space<hbm>>, %arg4: memref<10000x32xf32, #tpu.memory_space<hbm>>, %arg5: memref<2x10000x32xf32, #tpu.memory_space<hbm>>, %arg6: memref<10000x32xf32, #tpu.memory_space<vmem_shared>>, %arg7: memref<40x128xi32, #tpu.memory_space<vmem>>, %arg8: memref<2560x32xf32, #tpu.memory_space<vmem>>, %arg9: memref<!tpu.dma_semaphore, #tpu.memory_space<semaphore_mem>>, %arg10: memref<!tpu.dma_semaphore, #tpu.memory_space<semaphore_mem>>) attributes {dimension_semantics = [#tpu.dimension_semantics<core_parallel>, #tpu.dimension_semantics<subcore_parallel>], iteration_bounds = array<i64: 2, 16>, scalar_prefetch = 0 : i64, scratch_operands = 5 : i64, tpu.core_type = #tpu.core_type<sc_vector_subcore>, window_params = [{transform_indices = #map}, {transform_indices = #map}, {transform_indices = #map}, {transform_indices = #map1}]} {
    %mul3A = arith.constant 2 : i32
    %mul3A_0 = arith.muli %arg1, %mul3A : i32
    %add3A = arith.addi %mul3A_0, %arg0 : i32
    %mul3A_1 = arith.constant 625 : i32
    %mul3A_2 = arith.muli %arg1, %mul3A_1 : i32
    %mul3A_3 = arith.constant 625 : i32
    %mul3A_4 = arith.muli %arg1, %mul3A_3 : i32
    "tpu.region"() ({
      %run_scoped3A = tpu.sem_alloc : memref<!tpu.dma_semaphore, #tpu.memory_space<semaphore_mem>>
      %dma_start3A = arith.constant 0 : i32
      %dma_start3A_17 = tpu.memref_slice %arg6[%mul3A_4, %dma_start3A] : memref<10000x32xf32, #tpu.memory_space<vmem_shared>> -> memref<625x32xf32, #tpu.memory_space<vmem_shared>>
      %dma_start3A_18 = arith.constant 0 : i32
      %dma_start3A_19 = tpu.memref_slice %arg4[%mul3A_2, %dma_start3A_18] : memref<10000x32xf32, #tpu.memory_space<hbm>> -> memref<625x32xf32, #tpu.memory_space<hbm>>
      tpu.enqueue_dma source(%dma_start3A_19 : memref<625x32xf32, #tpu.memory_space<hbm>>) target(%dma_start3A_17 : memref<625x32xf32, #tpu.memory_space<vmem_shared>>) target_semaphore(%run_scoped3A : memref<!tpu.dma_semaphore, #tpu.memory_space<semaphore_mem>>)
      %dma_wait3A = arith.constant 0 : i32
      %dma_wait3A_20 = tpu.memref_slice %arg6[%mul3A_4, %dma_wait3A] : memref<10000x32xf32, #tpu.memory_space<vmem_shared>> -> memref<625x32xf32, #tpu.memory_space<vmem_shared>>
      %dma_wait3A_21 = arith.constant 0 : i32
      %dma_wait3A_22 = tpu.memref_slice %arg4[%mul3A_2, %dma_wait3A_21] : memref<10000x32xf32, #tpu.memory_space<hbm>> -> memref<625x32xf32, #tpu.memory_space<hbm>>
      tpu.wait_dma2 semaphore(%run_scoped3A : memref<!tpu.dma_semaphore, #tpu.memory_space<semaphore_mem>>) src(%dma_wait3A_22 : memref<625x32xf32, #tpu.memory_space<hbm>>) dst(%dma_wait3A_20 : memref<625x32xf32, #tpu.memory_space<vmem_shared>>)
      tpu.yield
    }) : () -> ()
    %mul3A_5 = arith.constant 40 : i32
    %mul3A_6 = arith.muli %add3A, %mul3A_5 : i32
    "tpu.region"() ({
      %run_scoped3A = tpu.sem_alloc : memref<!tpu.dma_semaphore, #tpu.memory_space<semaphore_mem>>
      %dma_start3A = arith.constant 0 : i32
      %dma_start3A_17 = tpu.memref_slice %arg3[%mul3A_6, %dma_start3A] : memref<1280x128xi32, #tpu.memory_space<hbm>> -> memref<40x128xi32, #tpu.memory_space<hbm>>
      %dma_start3A_18 = arith.constant 0 : i32
      %dma_start3A_19 = tpu.memref_slice %arg3[%mul3A_6, %dma_start3A_18] : memref<1280x128xi32, #tpu.memory_space<hbm>> -> memref<40x128xi32, #tpu.memory_space<hbm>>
      tpu.enqueue_dma source(%dma_start3A_19 : memref<40x128xi32, #tpu.memory_space<hbm>>) target(%arg7 : memref<40x128xi32, #tpu.memory_space<vmem>>) target_semaphore(%run_scoped3A : memref<!tpu.dma_semaphore, #tpu.memory_space<semaphore_mem>>)
      %dma_wait3A = arith.constant 0 : i32
      %dma_wait3A_20 = tpu.memref_slice %arg3[%mul3A_6, %dma_wait3A] : memref<1280x128xi32, #tpu.memory_space<hbm>> -> memref<40x128xi32, #tpu.memory_space<hbm>>
      %dma_wait3A_21 = arith.constant 0 : i32
      %dma_wait3A_22 = tpu.memref_slice %arg3[%mul3A_6, %dma_wait3A_21] : memref<1280x128xi32, #tpu.memory_space<hbm>> -> memref<40x128xi32, #tpu.memory_space<hbm>>
      tpu.wait_dma2 semaphore(%run_scoped3A : memref<!tpu.dma_semaphore, #tpu.memory_space<semaphore_mem>>) src(%dma_wait3A_22 : memref<40x128xi32, #tpu.memory_space<hbm>>) dst(%arg7 : memref<40x128xi32, #tpu.memory_space<vmem>>)
      tpu.yield
    }) : () -> ()
    %barrier3A = arith.constant 0 : index
    tpu.barrier barrier_id(%barrier3A)
    %scan3A = arith.constant 0 : i32
    %scan3A_7 = arith.constant 0 : i32
    %scan3A_8 = arith.constant 2 : i32
    %scan3A_9 = arith.addi %scan3A_7, %scan3A_8 : i32
    %scan3A_10 = arith.constant 1 : i32
    scf.for %scan3A_17 = %scan3A_7 to %scan3A_9 step %scan3A_10  : i32 {
      %mul3A_18 = arith.constant 40 : i32
      %mul3A_19 = arith.muli %add3A, %mul3A_18 : i32
      %mul3A_20 = arith.constant 20 : i32
      %mul3A_21 = arith.muli %scan3A_17, %mul3A_20 : i32
      %add3A_22 = arith.addi %mul3A_19, %mul3A_21 : i32
      %mul3A_23 = arith.constant 128 : i32
      %mul3A_24 = arith.muli %add3A_22, %mul3A_23 : i32
      %dma_start3A = arith.constant 0 : i32
      %dma_start3A_25 = tpu.memref_slice %arg2[%mul3A_24, %dma_start3A] : memref<163840x32xf32, #tpu.memory_space<hbm>> -> memref<2560x32xf32, #tpu.memory_space<hbm>>
      %dma_start3A_26 = arith.constant 0 : i32
      %dma_start3A_27 = tpu.memref_slice %arg2[%mul3A_24, %dma_start3A_26] : memref<163840x32xf32, #tpu.memory_space<hbm>> -> memref<2560x32xf32, #tpu.memory_space<hbm>>
      tpu.enqueue_dma source(%dma_start3A_27 : memref<2560x32xf32, #tpu.memory_space<hbm>>) target(%arg8 : memref<2560x32xf32, #tpu.memory_space<vmem>>) target_semaphore(%arg9 : memref<!tpu.dma_semaphore, #tpu.memory_space<semaphore_mem>>)
      %dma_wait3A = arith.constant 0 : i32
      %dma_wait3A_28 = tpu.memref_slice %arg2[%mul3A_24, %dma_wait3A] : memref<163840x32xf32, #tpu.memory_space<hbm>> -> memref<2560x32xf32, #tpu.memory_space<hbm>>
      %dma_wait3A_29 = arith.constant 0 : i32
      %dma_wait3A_30 = tpu.memref_slice %arg2[%mul3A_24, %dma_wait3A_29] : memref<163840x32xf32, #tpu.memory_space<hbm>> -> memref<2560x32xf32, #tpu.memory_space<hbm>>
      tpu.wait_dma2 semaphore(%arg9 : memref<!tpu.dma_semaphore, #tpu.memory_space<semaphore_mem>>) src(%dma_wait3A_30 : memref<2560x32xf32, #tpu.memory_space<hbm>>) dst(%arg8 : memref<2560x32xf32, #tpu.memory_space<vmem>>)
      %scan3A_31 = arith.constant 0 : i32
      %scan3A_32 = arith.constant 0 : i32
      %scan3A_33 = arith.constant 20 : i32
      %scan3A_34 = arith.addi %scan3A_32, %scan3A_33 : i32
      %scan3A_35 = arith.constant 1 : i32
      scf.for %scan3A_43 = %scan3A_32 to %scan3A_34 step %scan3A_35  : i32 {
        %mul3A_44 = arith.constant 128 : i32
        %mul3A_45 = arith.muli %scan3A_43, %mul3A_44 : i32
        %mul3A_46 = arith.constant 20 : i32
        %mul3A_47 = arith.muli %scan3A_17, %mul3A_46 : i32
        %add3A_48 = arith.addi %mul3A_47, %scan3A_43 : i32
        %dma_start3A_49 = arith.constant 0 : i32
        %dma_start3A_50 = tpu.memref_slice %arg8[%mul3A_45, %dma_start3A_49] : memref<2560x32xf32, #tpu.memory_space<vmem>> -> memref<128x32xf32, #tpu.memory_space<vmem>>
        %dma_start3A_51 = arith.constant 0 : i32
        %dma_start3A_52 = tpu.memref_slice %arg7[%add3A_48, %dma_start3A_51] : memref<40x128xi32, #tpu.memory_space<vmem>> -> memref<1x128xi32, #tpu.memory_space<vmem>>
        %dma_start3A_53 = tpu.memref_squeeze %dma_start3A_52 : memref<1x128xi32, #tpu.memory_space<vmem>> -> memref<128xi32, #tpu.memory_space<vmem>>
        %dma_start3A_54 = arith.constant 0 : i32
        %dma_start3A_55 = arith.constant 0 : i32
        %dma_start3A_56 = tpu.memref_slice %arg6[%dma_start3A_54, %dma_start3A_55] : memref<10000x32xf32, #tpu.memory_space<vmem_shared>> -> memref<10000x32xf32, #tpu.memory_space<vmem_shared>>
        tpu.enqueue_indirect_dma source(%dma_start3A_50 : memref<128x32xf32, #tpu.memory_space<vmem>>) target(%dma_start3A_56 : memref<10000x32xf32, #tpu.memory_space<vmem_shared>>) offsets(%dma_start3A_53 : memref<128xi32, #tpu.memory_space<vmem>>) semaphore(%arg10 : memref<!tpu.dma_semaphore, #tpu.memory_space<semaphore_mem>>) {add = true}
      }
      %scan3A_36 = arith.constant 20 : i32
      %scan3A_37 = arith.constant 0 : i32
      %scan3A_38 = arith.constant 0 : i32
      %scan3A_39 = arith.constant 20 : i32
      %scan3A_40 = arith.addi %scan3A_38, %scan3A_39 : i32
      %scan3A_41 = arith.constant 1 : i32
      scf.for %scan3A_43 = %scan3A_38 to %scan3A_40 step %scan3A_41  : i32 {
        %mul3A_44 = arith.constant 128 : i32
        %mul3A_45 = arith.muli %scan3A_43, %mul3A_44 : i32
        %mul3A_46 = arith.constant 20 : i32
        %mul3A_47 = arith.muli %scan3A_17, %mul3A_46 : i32
        %add3A_48 = arith.addi %mul3A_47, %scan3A_43 : i32
        %dma_wait3A_49 = arith.constant 0 : i32
        %dma_wait3A_50 = tpu.memref_slice %arg8[%mul3A_45, %dma_wait3A_49] : memref<2560x32xf32, #tpu.memory_space<vmem>> -> memref<128x32xf32, #tpu.memory_space<vmem>>
        %dma_wait3A_51 = arith.constant 0 : i32
        %dma_wait3A_52 = tpu.memref_slice %arg7[%add3A_48, %dma_wait3A_51] : memref<40x128xi32, #tpu.memory_space<vmem>> -> memref<1x128xi32, #tpu.memory_space<vmem>>
        %dma_wait3A_53 = tpu.memref_squeeze %dma_wait3A_52 : memref<1x128xi32, #tpu.memory_space<vmem>> -> memref<128xi32, #tpu.memory_space<vmem>>
        %dma_wait3A_54 = arith.constant 0 : i32
        %dma_wait3A_55 = arith.constant 0 : i32
        %dma_wait3A_56 = tpu.memref_slice %arg6[%dma_wait3A_54, %dma_wait3A_55] : memref<10000x32xf32, #tpu.memory_space<vmem_shared>> -> memref<10000x32xf32, #tpu.memory_space<vmem_shared>>
        tpu.wait_indirect_dma semaphore(%arg10 : memref<!tpu.dma_semaphore, #tpu.memory_space<semaphore_mem>>) src(%dma_wait3A_50 : memref<128x32xf32, #tpu.memory_space<vmem>>) dst(%dma_wait3A_56 : memref<10000x32xf32, #tpu.memory_space<vmem_shared>>)
      }
      %scan3A_42 = arith.constant 20 : i32
    }
    %scan3A_11 = arith.constant 2 : i32
    %barrier3A_12 = arith.constant 0 : index
    tpu.barrier barrier_id(%barrier3A_12)
    %mul3A_13 = arith.constant 625 : i32
    %mul3A_14 = arith.muli %arg1, %mul3A_13 : i32
    %mul3A_15 = arith.constant 625 : i32
    %mul3A_16 = arith.muli %arg1, %mul3A_15 : i32
    "tpu.region"() ({
      %run_scoped3A = tpu.sem_alloc : memref<!tpu.dma_semaphore, #tpu.memory_space<semaphore_mem>>
      %dma_start3A = arith.constant 0 : i32
      %dma_start3A_17 = tpu.memref_slice %arg5[%arg0, %mul3A_16, %dma_start3A] : memref<2x10000x32xf32, #tpu.memory_space<hbm>> -> memref<1x625x32xf32, #tpu.memory_space<hbm>>
      %dma_start3A_18 = tpu.memref_squeeze %dma_start3A_17 : memref<1x625x32xf32, #tpu.memory_space<hbm>> -> memref<625x32xf32, #tpu.memory_space<hbm>>
      %dma_start3A_19 = arith.constant 0 : i32
      %dma_start3A_20 = tpu.memref_slice %arg6[%mul3A_14, %dma_start3A_19] : memref<10000x32xf32, #tpu.memory_space<vmem_shared>> -> memref<625x32xf32, #tpu.memory_space<vmem_shared>>
      tpu.enqueue_dma source(%dma_start3A_20 : memref<625x32xf32, #tpu.memory_space<vmem_shared>>) target(%dma_start3A_18 : memref<625x32xf32, #tpu.memory_space<hbm>>) target_semaphore(%run_scoped3A : memref<!tpu.dma_semaphore, #tpu.memory_space<semaphore_mem>>)
      %dma_wait3A = arith.constant 0 : i32
      %dma_wait3A_21 = tpu.memref_slice %arg5[%arg0, %mul3A_16, %dma_wait3A] : memref<2x10000x32xf32, #tpu.memory_space<hbm>> -> memref<1x625x32xf32, #tpu.memory_space<hbm>>
      %dma_wait3A_22 = tpu.memref_squeeze %dma_wait3A_21 : memref<1x625x32xf32, #tpu.memory_space<hbm>> -> memref<625x32xf32, #tpu.memory_space<hbm>>
      %dma_wait3A_23 = arith.constant 0 : i32
      %dma_wait3A_24 = tpu.memref_slice %arg6[%mul3A_14, %dma_wait3A_23] : memref<10000x32xf32, #tpu.memory_space<vmem_shared>> -> memref<625x32xf32, #tpu.memory_space<vmem_shared>>
      tpu.wait_dma2 semaphore(%run_scoped3A : memref<!tpu.dma_semaphore, #tpu.memory_space<semaphore_mem>>) src(%dma_wait3A_24 : memref<625x32xf32, #tpu.memory_space<vmem_shared>>) dst(%dma_wait3A_22 : memref<625x32xf32, #tpu.memory_space<hbm>>)
      tpu.yield
    }) : () -> ()
    return
  }
}

#map = affine_map<(d0, d1) -> (0, 0)>
module attributes {stable_mosaic.version = 14 : i64} {
  func.func @gather(%arg0: i32, %arg1: i32, %arg2: memref<10000x16xf32, #tpu.memory_space<hbm>>, %arg3: memref<1280x128xi32, #tpu.memory_space<hbm>>, %arg4: memref<163840x16xf32, #tpu.memory_space<hbm>>, %arg5: memref<40x128xi32, #tpu.memory_space<vmem>>, %arg6: memref<5120x16xf32, #tpu.memory_space<vmem>>, %arg7: memref<!tpu.dma_semaphore, #tpu.memory_space<semaphore_mem>>) attributes {dimension_semantics = [#tpu.dimension_semantics<core_parallel>, #tpu.dimension_semantics<subcore_parallel>], iteration_bounds = array<i64: 2, 16>, scalar_prefetch = 0 : i64, scratch_operands = 3 : i64, tpu.core_type = #tpu.core_type<sc_vector_subcore>, window_params = [{transform_indices = #map}, {transform_indices = #map}, {transform_indices = #map}]} {
    %mul3A = arith.constant 2 : i32
    %mul3A_0 = arith.muli %arg1, %mul3A : i32
    %add3A = arith.addi %mul3A_0, %arg0 : i32
    %mul3A_1 = arith.constant 40 : i32
    %mul3A_2 = arith.muli %add3A, %mul3A_1 : i32
    "tpu.region"() ({
      %run_scoped3A = tpu.sem_alloc : memref<!tpu.dma_semaphore, #tpu.memory_space<semaphore_mem>>
      %dma_start3A = arith.constant 0 : i32
      %dma_start3A_16 = tpu.memref_slice %arg3[%mul3A_2, %dma_start3A] : memref<1280x128xi32, #tpu.memory_space<hbm>> -> memref<40x128xi32, #tpu.memory_space<hbm>>
      %dma_start3A_17 = arith.constant 0 : i32
      %dma_start3A_18 = tpu.memref_slice %arg3[%mul3A_2, %dma_start3A_17] : memref<1280x128xi32, #tpu.memory_space<hbm>> -> memref<40x128xi32, #tpu.memory_space<hbm>>
      tpu.enqueue_dma source(%dma_start3A_18 : memref<40x128xi32, #tpu.memory_space<hbm>>) target(%arg5 : memref<40x128xi32, #tpu.memory_space<vmem>>) target_semaphore(%run_scoped3A : memref<!tpu.dma_semaphore, #tpu.memory_space<semaphore_mem>>)
      %dma_wait3A = arith.constant 0 : i32
      %dma_wait3A_19 = tpu.memref_slice %arg3[%mul3A_2, %dma_wait3A] : memref<1280x128xi32, #tpu.memory_space<hbm>> -> memref<40x128xi32, #tpu.memory_space<hbm>>
      %dma_wait3A_20 = arith.constant 0 : i32
      %dma_wait3A_21 = tpu.memref_slice %arg3[%mul3A_2, %dma_wait3A_20] : memref<1280x128xi32, #tpu.memory_space<hbm>> -> memref<40x128xi32, #tpu.memory_space<hbm>>
      tpu.wait_dma2 semaphore(%run_scoped3A : memref<!tpu.dma_semaphore, #tpu.memory_space<semaphore_mem>>) src(%dma_wait3A_21 : memref<40x128xi32, #tpu.memory_space<hbm>>) dst(%arg5 : memref<40x128xi32, #tpu.memory_space<vmem>>)
      tpu.yield
    }) : () -> ()
    %scan3A = arith.constant 0 : i32
    %scan3A_3 = arith.constant 0 : i32
    %scan3A_4 = arith.constant 40 : i32
    %scan3A_5 = arith.addi %scan3A_3, %scan3A_4 : i32
    %scan3A_6 = arith.constant 1 : i32
    scf.for %scan3A_16 = %scan3A_3 to %scan3A_5 step %scan3A_6  : i32 {
      %mul3A_17 = arith.constant 128 : i32
      %mul3A_18 = arith.muli %scan3A_16, %mul3A_17 : i32
      %dma_start3A = arith.constant 0 : i32
      %dma_start3A_19 = tpu.memref_slice %arg6[%mul3A_18, %dma_start3A] : memref<5120x16xf32, #tpu.memory_space<vmem>> -> memref<128x16xf32, #tpu.memory_space<vmem>>
      %dma_start3A_20 = arith.constant 0 : i32
      %dma_start3A_21 = tpu.memref_slice %arg5[%scan3A_16, %dma_start3A_20] : memref<40x128xi32, #tpu.memory_space<vmem>> -> memref<1x128xi32, #tpu.memory_space<vmem>>
      %dma_start3A_22 = tpu.memref_squeeze %dma_start3A_21 : memref<1x128xi32, #tpu.memory_space<vmem>> -> memref<128xi32, #tpu.memory_space<vmem>>
      %dma_start3A_23 = arith.constant 0 : i32
      %dma_start3A_24 = arith.constant 0 : i32
      %dma_start3A_25 = tpu.memref_slice %arg2[%dma_start3A_23, %dma_start3A_24] : memref<10000x16xf32, #tpu.memory_space<hbm>> -> memref<10000x16xf32, #tpu.memory_space<hbm>>
      tpu.enqueue_indirect_dma source(%dma_start3A_25 : memref<10000x16xf32, #tpu.memory_space<hbm>>) target(%dma_start3A_19 : memref<128x16xf32, #tpu.memory_space<vmem>>) offsets(%dma_start3A_22 : memref<128xi32, #tpu.memory_space<vmem>>) semaphore(%arg7 : memref<!tpu.dma_semaphore, #tpu.memory_space<semaphore_mem>>)
    }
    %scan3A_7 = arith.constant 40 : i32
    %scan3A_8 = arith.constant 0 : i32
    %scan3A_9 = arith.constant 0 : i32
    %scan3A_10 = arith.constant 40 : i32
    %scan3A_11 = arith.addi %scan3A_9, %scan3A_10 : i32
    %scan3A_12 = arith.constant 1 : i32
    scf.for %scan3A_16 = %scan3A_9 to %scan3A_11 step %scan3A_12  : i32 {
      %mul3A_17 = arith.constant 128 : i32
      %mul3A_18 = arith.muli %scan3A_16, %mul3A_17 : i32
      %dma_wait3A = arith.constant 0 : i32
      %dma_wait3A_19 = tpu.memref_slice %arg6[%mul3A_18, %dma_wait3A] : memref<5120x16xf32, #tpu.memory_space<vmem>> -> memref<128x16xf32, #tpu.memory_space<vmem>>
      %dma_wait3A_20 = arith.constant 0 : i32
      %dma_wait3A_21 = tpu.memref_slice %arg5[%scan3A_16, %dma_wait3A_20] : memref<40x128xi32, #tpu.memory_space<vmem>> -> memref<1x128xi32, #tpu.memory_space<vmem>>
      %dma_wait3A_22 = tpu.memref_squeeze %dma_wait3A_21 : memref<1x128xi32, #tpu.memory_space<vmem>> -> memref<128xi32, #tpu.memory_space<vmem>>
      %dma_wait3A_23 = arith.constant 0 : i32
      %dma_wait3A_24 = arith.constant 0 : i32
      %dma_wait3A_25 = tpu.memref_slice %arg2[%dma_wait3A_23, %dma_wait3A_24] : memref<10000x16xf32, #tpu.memory_space<hbm>> -> memref<10000x16xf32, #tpu.memory_space<hbm>>
      tpu.wait_indirect_dma semaphore(%arg7 : memref<!tpu.dma_semaphore, #tpu.memory_space<semaphore_mem>>) src(%dma_wait3A_25 : memref<10000x16xf32, #tpu.memory_space<hbm>>) dst(%dma_wait3A_19 : memref<128x16xf32, #tpu.memory_space<vmem>>)
    }
    %scan3A_13 = arith.constant 40 : i32
    %mul3A_14 = arith.constant 5120 : i32
    %mul3A_15 = arith.muli %add3A, %mul3A_14 : i32
    "tpu.region"() ({
      %run_scoped3A = tpu.sem_alloc : memref<!tpu.dma_semaphore, #tpu.memory_space<semaphore_mem>>
      %dma_start3A = arith.constant 0 : i32
      %dma_start3A_16 = tpu.memref_slice %arg4[%mul3A_15, %dma_start3A] : memref<163840x16xf32, #tpu.memory_space<hbm>> -> memref<5120x16xf32, #tpu.memory_space<hbm>>
      %dma_start3A_17 = arith.constant 0 : i32
      %dma_start3A_18 = tpu.memref_slice %arg4[%mul3A_15, %dma_start3A_17] : memref<163840x16xf32, #tpu.memory_space<hbm>> -> memref<5120x16xf32, #tpu.memory_space<hbm>>
      tpu.enqueue_dma source(%arg6 : memref<5120x16xf32, #tpu.memory_space<vmem>>) target(%dma_start3A_18 : memref<5120x16xf32, #tpu.memory_space<hbm>>) target_semaphore(%run_scoped3A : memref<!tpu.dma_semaphore, #tpu.memory_space<semaphore_mem>>)
      %dma_wait3A = arith.constant 0 : i32
      %dma_wait3A_19 = tpu.memref_slice %arg4[%mul3A_15, %dma_wait3A] : memref<163840x16xf32, #tpu.memory_space<hbm>> -> memref<5120x16xf32, #tpu.memory_space<hbm>>
      %dma_wait3A_20 = arith.constant 0 : i32
      %dma_wait3A_21 = tpu.memref_slice %arg4[%mul3A_15, %dma_wait3A_20] : memref<163840x16xf32, #tpu.memory_space<hbm>> -> memref<5120x16xf32, #tpu.memory_space<hbm>>
      tpu.wait_dma2 semaphore(%run_scoped3A : memref<!tpu.dma_semaphore, #tpu.memory_space<semaphore_mem>>) src(%arg6 : memref<5120x16xf32, #tpu.memory_space<vmem>>) dst(%dma_wait3A_21 : memref<5120x16xf32, #tpu.memory_space<hbm>>)
      tpu.yield
    }) : () -> ()
    return
  }
}

module attributes {stable_mosaic.version = 14 : i64} {
  func.func @_edge_msg_kernel(%arg0: i32, %arg1: memref<2048x16xf32, #tpu.memory_space<vmem>>, %arg2: memref<1x2048xf32, #tpu.memory_space<vmem>>, %arg3: memref<16x1xf32, #tpu.memory_space<vmem>>, %arg4: memref<16x1xf32, #tpu.memory_space<vmem>>, %arg5: memref<272x16xf32, #tpu.memory_space<vmem>>, %arg6: memref<2048x32xf32, #tpu.memory_space<vmem>>) attributes {dimension_semantics = [#tpu.dimension_semantics<arbitrary>], iteration_bounds = array<i64: 80>, scalar_prefetch = 0 : i64, scratch_operands = 0 : i64, tpu.core_type = #tpu.core_type<tc>, window_params = [{transform_indices = @transform_0, window_bounds = array<i64: 2048, 16>}, {transform_indices = @transform_1, window_bounds = array<i64: 1, 2048>}, {pipeline_mode = #tpu.pipeline_mode<synchronous>, transform_indices = @transform_2, window_bounds = array<i64: 16, 1>}, {pipeline_mode = #tpu.pipeline_mode<synchronous>, transform_indices = @transform_3, window_bounds = array<i64: 16, 1>}, {pipeline_mode = #tpu.pipeline_mode<synchronous>, transform_indices = @transform_4, window_bounds = array<i64: 272, 16>}, {transform_indices = @transform_5, window_bounds = array<i64: 2048, 32>}]} {
    %iota3A = tpu.iota {dimensions = array<i32: 0>} : vector<16x16xi32>
    %iota3A_0 = tpu.iota {dimensions = array<i32: 1>} : vector<16x16xi32>
    %add3A = arith.constant 0 : i32
    %add3A_1 = vector.broadcast %add3A : i32 to vector<16x16xi32>
    %add3A_2 = arith.addi %iota3A, %add3A_1 : vector<16x16xi32>
    %eq3A = arith.cmpi eq, %add3A_2, %iota3A_0 : vector<16x16xi32>
    %convert_element_type3A = arith.extui %eq3A : vector<16x16xi1> to vector<16x16xi32>
    %convert_element_type3A_3 = arith.sitofp %convert_element_type3A : vector<16x16xi32> to vector<16x16xf32>
    %get3A = arith.constant 0 : index
    %get3A_4 = arith.constant 0 : index
    %get3A_5 = vector.load %arg1[%get3A, %get3A_4] : memref<2048x16xf32, #tpu.memory_space<vmem>>, vector<2048x16xf32>
    %dot_general3A = arith.constant dense<0.000000e+00> : vector<16x2048xf32>
    %dot_general3A_6 = tpu.matmul %convert_element_type3A_3, %get3A_5, %dot_general3A {dimension_numbers = #tpu.dot_dimension_numbers<[1], [1], [0], [0], [0, 0, 1, 0], [], []>, transpose_lhs_hint = false} : vector<16x16xf32>, vector<2048x16xf32>, vector<16x2048xf32> -> vector<16x2048xf32>
    %get3A_7 = arith.constant 0 : index
    %get3A_8 = arith.constant 0 : index
    %get3A_9 = vector.load %arg2[%get3A_7, %get3A_8] : memref<1x2048xf32, #tpu.memory_space<vmem>>, vector<1x2048xf32>
    %get3A_10 = arith.constant 0 : index
    %get3A_11 = arith.constant 0 : index
    %get3A_12 = vector.load %arg3[%get3A_10, %get3A_11] : memref<16x1xf32, #tpu.memory_space<vmem>>, vector<16x1xf32>
    %mul3A = vector.broadcast %get3A_12 : vector<16x1xf32> to vector<16x2048xf32>
    %mul3A_13 = vector.broadcast %get3A_9 : vector<1x2048xf32> to vector<16x2048xf32>
    %mul3A_14 = arith.mulf %mul3A, %mul3A_13 : vector<16x2048xf32>
    %get3A_15 = arith.constant 0 : index
    %get3A_16 = arith.constant 0 : index
    %get3A_17 = vector.load %arg4[%get3A_15, %get3A_16] : memref<16x1xf32, #tpu.memory_space<vmem>>, vector<16x1xf32>
    %add3A_18 = vector.broadcast %get3A_17 : vector<16x1xf32> to vector<16x2048xf32>
    %add3A_19 = arith.addf %mul3A_14, %add3A_18 : vector<16x2048xf32>
    %max3A = arith.constant 0.000000e+00 : f32
    %max3A_20 = vector.broadcast %max3A : f32 to vector<16x2048xf32>
    %max3A_21 = arith.maximumf %add3A_19, %max3A_20 : vector<16x2048xf32>
    %get3A_22 = arith.constant 0 : index
    %get3A_23 = arith.constant 0 : index
    %get3A_24 = vector.load %arg5[%get3A_22, %get3A_23] : memref<272x16xf32, #tpu.memory_space<vmem>>, vector<272x16xf32>
    %dot_general3A_25 = arith.constant dense<0.000000e+00> : vector<272x2048xf32>
    %dot_general3A_26 = tpu.matmul %get3A_24, %dot_general3A_6, %dot_general3A_25 {dimension_numbers = #tpu.dot_dimension_numbers<[1], [0], [0], [1], [0, 0, 1, 1], [], []>, transpose_lhs_hint = false} : vector<272x16xf32>, vector<16x2048xf32>, vector<272x2048xf32> -> vector<272x2048xf32>
    %slice3A = vector.extract_strided_slice %dot_general3A_26 {offsets = [256, 0], sizes = [16, 2048], strides = [1, 1]} : vector<272x2048xf32> to vector<16x2048xf32>
    %slice3A_27 = vector.extract_strided_slice %max3A_21 {offsets = [0, 0], sizes = [1, 2048], strides = [1, 1]} : vector<16x2048xf32> to vector<1x2048xf32>
    %slice3A_28 = vector.extract_strided_slice %dot_general3A_26 {offsets = [0, 0], sizes = [16, 2048], strides = [1, 1]} : vector<272x2048xf32> to vector<16x2048xf32>
    %mul3A_29 = vector.broadcast %slice3A_27 : vector<1x2048xf32> to vector<16x2048xf32>
    %mul3A_30 = arith.mulf %mul3A_29, %slice3A_28 : vector<16x2048xf32>
    %add3A_31 = arith.addf %slice3A, %mul3A_30 : vector<16x2048xf32>
    %slice3A_32 = vector.extract_strided_slice %max3A_21 {offsets = [1, 0], sizes = [1, 2048], strides = [1, 1]} : vector<16x2048xf32> to vector<1x2048xf32>
    %slice3A_33 = vector.extract_strided_slice %dot_general3A_26 {offsets = [16, 0], sizes = [16, 2048], strides = [1, 1]} : vector<272x2048xf32> to vector<16x2048xf32>
    %mul3A_34 = vector.broadcast %slice3A_32 : vector<1x2048xf32> to vector<16x2048xf32>
    %mul3A_35 = arith.mulf %mul3A_34, %slice3A_33 : vector<16x2048xf32>
    %add3A_36 = arith.addf %add3A_31, %mul3A_35 : vector<16x2048xf32>
    %slice3A_37 = vector.extract_strided_slice %max3A_21 {offsets = [2, 0], sizes = [1, 2048], strides = [1, 1]} : vector<16x2048xf32> to vector<1x2048xf32>
    %slice3A_38 = vector.extract_strided_slice %dot_general3A_26 {offsets = [32, 0], sizes = [16, 2048], strides = [1, 1]} : vector<272x2048xf32> to vector<16x2048xf32>
    %mul3A_39 = vector.broadcast %slice3A_37 : vector<1x2048xf32> to vector<16x2048xf32>
    %mul3A_40 = arith.mulf %mul3A_39, %slice3A_38 : vector<16x2048xf32>
    %add3A_41 = arith.addf %add3A_36, %mul3A_40 : vector<16x2048xf32>
    %slice3A_42 = vector.extract_strided_slice %max3A_21 {offsets = [3, 0], sizes = [1, 2048], strides = [1, 1]} : vector<16x2048xf32> to vector<1x2048xf32>
    %slice3A_43 = vector.extract_strided_slice %dot_general3A_26 {offsets = [48, 0], sizes = [16, 2048], strides = [1, 1]} : vector<272x2048xf32> to vector<16x2048xf32>
    %mul3A_44 = vector.broadcast %slice3A_42 : vector<1x2048xf32> to vector<16x2048xf32>
    %mul3A_45 = arith.mulf %mul3A_44, %slice3A_43 : vector<16x2048xf32>
    %add3A_46 = arith.addf %add3A_41, %mul3A_45 : vector<16x2048xf32>
    %slice3A_47 = vector.extract_strided_slice %max3A_21 {offsets = [4, 0], sizes = [1, 2048], strides = [1, 1]} : vector<16x2048xf32> to vector<1x2048xf32>
    %slice3A_48 = vector.extract_strided_slice %dot_general3A_26 {offsets = [64, 0], sizes = [16, 2048], strides = [1, 1]} : vector<272x2048xf32> to vector<16x2048xf32>
    %mul3A_49 = vector.broadcast %slice3A_47 : vector<1x2048xf32> to vector<16x2048xf32>
    %mul3A_50 = arith.mulf %mul3A_49, %slice3A_48 : vector<16x2048xf32>
    %add3A_51 = arith.addf %add3A_46, %mul3A_50 : vector<16x2048xf32>
    %slice3A_52 = vector.extract_strided_slice %max3A_21 {offsets = [5, 0], sizes = [1, 2048], strides = [1, 1]} : vector<16x2048xf32> to vector<1x2048xf32>
    %slice3A_53 = vector.extract_strided_slice %dot_general3A_26 {offsets = [80, 0], sizes = [16, 2048], strides = [1, 1]} : vector<272x2048xf32> to vector<16x2048xf32>
    %mul3A_54 = vector.broadcast %slice3A_52 : vector<1x2048xf32> to vector<16x2048xf32>
    %mul3A_55 = arith.mulf %mul3A_54, %slice3A_53 : vector<16x2048xf32>
    %add3A_56 = arith.addf %add3A_51, %mul3A_55 : vector<16x2048xf32>
    %slice3A_57 = vector.extract_strided_slice %max3A_21 {offsets = [6, 0], sizes = [1, 2048], strides = [1, 1]} : vector<16x2048xf32> to vector<1x2048xf32>
    %slice3A_58 = vector.extract_strided_slice %dot_general3A_26 {offsets = [96, 0], sizes = [16, 2048], strides = [1, 1]} : vector<272x2048xf32> to vector<16x2048xf32>
    %mul3A_59 = vector.broadcast %slice3A_57 : vector<1x2048xf32> to vector<16x2048xf32>
    %mul3A_60 = arith.mulf %mul3A_59, %slice3A_58 : vector<16x2048xf32>
    %add3A_61 = arith.addf %add3A_56, %mul3A_60 : vector<16x2048xf32>
    %slice3A_62 = vector.extract_strided_slice %max3A_21 {offsets = [7, 0], sizes = [1, 2048], strides = [1, 1]} : vector<16x2048xf32> to vector<1x2048xf32>
    %slice3A_63 = vector.extract_strided_slice %dot_general3A_26 {offsets = [112, 0], sizes = [16, 2048], strides = [1, 1]} : vector<272x2048xf32> to vector<16x2048xf32>
    %mul3A_64 = vector.broadcast %slice3A_62 : vector<1x2048xf32> to vector<16x2048xf32>
    %mul3A_65 = arith.mulf %mul3A_64, %slice3A_63 : vector<16x2048xf32>
    %add3A_66 = arith.addf %add3A_61, %mul3A_65 : vector<16x2048xf32>
    %slice3A_67 = vector.extract_strided_slice %max3A_21 {offsets = [8, 0], sizes = [1, 2048], strides = [1, 1]} : vector<16x2048xf32> to vector<1x2048xf32>
    %slice3A_68 = vector.extract_strided_slice %dot_general3A_26 {offsets = [128, 0], sizes = [16, 2048], strides = [1, 1]} : vector<272x2048xf32> to vector<16x2048xf32>
    %mul3A_69 = vector.broadcast %slice3A_67 : vector<1x2048xf32> to vector<16x2048xf32>
    %mul3A_70 = arith.mulf %mul3A_69, %slice3A_68 : vector<16x2048xf32>
    %add3A_71 = arith.addf %add3A_66, %mul3A_70 : vector<16x2048xf32>
    %slice3A_72 = vector.extract_strided_slice %max3A_21 {offsets = [9, 0], sizes = [1, 2048], strides = [1, 1]} : vector<16x2048xf32> to vector<1x2048xf32>
    %slice3A_73 = vector.extract_strided_slice %dot_general3A_26 {offsets = [144, 0], sizes = [16, 2048], strides = [1, 1]} : vector<272x2048xf32> to vector<16x2048xf32>
    %mul3A_74 = vector.broadcast %slice3A_72 : vector<1x2048xf32> to vector<16x2048xf32>
    %mul3A_75 = arith.mulf %mul3A_74, %slice3A_73 : vector<16x2048xf32>
    %add3A_76 = arith.addf %add3A_71, %mul3A_75 : vector<16x2048xf32>
    %slice3A_77 = vector.extract_strided_slice %max3A_21 {offsets = [10, 0], sizes = [1, 2048], strides = [1, 1]} : vector<16x2048xf32> to vector<1x2048xf32>
    %slice3A_78 = vector.extract_strided_slice %dot_general3A_26 {offsets = [160, 0], sizes = [16, 2048], strides = [1, 1]} : vector<272x2048xf32> to vector<16x2048xf32>
    %mul3A_79 = vector.broadcast %slice3A_77 : vector<1x2048xf32> to vector<16x2048xf32>
    %mul3A_80 = arith.mulf %mul3A_79, %slice3A_78 : vector<16x2048xf32>
    %add3A_81 = arith.addf %add3A_76, %mul3A_80 : vector<16x2048xf32>
    %slice3A_82 = vector.extract_strided_slice %max3A_21 {offsets = [11, 0], sizes = [1, 2048], strides = [1, 1]} : vector<16x2048xf32> to vector<1x2048xf32>
    %slice3A_83 = vector.extract_strided_slice %dot_general3A_26 {offsets = [176, 0], sizes = [16, 2048], strides = [1, 1]} : vector<272x2048xf32> to vector<16x2048xf32>
    %mul3A_84 = vector.broadcast %slice3A_82 : vector<1x2048xf32> to vector<16x2048xf32>
    %mul3A_85 = arith.mulf %mul3A_84, %slice3A_83 : vector<16x2048xf32>
    %add3A_86 = arith.addf %add3A_81, %mul3A_85 : vector<16x2048xf32>
    %slice3A_87 = vector.extract_strided_slice %max3A_21 {offsets = [12, 0], sizes = [1, 2048], strides = [1, 1]} : vector<16x2048xf32> to vector<1x2048xf32>
    %slice3A_88 = vector.extract_strided_slice %dot_general3A_26 {offsets = [192, 0], sizes = [16, 2048], strides = [1, 1]} : vector<272x2048xf32> to vector<16x2048xf32>
    %mul3A_89 = vector.broadcast %slice3A_87 : vector<1x2048xf32> to vector<16x2048xf32>
    %mul3A_90 = arith.mulf %mul3A_89, %slice3A_88 : vector<16x2048xf32>
    %add3A_91 = arith.addf %add3A_86, %mul3A_90 : vector<16x2048xf32>
    %slice3A_92 = vector.extract_strided_slice %max3A_21 {offsets = [13, 0], sizes = [1, 2048], strides = [1, 1]} : vector<16x2048xf32> to vector<1x2048xf32>
    %slice3A_93 = vector.extract_strided_slice %dot_general3A_26 {offsets = [208, 0], sizes = [16, 2048], strides = [1, 1]} : vector<272x2048xf32> to vector<16x2048xf32>
    %mul3A_94 = vector.broadcast %slice3A_92 : vector<1x2048xf32> to vector<16x2048xf32>
    %mul3A_95 = arith.mulf %mul3A_94, %slice3A_93 : vector<16x2048xf32>
    %add3A_96 = arith.addf %add3A_91, %mul3A_95 : vector<16x2048xf32>
    %slice3A_97 = vector.extract_strided_slice %max3A_21 {offsets = [14, 0], sizes = [1, 2048], strides = [1, 1]} : vector<16x2048xf32> to vector<1x2048xf32>
    %slice3A_98 = vector.extract_strided_slice %dot_general3A_26 {offsets = [224, 0], sizes = [16, 2048], strides = [1, 1]} : vector<272x2048xf32> to vector<16x2048xf32>
    %mul3A_99 = vector.broadcast %slice3A_97 : vector<1x2048xf32> to vector<16x2048xf32>
    %mul3A_100 = arith.mulf %mul3A_99, %slice3A_98 : vector<16x2048xf32>
    %add3A_101 = arith.addf %add3A_96, %mul3A_100 : vector<16x2048xf32>
    %slice3A_102 = vector.extract_strided_slice %max3A_21 {offsets = [15, 0], sizes = [1, 2048], strides = [1, 1]} : vector<16x2048xf32> to vector<1x2048xf32>
    %slice3A_103 = vector.extract_strided_slice %dot_general3A_26 {offsets = [240, 0], sizes = [16, 2048], strides = [1, 1]} : vector<272x2048xf32> to vector<16x2048xf32>
    %mul3A_104 = vector.broadcast %slice3A_102 : vector<1x2048xf32> to vector<16x2048xf32>
    %mul3A_105 = arith.mulf %mul3A_104, %slice3A_103 : vector<16x2048xf32>
    %add3A_106 = arith.addf %add3A_101, %mul3A_105 : vector<16x2048xf32>
    %mul3A_107 = arith.constant 2048 : i32
    %mul3A_108 = arith.muli %arg0, %mul3A_107 : i32
    %iota3A_109 = tpu.iota {dimensions = array<i32: 1>} : vector<1x2048xi32>
    %add3A_110 = vector.broadcast %mul3A_108 : i32 to vector<1x2048xi32>
    %add3A_111 = arith.addi %add3A_110, %iota3A_109 : vector<1x2048xi32>
    %lt3A = arith.constant 160000 : i32
    %lt3A_112 = vector.broadcast %lt3A : i32 to vector<1x2048xi32>
    %lt3A_113 = arith.cmpi slt, %add3A_111, %lt3A_112 : vector<1x2048xi32>
    %convert_element_type3A_114 = arith.extui %lt3A_113 : vector<1x2048xi1> to vector<1x2048xi32>
    %convert_element_type3A_115 = arith.sitofp %convert_element_type3A_114 : vector<1x2048xi32> to vector<1x2048xf32>
    %mul3A_116 = vector.broadcast %convert_element_type3A_115 : vector<1x2048xf32> to vector<16x2048xf32>
    %mul3A_117 = arith.mulf %add3A_106, %mul3A_116 : vector<16x2048xf32>
    %broadcast_in_dim3A = arith.constant 0.000000e+00 : f32
    %broadcast_in_dim3A_118 = vector.broadcast %broadcast_in_dim3A : f32 to vector<15x2048xf32>
    %concatenate3A = tpu.concatenate %mul3A_117, %convert_element_type3A_115, %broadcast_in_dim3A_118 in 0 : vector<16x2048xf32>, vector<1x2048xf32>, vector<15x2048xf32> -> vector<32x2048xf32>
    %iota3A_119 = tpu.iota {dimensions = array<i32: 0>} : vector<32x32xi32>
    %iota3A_120 = tpu.iota {dimensions = array<i32: 1>} : vector<32x32xi32>
    %add3A_121 = arith.constant 0 : i32
    %add3A_122 = vector.broadcast %add3A_121 : i32 to vector<32x32xi32>
    %add3A_123 = arith.addi %iota3A_119, %add3A_122 : vector<32x32xi32>
    %eq3A_124 = arith.cmpi eq, %add3A_123, %iota3A_120 : vector<32x32xi32>
    %convert_element_type3A_125 = arith.extui %eq3A_124 : vector<32x32xi1> to vector<32x32xi32>
    %convert_element_type3A_126 = arith.sitofp %convert_element_type3A_125 : vector<32x32xi32> to vector<32x32xf32>
    %dot_general3A_127 = arith.constant dense<0.000000e+00> : vector<2048x32xf32>
    %dot_general3A_128 = tpu.matmul %concatenate3A, %convert_element_type3A_126, %dot_general3A_127 {dimension_numbers = #tpu.dot_dimension_numbers<[0], [0], [1], [1], [0, 1, 1, 1], [], []>, transpose_lhs_hint = false} : vector<32x2048xf32>, vector<32x32xf32>, vector<2048x32xf32> -> vector<2048x32xf32>
    %swap3A = arith.constant 0 : index
    %swap3A_129 = arith.constant 0 : index
    %swap3A_130 = vector.load %arg6[%swap3A, %swap3A_129] : memref<2048x32xf32, #tpu.memory_space<vmem>>, vector<2048x32xf32>
    tpu.vector_store %arg6[%swap3A, %swap3A_129], %dot_general3A_128 {strides = array<i32>} : memref<2048x32xf32, #tpu.memory_space<vmem>>, vector<2048x32xf32>,
    return
  }
  func.func @transform_0(%arg0: i32) -> (i32, i32) {
    %c0_i32 = arith.constant 0 : i32
    %c0_i32_0 = arith.constant 0 : i32
    return %arg0, %c0_i32 : i32, i32
  }
  func.func @transform_1(%arg0: i32) -> (i32, i32) {
    %c0_i32 = arith.constant 0 : i32
    %c0_i32_0 = arith.constant 0 : i32
    return %c0_i32, %arg0 : i32, i32
  }
  func.func @transform_2(%arg0: i32) -> (i32, i32) {
    %c0_i32 = arith.constant 0 : i32
    %c0_i32_0 = arith.constant 0 : i32
    %c0_i32_1 = arith.constant 0 : i32
    return %c0_i32, %c0_i32_0 : i32, i32
  }
  func.func @transform_3(%arg0: i32) -> (i32, i32) {
    %c0_i32 = arith.constant 0 : i32
    %c0_i32_0 = arith.constant 0 : i32
    %c0_i32_1 = arith.constant 0 : i32
    return %c0_i32, %c0_i32_0 : i32, i32
  }
  func.func @transform_4(%arg0: i32) -> (i32, i32) {
    %c0_i32 = arith.constant 0 : i32
    %c0_i32_0 = arith.constant 0 : i32
    %c0_i32_1 = arith.constant 0 : i32
    return %c0_i32, %c0_i32_0 : i32, i32
  }
  func.func @transform_5(%arg0: i32) -> (i32, i32) {
    %c0_i32 = arith.constant 0 : i32
    %c0_i32_0 = arith.constant 0 : i32
    return %arg0, %c0_i32 : i32, i32
  }
}

module attributes {stable_mosaic.version = 14 : i64} {
  func.func @_node1_kernel(%arg0: i32, %arg1: memref<2000x32xf32, #tpu.memory_space<vmem>>, %arg2: memref<2000x32xf32, #tpu.memory_space<vmem>>, %arg3: memref<2000x16xf32, #tpu.memory_space<vmem>>, %arg4: memref<16x16xf32, #tpu.memory_space<vmem>>, %arg5: memref<1x16xf32, #tpu.memory_space<vmem>>, %arg6: memref<2000x16xf32, #tpu.memory_space<vmem>>, %arg7: memref<2000x1xf32, #tpu.memory_space<vmem>>) attributes {dimension_semantics = [#tpu.dimension_semantics<arbitrary>], iteration_bounds = array<i64: 5>, scalar_prefetch = 0 : i64, scratch_operands = 0 : i64, tpu.core_type = #tpu.core_type<tc>, window_params = [{transform_indices = @transform_0, window_bounds = array<i64: 2000, 32>}, {transform_indices = @transform_1, window_bounds = array<i64: 2000, 32>}, {transform_indices = @transform_2, window_bounds = array<i64: 2000, 16>}, {pipeline_mode = #tpu.pipeline_mode<synchronous>, transform_indices = @transform_3, window_bounds = array<i64: 16, 16>}, {pipeline_mode = #tpu.pipeline_mode<synchronous>, transform_indices = @transform_4, window_bounds = array<i64: 1, 16>}, {transform_indices = @transform_5, window_bounds = array<i64: 2000, 16>}, {transform_indices = @transform_6, window_bounds = array<i64: 2000, 1>}]} {
    %get3A = arith.constant 0 : index
    %get3A_0 = arith.constant 0 : index
    %get3A_1 = vector.load %arg1[%get3A, %get3A_0] : memref<2000x32xf32, #tpu.memory_space<vmem>>, vector<2000x32xf32>
    %get3A_2 = arith.constant 0 : index
    %get3A_3 = arith.constant 0 : index
    %get3A_4 = vector.load %arg2[%get3A_2, %get3A_3] : memref<2000x32xf32, #tpu.memory_space<vmem>>, vector<2000x32xf32>
    %add3A = arith.addf %get3A_1, %get3A_4 : vector<2000x32xf32>
    %slice3A = vector.extract_strided_slice %add3A {offsets = [0, 16], sizes = [2000, 1], strides = [1, 1]} : vector<2000x32xf32> to vector<2000x1xf32>
    %slice3A_5 = vector.extract_strided_slice %add3A {offsets = [0, 0], sizes = [2000, 16], strides = [1, 1]} : vector<2000x32xf32> to vector<2000x16xf32>
    %max3A = arith.constant 1.000000e+00 : f32
    %max3A_6 = vector.broadcast %max3A : f32 to vector<2000x1xf32>
    %max3A_7 = arith.maximumf %slice3A, %max3A_6 : vector<2000x1xf32>
    %div3A = vector.broadcast %max3A_7 : vector<2000x1xf32> to vector<2000x16xf32>
    %div3A_8 = arith.divf %slice3A_5, %div3A : vector<2000x16xf32>
    %get3A_9 = arith.constant 0 : index
    %get3A_10 = arith.constant 0 : index
    %get3A_11 = vector.load %arg3[%get3A_9, %get3A_10] : memref<2000x16xf32, #tpu.memory_space<vmem>>, vector<2000x16xf32>
    %get3A_12 = arith.constant 0 : index
    %get3A_13 = arith.constant 0 : index
    %get3A_14 = vector.load %arg4[%get3A_12, %get3A_13] : memref<16x16xf32, #tpu.memory_space<vmem>>, vector<16x16xf32>
    %dot_general3A = arith.constant dense<0.000000e+00> : vector<2000x16xf32>
    %dot_general3A_15 = tpu.matmul %get3A_11, %get3A_14, %dot_general3A {dimension_numbers = #tpu.dot_dimension_numbers<[1], [0], [0], [1], [0, 0, 1, 1], [], []>, transpose_lhs_hint = false} : vector<2000x16xf32>, vector<16x16xf32>, vector<2000x16xf32> -> vector<2000x16xf32>
    %add3A_16 = arith.addf %dot_general3A_15, %div3A_8 : vector<2000x16xf32>
    %get3A_17 = arith.constant 0 : index
    %get3A_18 = arith.constant 0 : index
    %get3A_19 = vector.load %arg5[%get3A_17, %get3A_18] : memref<1x16xf32, #tpu.memory_space<vmem>>, vector<1x16xf32>
    %add3A_20 = vector.broadcast %get3A_19 : vector<1x16xf32> to vector<2000x16xf32>
    %add3A_21 = arith.addf %add3A_16, %add3A_20 : vector<2000x16xf32>
    %max3A_22 = arith.constant 0.000000e+00 : f32
    %max3A_23 = vector.broadcast %max3A_22 : f32 to vector<2000x16xf32>
    %max3A_24 = arith.maximumf %add3A_21, %max3A_23 : vector<2000x16xf32>
    %swap3A = arith.constant 0 : index
    %swap3A_25 = arith.constant 0 : index
    %swap3A_26 = vector.load %arg6[%swap3A, %swap3A_25] : memref<2000x16xf32, #tpu.memory_space<vmem>>, vector<2000x16xf32>
    tpu.vector_store %arg6[%swap3A, %swap3A_25], %max3A_24 {strides = array<i32>} : memref<2000x16xf32, #tpu.memory_space<vmem>>, vector<2000x16xf32>,
    %swap3A_27 = arith.constant 0 : index
    %swap3A_28 = arith.constant 0 : index
    %swap3A_29 = vector.load %arg7[%swap3A_27, %swap3A_28] : memref<2000x1xf32, #tpu.memory_space<vmem>>, vector<2000x1xf32>
    tpu.vector_store %arg7[%swap3A_27, %swap3A_28], %slice3A {strides = array<i32>} : memref<2000x1xf32, #tpu.memory_space<vmem>>, vector<2000x1xf32>,
    return
  }
  func.func @transform_0(%arg0: i32) -> (i32, i32) {
    %c0_i32 = arith.constant 0 : i32
    %c0_i32_0 = arith.constant 0 : i32
    return %arg0, %c0_i32 : i32, i32
  }
  func.func @transform_1(%arg0: i32) -> (i32, i32) {
    %c0_i32 = arith.constant 0 : i32
    %c0_i32_0 = arith.constant 0 : i32
    return %arg0, %c0_i32 : i32, i32
  }
  func.func @transform_2(%arg0: i32) -> (i32, i32) {
    %c0_i32 = arith.constant 0 : i32
    %c0_i32_0 = arith.constant 0 : i32
    return %arg0, %c0_i32 : i32, i32
  }
  func.func @transform_3(%arg0: i32) -> (i32, i32) {
    %c0_i32 = arith.constant 0 : i32
    %c0_i32_0 = arith.constant 0 : i32
    %c0_i32_1 = arith.constant 0 : i32
    return %c0_i32, %c0_i32_0 : i32, i32
  }
  func.func @transform_4(%arg0: i32) -> (i32, i32) {
    %c0_i32 = arith.constant 0 : i32
    %c0_i32_0 = arith.constant 0 : i32
    %c0_i32_1 = arith.constant 0 : i32
    return %c0_i32, %c0_i32_0 : i32, i32
  }
  func.func @transform_5(%arg0: i32) -> (i32, i32) {
    %c0_i32 = arith.constant 0 : i32
    %c0_i32_0 = arith.constant 0 : i32
    return %arg0, %c0_i32 : i32, i32
  }
  func.func @transform_6(%arg0: i32) -> (i32, i32) {
    %c0_i32 = arith.constant 0 : i32
    %c0_i32_0 = arith.constant 0 : i32
    return %arg0, %c0_i32 : i32, i32
  }
}

module attributes {stable_mosaic.version = 14 : i64} {
  func.func @_edge_msg_kernel(%arg0: i32, %arg1: memref<2048x16xf32, #tpu.memory_space<vmem>>, %arg2: memref<1x2048xf32, #tpu.memory_space<vmem>>, %arg3: memref<16x1xf32, #tpu.memory_space<vmem>>, %arg4: memref<16x1xf32, #tpu.memory_space<vmem>>, %arg5: memref<544x16xf32, #tpu.memory_space<vmem>>, %arg6: memref<2048x32xf32, #tpu.memory_space<vmem>>) attributes {dimension_semantics = [#tpu.dimension_semantics<arbitrary>], iteration_bounds = array<i64: 80>, scalar_prefetch = 0 : i64, scratch_operands = 0 : i64, tpu.core_type = #tpu.core_type<tc>, window_params = [{transform_indices = @transform_0, window_bounds = array<i64: 2048, 16>}, {transform_indices = @transform_1, window_bounds = array<i64: 1, 2048>}, {pipeline_mode = #tpu.pipeline_mode<synchronous>, transform_indices = @transform_2, window_bounds = array<i64: 16, 1>}, {pipeline_mode = #tpu.pipeline_mode<synchronous>, transform_indices = @transform_3, window_bounds = array<i64: 16, 1>}, {pipeline_mode = #tpu.pipeline_mode<synchronous>, transform_indices = @transform_4, window_bounds = array<i64: 544, 16>}, {transform_indices = @transform_5, window_bounds = array<i64: 2048, 32>}]} {
    %iota3A = tpu.iota {dimensions = array<i32: 0>} : vector<16x16xi32>
    %iota3A_0 = tpu.iota {dimensions = array<i32: 1>} : vector<16x16xi32>
    %add3A = arith.constant 0 : i32
    %add3A_1 = vector.broadcast %add3A : i32 to vector<16x16xi32>
    %add3A_2 = arith.addi %iota3A, %add3A_1 : vector<16x16xi32>
    %eq3A = arith.cmpi eq, %add3A_2, %iota3A_0 : vector<16x16xi32>
    %convert_element_type3A = arith.extui %eq3A : vector<16x16xi1> to vector<16x16xi32>
    %convert_element_type3A_3 = arith.sitofp %convert_element_type3A : vector<16x16xi32> to vector<16x16xf32>
    %get3A = arith.constant 0 : index
    %get3A_4 = arith.constant 0 : index
    %get3A_5 = vector.load %arg1[%get3A, %get3A_4] : memref<2048x16xf32, #tpu.memory_space<vmem>>, vector<2048x16xf32>
    %dot_general3A = arith.constant dense<0.000000e+00> : vector<16x2048xf32>
    %dot_general3A_6 = tpu.matmul %convert_element_type3A_3, %get3A_5, %dot_general3A {dimension_numbers = #tpu.dot_dimension_numbers<[1], [1], [0], [0], [0, 0, 1, 0], [], []>, transpose_lhs_hint = false} : vector<16x16xf32>, vector<2048x16xf32>, vector<16x2048xf32> -> vector<16x2048xf32>
    %get3A_7 = arith.constant 0 : index
    %get3A_8 = arith.constant 0 : index
    %get3A_9 = vector.load %arg2[%get3A_7, %get3A_8] : memref<1x2048xf32, #tpu.memory_space<vmem>>, vector<1x2048xf32>
    %get3A_10 = arith.constant 0 : index
    %get3A_11 = arith.constant 0 : index
    %get3A_12 = vector.load %arg3[%get3A_10, %get3A_11] : memref<16x1xf32, #tpu.memory_space<vmem>>, vector<16x1xf32>
    %mul3A = vector.broadcast %get3A_12 : vector<16x1xf32> to vector<16x2048xf32>
    %mul3A_13 = vector.broadcast %get3A_9 : vector<1x2048xf32> to vector<16x2048xf32>
    %mul3A_14 = arith.mulf %mul3A, %mul3A_13 : vector<16x2048xf32>
    %get3A_15 = arith.constant 0 : index
    %get3A_16 = arith.constant 0 : index
    %get3A_17 = vector.load %arg4[%get3A_15, %get3A_16] : memref<16x1xf32, #tpu.memory_space<vmem>>, vector<16x1xf32>
    %add3A_18 = vector.broadcast %get3A_17 : vector<16x1xf32> to vector<16x2048xf32>
    %add3A_19 = arith.addf %mul3A_14, %add3A_18 : vector<16x2048xf32>
    %max3A = arith.constant 0.000000e+00 : f32
    %max3A_20 = vector.broadcast %max3A : f32 to vector<16x2048xf32>
    %max3A_21 = arith.maximumf %add3A_19, %max3A_20 : vector<16x2048xf32>
    %get3A_22 = arith.constant 0 : index
    %get3A_23 = arith.constant 0 : index
    %get3A_24 = vector.load %arg5[%get3A_22, %get3A_23] : memref<544x16xf32, #tpu.memory_space<vmem>>, vector<544x16xf32>
    %dot_general3A_25 = arith.constant dense<0.000000e+00> : vector<544x2048xf32>
    %dot_general3A_26 = tpu.matmul %get3A_24, %dot_general3A_6, %dot_general3A_25 {dimension_numbers = #tpu.dot_dimension_numbers<[1], [0], [0], [1], [0, 0, 1, 1], [], []>, transpose_lhs_hint = false} : vector<544x16xf32>, vector<16x2048xf32>, vector<544x2048xf32> -> vector<544x2048xf32>
    %slice3A = vector.extract_strided_slice %dot_general3A_26 {offsets = [512, 0], sizes = [32, 2048], strides = [1, 1]} : vector<544x2048xf32> to vector<32x2048xf32>
    %slice3A_27 = vector.extract_strided_slice %max3A_21 {offsets = [0, 0], sizes = [1, 2048], strides = [1, 1]} : vector<16x2048xf32> to vector<1x2048xf32>
    %slice3A_28 = vector.extract_strided_slice %dot_general3A_26 {offsets = [0, 0], sizes = [32, 2048], strides = [1, 1]} : vector<544x2048xf32> to vector<32x2048xf32>
    %mul3A_29 = vector.broadcast %slice3A_27 : vector<1x2048xf32> to vector<32x2048xf32>
    %mul3A_30 = arith.mulf %mul3A_29, %slice3A_28 : vector<32x2048xf32>
    %add3A_31 = arith.addf %slice3A, %mul3A_30 : vector<32x2048xf32>
    %slice3A_32 = vector.extract_strided_slice %max3A_21 {offsets = [1, 0], sizes = [1, 2048], strides = [1, 1]} : vector<16x2048xf32> to vector<1x2048xf32>
    %slice3A_33 = vector.extract_strided_slice %dot_general3A_26 {offsets = [32, 0], sizes = [32, 2048], strides = [1, 1]} : vector<544x2048xf32> to vector<32x2048xf32>
    %mul3A_34 = vector.broadcast %slice3A_32 : vector<1x2048xf32> to vector<32x2048xf32>
    %mul3A_35 = arith.mulf %mul3A_34, %slice3A_33 : vector<32x2048xf32>
    %add3A_36 = arith.addf %add3A_31, %mul3A_35 : vector<32x2048xf32>
    %slice3A_37 = vector.extract_strided_slice %max3A_21 {offsets = [2, 0], sizes = [1, 2048], strides = [1, 1]} : vector<16x2048xf32> to vector<1x2048xf32>
    %slice3A_38 = vector.extract_strided_slice %dot_general3A_26 {offsets = [64, 0], sizes = [32, 2048], strides = [1, 1]} : vector<544x2048xf32> to vector<32x2048xf32>
    %mul3A_39 = vector.broadcast %slice3A_37 : vector<1x2048xf32> to vector<32x2048xf32>
    %mul3A_40 = arith.mulf %mul3A_39, %slice3A_38 : vector<32x2048xf32>
    %add3A_41 = arith.addf %add3A_36, %mul3A_40 : vector<32x2048xf32>
    %slice3A_42 = vector.extract_strided_slice %max3A_21 {offsets = [3, 0], sizes = [1, 2048], strides = [1, 1]} : vector<16x2048xf32> to vector<1x2048xf32>
    %slice3A_43 = vector.extract_strided_slice %dot_general3A_26 {offsets = [96, 0], sizes = [32, 2048], strides = [1, 1]} : vector<544x2048xf32> to vector<32x2048xf32>
    %mul3A_44 = vector.broadcast %slice3A_42 : vector<1x2048xf32> to vector<32x2048xf32>
    %mul3A_45 = arith.mulf %mul3A_44, %slice3A_43 : vector<32x2048xf32>
    %add3A_46 = arith.addf %add3A_41, %mul3A_45 : vector<32x2048xf32>
    %slice3A_47 = vector.extract_strided_slice %max3A_21 {offsets = [4, 0], sizes = [1, 2048], strides = [1, 1]} : vector<16x2048xf32> to vector<1x2048xf32>
    %slice3A_48 = vector.extract_strided_slice %dot_general3A_26 {offsets = [128, 0], sizes = [32, 2048], strides = [1, 1]} : vector<544x2048xf32> to vector<32x2048xf32>
    %mul3A_49 = vector.broadcast %slice3A_47 : vector<1x2048xf32> to vector<32x2048xf32>
    %mul3A_50 = arith.mulf %mul3A_49, %slice3A_48 : vector<32x2048xf32>
    %add3A_51 = arith.addf %add3A_46, %mul3A_50 : vector<32x2048xf32>
    %slice3A_52 = vector.extract_strided_slice %max3A_21 {offsets = [5, 0], sizes = [1, 2048], strides = [1, 1]} : vector<16x2048xf32> to vector<1x2048xf32>
    %slice3A_53 = vector.extract_strided_slice %dot_general3A_26 {offsets = [160, 0], sizes = [32, 2048], strides = [1, 1]} : vector<544x2048xf32> to vector<32x2048xf32>
    %mul3A_54 = vector.broadcast %slice3A_52 : vector<1x2048xf32> to vector<32x2048xf32>
    %mul3A_55 = arith.mulf %mul3A_54, %slice3A_53 : vector<32x2048xf32>
    %add3A_56 = arith.addf %add3A_51, %mul3A_55 : vector<32x2048xf32>
    %slice3A_57 = vector.extract_strided_slice %max3A_21 {offsets = [6, 0], sizes = [1, 2048], strides = [1, 1]} : vector<16x2048xf32> to vector<1x2048xf32>
    %slice3A_58 = vector.extract_strided_slice %dot_general3A_26 {offsets = [192, 0], sizes = [32, 2048], strides = [1, 1]} : vector<544x2048xf32> to vector<32x2048xf32>
    %mul3A_59 = vector.broadcast %slice3A_57 : vector<1x2048xf32> to vector<32x2048xf32>
    %mul3A_60 = arith.mulf %mul3A_59, %slice3A_58 : vector<32x2048xf32>
    %add3A_61 = arith.addf %add3A_56, %mul3A_60 : vector<32x2048xf32>
    %slice3A_62 = vector.extract_strided_slice %max3A_21 {offsets = [7, 0], sizes = [1, 2048], strides = [1, 1]} : vector<16x2048xf32> to vector<1x2048xf32>
    %slice3A_63 = vector.extract_strided_slice %dot_general3A_26 {offsets = [224, 0], sizes = [32, 2048], strides = [1, 1]} : vector<544x2048xf32> to vector<32x2048xf32>
    %mul3A_64 = vector.broadcast %slice3A_62 : vector<1x2048xf32> to vector<32x2048xf32>
    %mul3A_65 = arith.mulf %mul3A_64, %slice3A_63 : vector<32x2048xf32>
    %add3A_66 = arith.addf %add3A_61, %mul3A_65 : vector<32x2048xf32>
    %slice3A_67 = vector.extract_strided_slice %max3A_21 {offsets = [8, 0], sizes = [1, 2048], strides = [1, 1]} : vector<16x2048xf32> to vector<1x2048xf32>
    %slice3A_68 = vector.extract_strided_slice %dot_general3A_26 {offsets = [256, 0], sizes = [32, 2048], strides = [1, 1]} : vector<544x2048xf32> to vector<32x2048xf32>
    %mul3A_69 = vector.broadcast %slice3A_67 : vector<1x2048xf32> to vector<32x2048xf32>
    %mul3A_70 = arith.mulf %mul3A_69, %slice3A_68 : vector<32x2048xf32>
    %add3A_71 = arith.addf %add3A_66, %mul3A_70 : vector<32x2048xf32>
    %slice3A_72 = vector.extract_strided_slice %max3A_21 {offsets = [9, 0], sizes = [1, 2048], strides = [1, 1]} : vector<16x2048xf32> to vector<1x2048xf32>
    %slice3A_73 = vector.extract_strided_slice %dot_general3A_26 {offsets = [288, 0], sizes = [32, 2048], strides = [1, 1]} : vector<544x2048xf32> to vector<32x2048xf32>
    %mul3A_74 = vector.broadcast %slice3A_72 : vector<1x2048xf32> to vector<32x2048xf32>
    %mul3A_75 = arith.mulf %mul3A_74, %slice3A_73 : vector<32x2048xf32>
    %add3A_76 = arith.addf %add3A_71, %mul3A_75 : vector<32x2048xf32>
    %slice3A_77 = vector.extract_strided_slice %max3A_21 {offsets = [10, 0], sizes = [1, 2048], strides = [1, 1]} : vector<16x2048xf32> to vector<1x2048xf32>
    %slice3A_78 = vector.extract_strided_slice %dot_general3A_26 {offsets = [320, 0], sizes = [32, 2048], strides = [1, 1]} : vector<544x2048xf32> to vector<32x2048xf32>
    %mul3A_79 = vector.broadcast %slice3A_77 : vector<1x2048xf32> to vector<32x2048xf32>
    %mul3A_80 = arith.mulf %mul3A_79, %slice3A_78 : vector<32x2048xf32>
    %add3A_81 = arith.addf %add3A_76, %mul3A_80 : vector<32x2048xf32>
    %slice3A_82 = vector.extract_strided_slice %max3A_21 {offsets = [11, 0], sizes = [1, 2048], strides = [1, 1]} : vector<16x2048xf32> to vector<1x2048xf32>
    %slice3A_83 = vector.extract_strided_slice %dot_general3A_26 {offsets = [352, 0], sizes = [32, 2048], strides = [1, 1]} : vector<544x2048xf32> to vector<32x2048xf32>
    %mul3A_84 = vector.broadcast %slice3A_82 : vector<1x2048xf32> to vector<32x2048xf32>
    %mul3A_85 = arith.mulf %mul3A_84, %slice3A_83 : vector<32x2048xf32>
    %add3A_86 = arith.addf %add3A_81, %mul3A_85 : vector<32x2048xf32>
    %slice3A_87 = vector.extract_strided_slice %max3A_21 {offsets = [12, 0], sizes = [1, 2048], strides = [1, 1]} : vector<16x2048xf32> to vector<1x2048xf32>
    %slice3A_88 = vector.extract_strided_slice %dot_general3A_26 {offsets = [384, 0], sizes = [32, 2048], strides = [1, 1]} : vector<544x2048xf32> to vector<32x2048xf32>
    %mul3A_89 = vector.broadcast %slice3A_87 : vector<1x2048xf32> to vector<32x2048xf32>
    %mul3A_90 = arith.mulf %mul3A_89, %slice3A_88 : vector<32x2048xf32>
    %add3A_91 = arith.addf %add3A_86, %mul3A_90 : vector<32x2048xf32>
    %slice3A_92 = vector.extract_strided_slice %max3A_21 {offsets = [13, 0], sizes = [1, 2048], strides = [1, 1]} : vector<16x2048xf32> to vector<1x2048xf32>
    %slice3A_93 = vector.extract_strided_slice %dot_general3A_26 {offsets = [416, 0], sizes = [32, 2048], strides = [1, 1]} : vector<544x2048xf32> to vector<32x2048xf32>
    %mul3A_94 = vector.broadcast %slice3A_92 : vector<1x2048xf32> to vector<32x2048xf32>
    %mul3A_95 = arith.mulf %mul3A_94, %slice3A_93 : vector<32x2048xf32>
    %add3A_96 = arith.addf %add3A_91, %mul3A_95 : vector<32x2048xf32>
    %slice3A_97 = vector.extract_strided_slice %max3A_21 {offsets = [14, 0], sizes = [1, 2048], strides = [1, 1]} : vector<16x2048xf32> to vector<1x2048xf32>
    %slice3A_98 = vector.extract_strided_slice %dot_general3A_26 {offsets = [448, 0], sizes = [32, 2048], strides = [1, 1]} : vector<544x2048xf32> to vector<32x2048xf32>
    %mul3A_99 = vector.broadcast %slice3A_97 : vector<1x2048xf32> to vector<32x2048xf32>
    %mul3A_100 = arith.mulf %mul3A_99, %slice3A_98 : vector<32x2048xf32>
    %add3A_101 = arith.addf %add3A_96, %mul3A_100 : vector<32x2048xf32>
    %slice3A_102 = vector.extract_strided_slice %max3A_21 {offsets = [15, 0], sizes = [1, 2048], strides = [1, 1]} : vector<16x2048xf32> to vector<1x2048xf32>
    %slice3A_103 = vector.extract_strided_slice %dot_general3A_26 {offsets = [480, 0], sizes = [32, 2048], strides = [1, 1]} : vector<544x2048xf32> to vector<32x2048xf32>
    %mul3A_104 = vector.broadcast %slice3A_102 : vector<1x2048xf32> to vector<32x2048xf32>
    %mul3A_105 = arith.mulf %mul3A_104, %slice3A_103 : vector<32x2048xf32>
    %add3A_106 = arith.addf %add3A_101, %mul3A_105 : vector<32x2048xf32>
    %mul3A_107 = arith.constant 2048 : i32
    %mul3A_108 = arith.muli %arg0, %mul3A_107 : i32
    %iota3A_109 = tpu.iota {dimensions = array<i32: 1>} : vector<1x2048xi32>
    %add3A_110 = vector.broadcast %mul3A_108 : i32 to vector<1x2048xi32>
    %add3A_111 = arith.addi %add3A_110, %iota3A_109 : vector<1x2048xi32>
    %lt3A = arith.constant 160000 : i32
    %lt3A_112 = vector.broadcast %lt3A : i32 to vector<1x2048xi32>
    %lt3A_113 = arith.cmpi slt, %add3A_111, %lt3A_112 : vector<1x2048xi32>
    %convert_element_type3A_114 = arith.extui %lt3A_113 : vector<1x2048xi1> to vector<1x2048xi32>
    %convert_element_type3A_115 = arith.sitofp %convert_element_type3A_114 : vector<1x2048xi32> to vector<1x2048xf32>
    %mul3A_116 = vector.broadcast %convert_element_type3A_115 : vector<1x2048xf32> to vector<32x2048xf32>
    %mul3A_117 = arith.mulf %add3A_106, %mul3A_116 : vector<32x2048xf32>
    %iota3A_118 = tpu.iota {dimensions = array<i32: 0>} : vector<32x32xi32>
    %iota3A_119 = tpu.iota {dimensions = array<i32: 1>} : vector<32x32xi32>
    %add3A_120 = arith.constant 0 : i32
    %add3A_121 = vector.broadcast %add3A_120 : i32 to vector<32x32xi32>
    %add3A_122 = arith.addi %iota3A_118, %add3A_121 : vector<32x32xi32>
    %eq3A_123 = arith.cmpi eq, %add3A_122, %iota3A_119 : vector<32x32xi32>
    %convert_element_type3A_124 = arith.extui %eq3A_123 : vector<32x32xi1> to vector<32x32xi32>
    %convert_element_type3A_125 = arith.sitofp %convert_element_type3A_124 : vector<32x32xi32> to vector<32x32xf32>
    %dot_general3A_126 = arith.constant dense<0.000000e+00> : vector<2048x32xf32>
    %dot_general3A_127 = tpu.matmul %mul3A_117, %convert_element_type3A_125, %dot_general3A_126 {dimension_numbers = #tpu.dot_dimension_numbers<[0], [0], [1], [1], [0, 1, 1, 1], [], []>, transpose_lhs_hint = false} : vector<32x2048xf32>, vector<32x32xf32>, vector<2048x32xf32> -> vector<2048x32xf32>
    %swap3A = arith.constant 0 : index
    %swap3A_128 = arith.constant 0 : index
    %swap3A_129 = vector.load %arg6[%swap3A, %swap3A_128] : memref<2048x32xf32, #tpu.memory_space<vmem>>, vector<2048x32xf32>
    tpu.vector_store %arg6[%swap3A, %swap3A_128], %dot_general3A_127 {strides = array<i32>} : memref<2048x32xf32, #tpu.memory_space<vmem>>, vector<2048x32xf32>,
    return
  }
  func.func @transform_0(%arg0: i32) -> (i32, i32) {
    %c0_i32 = arith.constant 0 : i32
    %c0_i32_0 = arith.constant 0 : i32
    return %arg0, %c0_i32 : i32, i32
  }
  func.func @transform_1(%arg0: i32) -> (i32, i32) {
    %c0_i32 = arith.constant 0 : i32
    %c0_i32_0 = arith.constant 0 : i32
    return %c0_i32, %arg0 : i32, i32
  }
  func.func @transform_2(%arg0: i32) -> (i32, i32) {
    %c0_i32 = arith.constant 0 : i32
    %c0_i32_0 = arith.constant 0 : i32
    %c0_i32_1 = arith.constant 0 : i32
    return %c0_i32, %c0_i32_0 : i32, i32
  }
  func.func @transform_3(%arg0: i32) -> (i32, i32) {
    %c0_i32 = arith.constant 0 : i32
    %c0_i32_0 = arith.constant 0 : i32
    %c0_i32_1 = arith.constant 0 : i32
    return %c0_i32, %c0_i32_0 : i32, i32
  }
  func.func @transform_4(%arg0: i32) -> (i32, i32) {
    %c0_i32 = arith.constant 0 : i32
    %c0_i32_0 = arith.constant 0 : i32
    %c0_i32_1 = arith.constant 0 : i32
    return %c0_i32, %c0_i32_0 : i32, i32
  }
  func.func @transform_5(%arg0: i32) -> (i32, i32) {
    %c0_i32 = arith.constant 0 : i32
    %c0_i32_0 = arith.constant 0 : i32
    return %arg0, %c0_i32 : i32, i32
  }
}

module attributes {stable_mosaic.version = 14 : i64} {
  func.func @_node2_kernel(%arg0: i32, %arg1: memref<2000x32xf32, #tpu.memory_space<vmem>>, %arg2: memref<2000x32xf32, #tpu.memory_space<vmem>>, %arg3: memref<2000x16xf32, #tpu.memory_space<vmem>>, %arg4: memref<2000x1xf32, #tpu.memory_space<vmem>>, %arg5: memref<2000x1xi32, #tpu.memory_space<vmem>>, %arg6: memref<16x32xf32, #tpu.memory_space<vmem>>, %arg7: memref<1x32xf32, #tpu.memory_space<vmem>>, %arg8: memref<2000x32xf32, #tpu.memory_space<vmem>>, %arg9: memref<64x32xf32, #tpu.memory_space<vmem>>, %arg10: memref<64x32xf32, #tpu.memory_space<vmem>>, %arg11: memref<64x32xf32, #tpu.memory_space<vmem>>) attributes {dimension_semantics = [#tpu.dimension_semantics<arbitrary>], iteration_bounds = array<i64: 5>, scalar_prefetch = 0 : i64, scratch_operands = 2 : i64, tpu.core_type = #tpu.core_type<tc>, window_params = [{transform_indices = @transform_0, window_bounds = array<i64: 2000, 32>}, {transform_indices = @transform_1, window_bounds = array<i64: 2000, 32>}, {transform_indices = @transform_2, window_bounds = array<i64: 2000, 16>}, {transform_indices = @transform_3, window_bounds = array<i64: 2000, 1>}, {transform_indices = @transform_4, window_bounds = array<i64: 2000, 1>}, {pipeline_mode = #tpu.pipeline_mode<synchronous>, transform_indices = @transform_5, window_bounds = array<i64: 16, 32>}, {pipeline_mode = #tpu.pipeline_mode<synchronous>, transform_indices = @transform_6, window_bounds = array<i64: 1, 32>}, {transform_indices = @transform_7, window_bounds = array<i64: 2000, 32>}, {pipeline_mode = #tpu.pipeline_mode<synchronous>, transform_indices = @transform_8, window_bounds = array<i64: 64, 32>}]} {
    %get3A = arith.constant 0 : index
    %get3A_0 = arith.constant 0 : index
    %get3A_1 = vector.load %arg1[%get3A, %get3A_0] : memref<2000x32xf32, #tpu.memory_space<vmem>>, vector<2000x32xf32>
    %get3A_2 = arith.constant 0 : index
    %get3A_3 = arith.constant 0 : index
    %get3A_4 = vector.load %arg2[%get3A_2, %get3A_3] : memref<2000x32xf32, #tpu.memory_space<vmem>>, vector<2000x32xf32>
    %add3A = arith.addf %get3A_1, %get3A_4 : vector<2000x32xf32>
    %get3A_5 = arith.constant 0 : index
    %get3A_6 = arith.constant 0 : index
    %get3A_7 = vector.load %arg4[%get3A_5, %get3A_6] : memref<2000x1xf32, #tpu.memory_space<vmem>>, vector<2000x1xf32>
    %max3A = arith.constant 1.000000e+00 : f32
    %max3A_8 = vector.broadcast %max3A : f32 to vector<2000x1xf32>
    %max3A_9 = arith.maximumf %get3A_7, %max3A_8 : vector<2000x1xf32>
    %div3A = vector.broadcast %max3A_9 : vector<2000x1xf32> to vector<2000x32xf32>
    %div3A_10 = arith.divf %add3A, %div3A : vector<2000x32xf32>
    %get3A_11 = arith.constant 0 : index
    %get3A_12 = arith.constant 0 : index
    %get3A_13 = vector.load %arg3[%get3A_11, %get3A_12] : memref<2000x16xf32, #tpu.memory_space<vmem>>, vector<2000x16xf32>
    %get3A_14 = arith.constant 0 : index
    %get3A_15 = arith.constant 0 : index
    %get3A_16 = vector.load %arg6[%get3A_14, %get3A_15] : memref<16x32xf32, #tpu.memory_space<vmem>>, vector<16x32xf32>
    %dot_general3A = arith.constant dense<0.000000e+00> : vector<2000x32xf32>
    %dot_general3A_17 = tpu.matmul %get3A_13, %get3A_16, %dot_general3A {dimension_numbers = #tpu.dot_dimension_numbers<[1], [0], [0], [1], [0, 0, 1, 1], [], []>, transpose_lhs_hint = false} : vector<2000x16xf32>, vector<16x32xf32>, vector<2000x32xf32> -> vector<2000x32xf32>
    %add3A_18 = arith.addf %dot_general3A_17, %div3A_10 : vector<2000x32xf32>
    %get3A_19 = arith.constant 0 : index
    %get3A_20 = arith.constant 0 : index
    %get3A_21 = vector.load %arg7[%get3A_19, %get3A_20] : memref<1x32xf32, #tpu.memory_space<vmem>>, vector<1x32xf32>
    %add3A_22 = vector.broadcast %get3A_21 : vector<1x32xf32> to vector<2000x32xf32>
    %add3A_23 = arith.addf %add3A_18, %add3A_22 : vector<2000x32xf32>
    %max3A_24 = arith.constant 0.000000e+00 : f32
    %max3A_25 = vector.broadcast %max3A_24 : f32 to vector<2000x32xf32>
    %max3A_26 = arith.maximumf %add3A_23, %max3A_25 : vector<2000x32xf32>
    %swap3A = arith.constant 0 : index
    %swap3A_27 = arith.constant 0 : index
    %swap3A_28 = vector.load %arg8[%swap3A, %swap3A_27] : memref<2000x32xf32, #tpu.memory_space<vmem>>, vector<2000x32xf32>
    tpu.vector_store %arg8[%swap3A, %swap3A_27], %max3A_26 {strides = array<i32>} : memref<2000x32xf32, #tpu.memory_space<vmem>>, vector<2000x32xf32>,
    %eq3A = arith.constant 0 : i32
    %eq3A_29 = arith.cmpi eq, %arg0, %eq3A : i32
    %convert_element_type3A = arith.extui %eq3A_29 : i1 to i32
    %cond3A = arith.constant 0 : i32
    %cond3A_30 = arith.cmpi ne, %convert_element_type3A, %cond3A : i32
    scf.if %cond3A_30 {
      %broadcast_in_dim3A_63 = arith.constant 0.000000e+00 : f32
      %broadcast_in_dim3A_64 = vector.broadcast %broadcast_in_dim3A_63 : f32 to vector<64x32xf32>
      %swap3A_65 = arith.constant 0 : index
      %swap3A_66 = arith.constant 0 : index
      %swap3A_67 = vector.load %arg10[%swap3A_65, %swap3A_66] : memref<64x32xf32, #tpu.memory_space<vmem>>, vector<64x32xf32>
      tpu.vector_store %arg10[%swap3A_65, %swap3A_66], %broadcast_in_dim3A_64 {strides = array<i32>} : memref<64x32xf32, #tpu.memory_space<vmem>>, vector<64x32xf32>,
      %broadcast_in_dim3A_68 = arith.constant 0.000000e+00 : f32
      %broadcast_in_dim3A_69 = vector.broadcast %broadcast_in_dim3A_68 : f32 to vector<64x32xf32>
      %swap3A_70 = arith.constant 0 : index
      %swap3A_71 = arith.constant 0 : index
      %swap3A_72 = vector.load %arg11[%swap3A_70, %swap3A_71] : memref<64x32xf32, #tpu.memory_space<vmem>>, vector<64x32xf32>
      tpu.vector_store %arg11[%swap3A_70, %swap3A_71], %broadcast_in_dim3A_69 {strides = array<i32>} : memref<64x32xf32, #tpu.memory_space<vmem>>, vector<64x32xf32>,
    } else {
    }
    %iota3A = tpu.iota {dimensions = array<i32: 1>} : vector<1x64xi32>
    %get3A_31 = arith.constant 0 : index
    %get3A_32 = arith.constant 0 : index
    %get3A_33 = vector.load %arg5[%get3A_31, %get3A_32] : memref<2000x1xi32, #tpu.memory_space<vmem>>, vector<2000x1xi32>
    %eq3A_34 = vector.broadcast %get3A_33 : vector<2000x1xi32> to vector<2000x64xi32>
    %eq3A_35 = vector.broadcast %iota3A : vector<1x64xi32> to vector<2000x64xi32>
    %eq3A_36 = arith.cmpi eq, %eq3A_34, %eq3A_35 : vector<2000x64xi32>
    %convert_element_type3A_37 = arith.extui %eq3A_36 : vector<2000x64xi1> to vector<2000x64xi32>
    %convert_element_type3A_38 = arith.sitofp %convert_element_type3A_37 : vector<2000x64xi32> to vector<2000x64xf32>
    %get3A_39 = arith.constant 0 : index
    %get3A_40 = arith.constant 0 : index
    %get3A_41 = vector.load %arg10[%get3A_39, %get3A_40] : memref<64x32xf32, #tpu.memory_space<vmem>>, vector<64x32xf32>
    %dot_general3A_42 = arith.constant dense<0.000000e+00> : vector<64x32xf32>
    %dot_general3A_43 = tpu.matmul %convert_element_type3A_38, %max3A_26, %dot_general3A_42 {dimension_numbers = #tpu.dot_dimension_numbers<[0], [0], [1], [1], [0, 1, 1, 1], [], []>, transpose_lhs_hint = false} : vector<2000x64xf32>, vector<2000x32xf32>, vector<64x32xf32> -> vector<64x32xf32>
    %add3A_44 = arith.addf %get3A_41, %dot_general3A_43 : vector<64x32xf32>
    %swap3A_45 = arith.constant 0 : index
    %swap3A_46 = arith.constant 0 : index
    %swap3A_47 = vector.load %arg10[%swap3A_45, %swap3A_46] : memref<64x32xf32, #tpu.memory_space<vmem>>, vector<64x32xf32>
    tpu.vector_store %arg10[%swap3A_45, %swap3A_46], %add3A_44 {strides = array<i32>} : memref<64x32xf32, #tpu.memory_space<vmem>>, vector<64x32xf32>,
    %get3A_48 = arith.constant 0 : index
    %get3A_49 = arith.constant 0 : index
    %get3A_50 = vector.load %arg11[%get3A_48, %get3A_49] : memref<64x32xf32, #tpu.memory_space<vmem>>, vector<64x32xf32>
    %broadcast_in_dim3A = arith.constant 1.000000e+00 : f32
    %broadcast_in_dim3A_51 = vector.broadcast %broadcast_in_dim3A : f32 to vector<2000x32xf32>
    %dot_general3A_52 = arith.constant dense<0.000000e+00> : vector<64x32xf32>
    %dot_general3A_53 = tpu.matmul %convert_element_type3A_38, %broadcast_in_dim3A_51, %dot_general3A_52 {dimension_numbers = #tpu.dot_dimension_numbers<[0], [0], [1], [1], [0, 1, 1, 1], [], []>, transpose_lhs_hint = false} : vector<2000x64xf32>, vector<2000x32xf32>, vector<64x32xf32> -> vector<64x32xf32>
    %add3A_54 = arith.addf %get3A_50, %dot_general3A_53 : vector<64x32xf32>
    %swap3A_55 = arith.constant 0 : index
    %swap3A_56 = arith.constant 0 : index
    %swap3A_57 = vector.load %arg11[%swap3A_55, %swap3A_56] : memref<64x32xf32, #tpu.memory_space<vmem>>, vector<64x32xf32>
    tpu.vector_store %arg11[%swap3A_55, %swap3A_56], %add3A_54 {strides = array<i32>} : memref<64x32xf32, #tpu.memory_space<vmem>>, vector<64x32xf32>,
    %eq3A_58 = arith.constant 4 : i32
    %eq3A_59 = arith.cmpi eq, %arg0, %eq3A_58 : i32
    %convert_element_type3A_60 = arith.extui %eq3A_59 : i1 to i32
    %cond3A_61 = arith.constant 0 : i32
    %cond3A_62 = arith.cmpi ne, %convert_element_type3A_60, %cond3A_61 : i32
    scf.if %cond3A_62 {
      %get3A_63 = arith.constant 0 : index
      %get3A_64 = arith.constant 0 : index
      %get3A_65 = vector.load %arg10[%get3A_63, %get3A_64] : memref<64x32xf32, #tpu.memory_space<vmem>>, vector<64x32xf32>
      %get3A_66 = arith.constant 0 : index
      %get3A_67 = arith.constant 0 : index
      %get3A_68 = vector.load %arg11[%get3A_66, %get3A_67] : memref<64x32xf32, #tpu.memory_space<vmem>>, vector<64x32xf32>
      %max3A_69 = arith.constant 1.000000e+00 : f32
      %max3A_70 = vector.broadcast %max3A_69 : f32 to vector<64x32xf32>
      %max3A_71 = arith.maximumf %get3A_68, %max3A_70 : vector<64x32xf32>
      %div3A_72 = arith.divf %get3A_65, %max3A_71 : vector<64x32xf32>
      %swap3A_73 = arith.constant 0 : index
      %swap3A_74 = arith.constant 0 : index
      %swap3A_75 = vector.load %arg9[%swap3A_73, %swap3A_74] : memref<64x32xf32, #tpu.memory_space<vmem>>, vector<64x32xf32>
      tpu.vector_store %arg9[%swap3A_73, %swap3A_74], %div3A_72 {strides = array<i32>} : memref<64x32xf32, #tpu.memory_space<vmem>>, vector<64x32xf32>,
    } else {
    }
    return
  }
  func.func @transform_0(%arg0: i32) -> (i32, i32) {
    %c0_i32 = arith.constant 0 : i32
    %c0_i32_0 = arith.constant 0 : i32
    return %arg0, %c0_i32 : i32, i32
  }
  func.func @transform_1(%arg0: i32) -> (i32, i32) {
    %c0_i32 = arith.constant 0 : i32
    %c0_i32_0 = arith.constant 0 : i32
    return %arg0, %c0_i32 : i32, i32
  }
  func.func @transform_2(%arg0: i32) -> (i32, i32) {
    %c0_i32 = arith.constant 0 : i32
    %c0_i32_0 = arith.constant 0 : i32
    return %arg0, %c0_i32 : i32, i32
  }
  func.func @transform_3(%arg0: i32) -> (i32, i32) {
    %c0_i32 = arith.constant 0 : i32
    %c0_i32_0 = arith.constant 0 : i32
    return %arg0, %c0_i32 : i32, i32
  }
  func.func @transform_4(%arg0: i32) -> (i32, i32) {
    %c0_i32 = arith.constant 0 : i32
    %c0_i32_0 = arith.constant 0 : i32
    return %arg0, %c0_i32 : i32, i32
  }
  func.func @transform_5(%arg0: i32) -> (i32, i32) {
    %c0_i32 = arith.constant 0 : i32
    %c0_i32_0 = arith.constant 0 : i32
    %c0_i32_1 = arith.constant 0 : i32
    return %c0_i32, %c0_i32_0 : i32, i32
  }
  func.func @transform_6(%arg0: i32) -> (i32, i32) {
    %c0_i32 = arith.constant 0 : i32
    %c0_i32_0 = arith.constant 0 : i32
    %c0_i32_1 = arith.constant 0 : i32
    return %c0_i32, %c0_i32_0 : i32, i32
  }
  func.func @transform_7(%arg0: i32) -> (i32, i32) {
    %c0_i32 = arith.constant 0 : i32
    %c0_i32_0 = arith.constant 0 : i32
    return %arg0, %c0_i32 : i32, i32
  }
  func.func @transform_8(%arg0: i32) -> (i32, i32) {
    %c0_i32 = arith.constant 0 : i32
    %c0_i32_0 = arith.constant 0 : i32
    %c0_i32_1 = arith.constant 0 : i32
    return %c0_i32, %c0_i32_0 : i32, i32
  }
}

</mosaic_0001>

<sc_bundles>
// kernel: kernel.10.cloned.1.call-start
scs
__scs_entry_jumppad:
0x0: {  	(pc) =	sbr.rel $0x88, $3  }
0x1: {  	(tag) =	ssettag $0x0;
	lr =	simm.s32 $0x1  }
0x2: {  	[smem:$0x3F91] =	sst lr;
	_ =	strace $0xD0000000  }
0x3: {  	_ = 	snop  }
0x4: {  	_ = 	snop  }
0x5: {  	_ = 	snop  }
0x6: {  	_ = 	snop  }
0x7: {  	_ = 	snop  }
__scs_overlays_trampoline_lowered:
0x8: {  	[smem:$0x3FA0] =	sst s0  }
0x9: {  	[smem:$0x3FA1] =	sst s1  }
0xa: {  	[smem:$0x3FA2] =	sst s2  }
0xb: {  	[smem:$0x3FA3] =	sst s3  }
0xc: {  	[smem:$0x3FA4] =	sst s4  }
0xd: {  	[smem:$0x3FA5] =	sst s5  }
0xe: {  	[smem:$0x3FA6] =	sst s6  }
0xf: {  	[smem:$0x3FA7] =	sst s7  }
0x10: {  	[smem:$0x3FA8] =	sst s8  }
0x11: {  	[smem:$0x3FA9] =	sst s9;
	s0 =	simm.s32 @!p0 $0x0  }
0x12: {  	s1 =	sld [smem:$0x3F8F];
	s0 =	simm.s32 @p0 $0x1  }
0x13: {  	[smem:$0x3FAA] =	sst s0;
	s0 =	simm.s32 @!p1 $0x0  }
0x14: {  	s2 =	sld [smem:$0x3F8E];
	s0 =	simm.s32 @p1 $0x1  }
0x15: {  	[smem:$0x3FAB] =	sst s0;
	s0 =	simm.s32 @!p2 $0x0  }
0x16: {  	s3 =	sld [smem:$0x3FDB];
	s0 =	simm.s32 @p2 $0x1  }
0x17: {  	s4 =	simm.s32 $0x1BF5;
	[smem:$0x3FAD] =	sst s0  }
0x18: {  	s0 =	sld [smem:$0x3F90];
	_ =	swait.ge [sflag:s4], $0x0  }
0x19: {  	s7 =	sld [smem:$0x3F91]  }
0x1a: {  	s8 =	sadd.s32 $0xFFFFE003, lr  }
0x1b: {  	s9 =	sadd.s32 $0xFFFFFEF7, lr;
	s5 =	simm.s32 $0xFFFFFFFF;
	p2 =	slt.u32 s8, $0xFFFFF086  }
0x1c: {  	p1 =	slt.u32 s9, $0xF7A;
	s5 =	simm.s32 @!p2 $0x0  }
0x1d: {  	s5 =	simm.s32 @p1 $0x1;
	p0 =	seq.s32 s7, s2  }
0x1e: {  	s7 =	smul.u32 @!p0 $0xF7A, s2;
	p2 =	seq.s32 @!p0 s5, $0x0  }
0x1f: {  	s9 =	smul.u32 $0xF7A, s1;
	s8 =	simm.s32 @!p0 $0x1BF5;
	p2 =	por !p2, p0  }
0x20: {  	[sflag:s8] =	ssyncset.s32 @!p0 $0xFFFFF086;
	s6 =	sadd.s32 @!p0 s3, s7;
	s7 =	simm.s32 @!p0 $0x108  }
0x21: {  	s3 =	sadd.s32 s3, s9;
	s6 =	sadd.s32 @!p0 $0x88, s6;
	s7 =	simm.s32 @p2 $0x1082  }
0x22: {  	[simem:s7], [sflag:s8] =	dma.local @!p0 [hbm:s6], $0xF7A  }
0x23: {  	s9 =	sor.u32 $0xD0000000, s2;
	s6 =	simm.s32 $0x108;
	_ =	swait.ge @!p0 [sflag:s8], $0x0  }
0x24: {  	s3 =	sadd.s32 $0x88, s3;
	s6 =	simm.s32 @!p1 $0x1082;
	[sflag:s4] =	ssyncset.s32 $0xFFFFF086  }
0x25: {  	[simem:s6], [sflag:s4] =	dma.local [hbm:s3], $0xF7A  }
0x26: {  	[smem:$0x3F91] =	sst s1;
	(tag) =	ssettag s2;
	_ =	strace s9  }
0x27: {  	s1 =	sld [smem:$0x3FA1]  }
0x28: {  	s2 =	sld [smem:$0x3FA2]  }
0x29: {  	s4 =	sld [smem:$0x3FA4]  }
0x2a: {  	p0 =	seq.s32 s5, $0x0;
	s5 =	sld [smem:$0x3FA5]  }
0x2b: {  	s6 =	sld [smem:$0x3FA6]  }
0x2c: {  	s7 =	sld [smem:$0x3FA7]  }
0x2d: {  	s3 =	simm.s32 $0x108;
	s8 =	sld [smem:$0x3FA8]  }
0x2e: {  	s3 =	simm.s32 @!p0 $0x1082;
	s9 =	sld [smem:$0x3FA9]  }
0x2f: {  	lr =	sadd.s32 s0, s3;
	s0 =	sld [smem:$0x3FA0]  }
0x30: {  	s3 =	sld [smem:$0x3FA3]  }
0x31: {  	[smem:$0x3FAC] =	sst s10  }
0x32: {  	s10 =	sld [smem:$0x3FAA];
	_ =	sdelay $0x3  }
0x33: {  	p0 =	seq.s32 s10, $0x1;
	s10 =	sld [smem:$0x3FAC];
	_ =	sdelay $0x3  }
0x34: {  	[smem:$0x3FAC] =	sst s10  }
0x35: {  	s10 =	sld [smem:$0x3FAB];
	_ =	sdelay $0x3  }
0x36: {  	p1 =	seq.s32 s10, $0x1;
	s10 =	sld [smem:$0x3FAC];
	_ =	sdelay $0x3  }
0x37: {  	[smem:$0x3FAC] =	sst s10  }
0x38: {  	s10 =	sld [smem:$0x3FAD]  }
0x39: {  	_ = 	snop;
	(pc) =	sbr.ind lr, $3  }
0x3a: {  	_ = 	snop  }
0x3b: {  	_ = 	snop  }
0x3c: {  	p2 =	seq.s32 s10, $0x1;
	s10 =	sld [smem:$0x3FAC]  }
0x3d: {  	_ =	shalt  }
0x3e: {  	_ =	shalt  }
0x3f: {  	_ =	shalt  }
0x40: {  	_ =	shalt  }
0x41: {  	_ =	shalt  }
0x42: {  	_ =	shalt  }
0x43: {  	_ =	shalt  }
0x44: {  	_ =	shalt  }
0x45: {  	_ =	shalt  }
0x46: {  	_ =	shalt  }
0x47: {  	_ =	shalt  }
0x48: {  	_ =	shalt  }
0x49: {  	_ =	shalt  }
0x4a: {  	_ =	shalt  }
0x4b: {  	_ =	shalt  }
0x4c: {  	_ =	shalt  }
0x4d: {  	_ =	shalt  }
0x4e: {  	_ =	shalt  }
0x4f: {  	_ =	shalt  }
0x50: {  	_ =	shalt  }
0x51: {  	_ =	shalt  }
0x52: {  	_ =	shalt  }
0x53: {  	_ =	shalt  }
0x54: {  	_ =	shalt  }
0x55: {  	_ =	shalt  }
0x56: {  	_ =	shalt  }
0x57: {  	_ =	shalt  }
0x58: {  	_ =	shalt  }
0x59: {  	_ =	shalt  }
0x5a: {  	_ =	shalt  }
0x5b: {  	_ =	shalt  }
0x5c: {  	_ =	shalt  }
0x5d: {  	_ =	shalt  }
0x5e: {  	_ =	shalt  }
0x5f: {  	_ =	shalt  }
0x60: {  	_ =	shalt  }
0x61: {  	_ =	shalt  }
0x62: {  	_ =	shalt  }
0x63: {  	_ =	shalt  }
0x64: {  	_ =	shalt  }
0x65: {  	_ =	shalt  }
0x66: {  	_ =	shalt  }
0x67: {  	_ =	shalt  }
0x68: {  	_ =	shalt  }
0x69: {  	_ =	shalt  }
0x6a: {  	_ =	shalt  }
0x6b: {  	_ =	shalt  }
0x6c: {  	_ =	shalt  }
0x6d: {  	_ =	shalt  }
0x6e: {  	_ =	shalt  }
0x6f: {  	_ =	shalt  }
0x70: {  	_ =	shalt  }
0x71: {  	_ =	shalt  }
0x72: {  	_ =	shalt  }
0x73: {  	_ =	shalt  }
0x74: {  	_ =	shalt  }
0x75: {  	_ =	shalt  }
0x76: {  	_ =	shalt  }
0x77: {  	_ =	shalt  }
0x78: {  	_ =	shalt  }
0x79: {  	_ =	shalt  }
0x7a: {  	_ =	shalt  }
0x7b: {  	_ =	shalt  }
0x7c: {  	_ =	shalt  }
0x7d: {  	_ =	shalt  }
0x7e: {  	_ =	shalt  }
0x7f: {  	_ =	shalt  }
0x80: {  	_ =	shalt  }
0x81: {  	_ =	shalt  }
0x82: {  	_ =	shalt  }
0x83: {  	_ =	shalt  }
0x84: {  	_ =	shalt  }
0x85: {  	_ =	shalt  }
0x86: {  	_ =	shalt  }
0x87: {  	_ =	shalt  }
.Lfunc_end0:
.L_simem_size_0:
called_computation_lowered:
.L_overlay_start_0:
0x88: {  	s2 =	sld [smem:$0x3FD9]  }
0x89: {  	s3 =	sld [smem:$0x3FFE];
	_ =	sdelay $0x1  }
0x8a: {  	s1 =	srdreg.scid  }
0x8b: {  	s0 =	sand.u32 $0x1, s1  }
0x8c: {  	s14 =	sshll.u32 s0, $0xA;
	s2 =	sadd.s32 s3, s2  }
0x8d: {  	s2 =	sadd.s32 s2, s14  }
0x8e: {  	[smem:$0x3FB8] =	sst s2  }
0x8f: {  	_ = 	snop  }
0x90: {  	s2 =	sld [smem:$0x3FD0];
	_ =	sdelay $0x2  }
0x91: {  	s15 =	simm.s32 $0xA;
	s4 =	simm.s32 $0x10  }
0x92: {  	[smem:s4], [sflag:s15] =	dma.local [hbm:s2], $0x1  }
0x93: {  	_ =	swait.eq [sflag:s15], $0x1  }
0x94: {  	[sflag:s15] =	ssyncset.done $0x0  }
0x95: {  	[sflag:s15] =	ssyncadd.s32 $0xFFFFFFFF  }
0x96: {  	s16 =	sld [smem:$0x10];
	(tm) =	ssettm $0x1  }
0x97: {  	s17 =	sld [smem:$0x3FFB];
	_ =	sdelay $0x3  }
0x98: {  	_ =	strace s17  }
0x99: {  	s3 =	sld [smem:$0x3FFC];
	_ =	sdelay $0x3  }
0x9a: {  	_ =	strace s3  }
0x9b: {  	s3 =	sld [smem:$0x3FFD];
	_ =	sdelay $0x3  }
0x9c: {  	_ =	strace s3  }
0x9d: {  	_ =	strace $0x8FFFFFFF  }
0x9e: {  	s18 =	sld [smem:$0x3FDB];
	_ =	sdelay $0x1  }
0x9f: {  	s19 =	simm.s32 $_scs_section_size  }
0xa0: {  	s5 =	simm.s32 $_size__tile_overlayer_lowered;
	s6 =	simm.s32 $_tile_overlayer_lowered  }
0xa1: {  	s22 =	simm.s32 $0x1BFF;
	s21 =	sshll.u32 s6, $0x1;
	s3 =	sadd.s32 s19, s18  }
0xa2: {  	s7 =	simm.s32 $0x0;
	s20 =	sshll.u32 s5, $0x1;
	s5 =	sadd.s32 s21, s3  }
0xa3: {  	[timem:s7], [sflag:s22] =	dma.local [hbm:s5], s20  }
0xa4: {  	_ =	swait.ge [sflag:s22], s20  }
0xa5: {  	s4 =	ssub.s32 $0x0, s20;
	[sflag:s22] =	ssyncset.done $0x0  }
0xa6: {  	[sflag:s22] =	ssyncadd.s32 s4;
	_ =	sdelay $0x1  }
0xa7: {  	s23 =	simm.s32 $0x1B8B  }
0xa8: {  	_ =	swait.ge [sflag:s23], $0x1  }
0xa9: {  	[sflag:s23] =	ssyncset.done $0x0  }
0xaa: {  	s25 =	simm.s32 $0x1B8E;
	s24 =	sld [smem:$0x3FFE];
	[sflag:s23] =	ssyncadd.s32 $0xFFFFFFFF  }
0xab: {  	s26 =	simm.s32 $execute0_lowered;
	[smem:$0x3FD2] =	sst s25  }
0xac: {  	s5 =	sshll.u32 s26, $0x1;
	_ =	strace $0x80000046;
	[dreg:$0x1] =	wrdreg $0xFFFFFFFF  }
0xad: {  	s28 =	simm.s32 $_size_execute0_lowered;
	s3 =	sadd.s32 s3, s5;
	[dreg:$0x0] =	wrdreg $0x0  }
0xae: {  	s5 =	sshll.u32 s28, $0x1;
	[dreg:$0x2] =	wrdreg s3  }
0xaf: {  	[dreg:$0x3] =	wrdreg s5  }
0xb0: {  	[dreg:$0x4] =	wrdreg $0xC0  }
0xb1: {  	_ =	task [dreg:s7], $0x5FFFF  }
0xb2: {  	[dreg:$0x1] =	wrdreg $0xFFFFFFFF  }
0xb3: {  	[dreg:$0x0] =	wrdreg $0x60  }
0xb4: {  	[dreg:$0x2] =	wrdreg s16  }
0xb5: {  	[dreg:$0x3] =	wrdreg s24  }
0xb6: {  	[dreg:$0x4] =	wrdreg $0x9  }
0xb7: {  	_ =	task.clear_ibuf [dreg:s7], $0x5FFFF;
	_ =	strace $0x90000046  }
0xb8: {  	s29 =	simm.s32 $0x9;
	_ =	strace $0x80000048  }
0xb9: {  	_ =	swait.ge [sflag:s29], $0x1  }
0xba: {  	[sflag:s29] =	ssyncadd.s32 $0xFFFFFFFF  }
0xbb: {  	_ =	strace $0x90000048  }
0xbc: {  	_ =	sfence  }
0xbd: {  	s30 =	sld [smem:$0x0];
	_ =	sdelay $0x2  }
0xbe: {  	s31 =	sshll.u32 s1, $0xD;
	s1 =	sshrl.u32 s1, $0x2  }
0xbf: {  	s3 =	sand.u32 $0x4000, s31;
	s1 =	sadd.s32 s1, s30  }
0xc0: {  	s0 =	sor.u32 s3, s0;
	s1 =	sshll.u32 s1, $0x11  }
0xc1: {  	s0 =	sor.u32 s1, s0  }
0xc2: {  	s0 =	sadd.s32 $0x8F2B, s0  }
0xc3: {  	[sflag:s0] =	ssyncadd.remote.s32 $0x1  }
0xc4: {  	_ =	sfence.sel $0xFFFF  }
0xc5: {  	[dreg:$0x0] =	wrdreg $0xFFFFFFFF;
	(pc) =	sbr.abs _section_cstart, $3  }
0xc6: {  	[dreg:$0x1] =	wrdreg $0xFFFFFFFF  }
0xc7: {  	_ =	task.clear_ibuf [dreg:s7], $0x2FFFF;
	_ =	strace $0x9FFFFFFF  }
0xc8: {  	(tm) =	ssettm $0x7FFFFFFF  }
0xc9: {  	_ =	shalt  }
tec
execute0_lowered:
.L_overlay_start_1:
0x0: {  	(tag) =	ssettag $0x1  }
0x1: {  	s1 =	srdreg.scid;
	s2 =	rddreg [dreg:$0x0]  }
0x2: {  	s0 =	stileid.u32;
	s5 =	rddreg [dreg:$0x1];
	s3 =	simm.s32 $0x0  }
0x3: {  	s8 =	simm.s32 $0x80;
	s4 =	sand.u32 $0x1, s1;
	s30 =	sshll.u32 s0, $0x1  }
0x4: {  	s9 =	simm.s32 $0x1;
	s10 =	simm.s32 $0x1400;
	s6 =	sor.u32 s4, s30  }
0x5: {  	s11 =	simm.s32 $0x0;
	s1 =	rddreg [dreg:$0x2];
	s7 =	smul.u32 $0x280, s6  }
0x6: {  	[smem:$0x7FF] =	sst s3;
	s4 =	ssub.s32 $0x2, s4;
	s6 =	smul.u32 $0x2800, s6  }
0x7: {  	_ =	strace $0x80000047;
	s31 =	sshrl.u32 s4, $0x1;
	s7 =	sadd.s32 s7, s5  }
0x8: {  	s5 =	sadd.s32 s6, s5;
	s6 =	ssub.s32 s4, s31;
	s4 =	sadd.s32 $0x2A200, s7  }
0x9: {  	s5 =	sadd.s32 $0x2F200, s5;
	s6 =	smax.u32 s6, $0x1;
	s7 =	simm.s32 $0x2  }
.LBB2_1:
0xa: {  	[tilespmem:s3], [sflag:$0x2] =	stream.linear.gather [hbm4b:s4+s3], $0x1400, $0x38;
	[tilespmem:$0x15400] =	vst v63  }
0xb: {  	_ =	swait.ge [sflag:s7], $0x1400  }
0xc: {  	[sflag:s7] =	ssyncset.done $0x0  }
0xd: {  	s12 =	simm.s32 $0x1400;
	s13 =	simm.s32 $0x0;
	[sflag:s7] =	ssyncadd.s32 $0xFFFFEC00  }
.LBB2_2:
0xe: {  	p0 =	sne.s32 s13, $0x4E00  }
.Ltmp0:
0xf: {  	_ = 	snop;
	(pc) =	sbr.rel @p0 .LBB2_2-.Ltmp0, $4  }
0x10: {  	_ = 	snop  }
0x11: {  	s14 =	sshra.s32 s13, $0x2  }
0x12: {  	[tilespmem:s12], [sflag:$0x1] =	stream.indirect.gather [hbm4b:s2+s8], $0x10, s14, s8, $0xb8;
	[tilespmem:$0x15400] =	vst v63  }
0x13: {  	s13 =	sadd.s32 $0x200, s13;
	s12 =	sadd.s32 $0x800, s12  }
0x14: {  	_ =	swait.ge [sflag:s9], $0x800  }
0x15: {  	s12 =	simm.s32 $0x27;
	[sflag:s9] =	ssyncset.done $0x0  }
.LBB2_4:
0x16: {  	p0 =	sne.s32 s12, $0x1;
	s12 =	sadd.s32 $0xFFFFFFFF, s12;
	[sflag:s9] =	ssyncadd.s32 $0xFFFFF800  }
.Ltmp1:
0x17: {  	(pc) =	sbr.rel @p0 .LBB2_4-.Ltmp1, $3  }
0x18: {  	_ =	sdelay $0x1  }
0x19: {  	_ =	swait.ge [sflag:s9], $0x800  }
0x1a: {  	[sflag:s9] =	ssyncset.done $0x0  }
0x1b: {  	s11 =	sadd.s32 $0x1, s11  }
0x1c: {  	p0 =	sne.s32 s11, s6  }
.Ltmp2:
0x1d: {  	[sflag:s9] =	ssyncadd.s32 $0xFFFFF800;
	(pc) =	sbr.rel @p0 .LBB2_1-.Ltmp2, $4  }
0x1e: {  	[hbm4b:s5+s3] =	stream.linear.scatter [tilespmem:s10], [sflag:$0x2], $0x14000, $0x38;
	[tilespmem:$0x15400] =	vst v63  }
0x1f: {  	_ =	swait.ge [sflag:s7], $0x14000  }
0x20: {  	[sflag:s7] =	ssyncset.done $0x0  }
0x21: {  	[sflag:s7] =	ssyncadd.s32 $0xFFFEC000  }
0x22: {  	_ =	sfence.sel $0x180000  }
0x23: {  	[bflag:$0x0] =	sbarrier.arrive $0xFFFF  }
0x24: {  	p0 =	sne.s32 s0, $0x0;
	_ =	strace $0x90000047  }
0x25: {  	s0 =	sadd.s32 @!p0 $0x100000, s1;
	[bflag:$0x2] =	sbarrier.arrive $0xFFFF  }
0x26: {  	[sflag:s0] =	ssyncadd.tile.s32 @!p0 $0x1;
	_ =	shalt  }
.Lfunc_end2:
_tile_overlayer_lowered:
.L_overlay_start_2:
0x27: {  	(tag) =	ssettag $0x2  }
0x28: {  	s0 =	rddreg [dreg:$0x0];
	s2 =	stileid.u32  }
0x29: {  	s1 =	rddreg [dreg:$0x1];
	p0 =	sne.s32 s2, $0x0  }
0x2a: {  	s3 =	rddreg [dreg:$0x2];
	[bflag:$0x3] =	sbarrier.arrive $0xFFFF;
	s2 =	simm.s32 @!p0 $0x1C02  }
0x2b: {  	[timem:s3], [sflag:s2] =	dma.local @!p0 [hbm:s0], s1  }
0x2c: {  	s0 =	simm.s32 @!p0 $0x2  }
0x2d: {  	_ =	swait.ge @!p0 [sflag:s0], s1  }
0x2e: {  	s1 =	ssub.s32 @!p0 $0x0, s1;
	[sflag:s0] =	ssyncset.done @!p0 $0x0  }
0x2f: {  	[sflag:s0] =	ssyncadd.s32 @!p0 s1  }
0x30: {  	[bflag:$0x3] =	sbarrier.arrive $0xFFFF  }
0x31: {  	_ =	shalt  }

// kernel: kernel.13.cloned.1.call-start
scs
__scs_entry_jumppad:
0x0: {  	(pc) =	sbr.rel $0x88, $3  }
0x1: {  	(tag) =	ssettag $0x0;
	lr =	simm.s32 $0x1  }
0x2: {  	[smem:$0x3F91] =	sst lr;
	_ =	strace $0xD0000000  }
0x3: {  	_ = 	snop  }
0x4: {  	_ = 	snop  }
0x5: {  	_ = 	snop  }
0x6: {  	_ = 	snop  }
0x7: {  	_ = 	snop  }
__scs_overlays_trampoline_lowered:
0x8: {  	[smem:$0x3FA0] =	sst s0  }
0x9: {  	[smem:$0x3FA1] =	sst s1  }
0xa: {  	[smem:$0x3FA2] =	sst s2  }
0xb: {  	[smem:$0x3FA3] =	sst s3  }
0xc: {  	[smem:$0x3FA4] =	sst s4  }
0xd: {  	[smem:$0x3FA5] =	sst s5  }
0xe: {  	[smem:$0x3FA6] =	sst s6  }
0xf: {  	[smem:$0x3FA7] =	sst s7  }
0x10: {  	[smem:$0x3FA8] =	sst s8  }
0x11: {  	[smem:$0x3FA9] =	sst s9;
	s0 =	simm.s32 @!p0 $0x0  }
0x12: {  	s1 =	sld [smem:$0x3F8F];
	s0 =	simm.s32 @p0 $0x1  }
0x13: {  	[smem:$0x3FAA] =	sst s0;
	s0 =	simm.s32 @!p1 $0x0  }
0x14: {  	s2 =	sld [smem:$0x3F8E];
	s0 =	simm.s32 @p1 $0x1  }
0x15: {  	[smem:$0x3FAB] =	sst s0;
	s0 =	simm.s32 @!p2 $0x0  }
0x16: {  	s3 =	sld [smem:$0x3FDB];
	s0 =	simm.s32 @p2 $0x1  }
0x17: {  	s4 =	simm.s32 $0x1BF5;
	[smem:$0x3FAD] =	sst s0  }
0x18: {  	s0 =	sld [smem:$0x3F90];
	_ =	swait.ge [sflag:s4], $0x0  }
0x19: {  	s7 =	sld [smem:$0x3F91]  }
0x1a: {  	s8 =	sadd.s32 $0xFFFFE003, lr  }
0x1b: {  	s9 =	sadd.s32 $0xFFFFFEF7, lr;
	s5 =	simm.s32 $0xFFFFFFFF;
	p2 =	slt.u32 s8, $0xFFFFF086  }
0x1c: {  	p1 =	slt.u32 s9, $0xF7A;
	s5 =	simm.s32 @!p2 $0x0  }
0x1d: {  	s5 =	simm.s32 @p1 $0x1;
	p0 =	seq.s32 s7, s2  }
0x1e: {  	s7 =	smul.u32 @!p0 $0xF7A, s2;
	p2 =	seq.s32 @!p0 s5, $0x0  }
0x1f: {  	s9 =	smul.u32 $0xF7A, s1;
	s8 =	simm.s32 @!p0 $0x1BF5;
	p2 =	por !p2, p0  }
0x20: {  	[sflag:s8] =	ssyncset.s32 @!p0 $0xFFFFF086;
	s6 =	sadd.s32 @!p0 s3, s7;
	s7 =	simm.s32 @!p0 $0x108  }
0x21: {  	s3 =	sadd.s32 s3, s9;
	s6 =	sadd.s32 @!p0 $0x88, s6;
	s7 =	simm.s32 @p2 $0x1082  }
0x22: {  	[simem:s7], [sflag:s8] =	dma.local @!p0 [hbm:s6], $0xF7A  }
0x23: {  	s9 =	sor.u32 $0xD0000000, s2;
	s6 =	simm.s32 $0x108;
	_ =	swait.ge @!p0 [sflag:s8], $0x0  }
0x24: {  	s3 =	sadd.s32 $0x88, s3;
	s6 =	simm.s32 @!p1 $0x1082;
	[sflag:s4] =	ssyncset.s32 $0xFFFFF086  }
0x25: {  	[simem:s6], [sflag:s4] =	dma.local [hbm:s3], $0xF7A  }
0x26: {  	[smem:$0x3F91] =	sst s1;
	(tag) =	ssettag s2;
	_ =	strace s9  }
0x27: {  	s1 =	sld [smem:$0x3FA1]  }
0x28: {  	s2 =	sld [smem:$0x3FA2]  }
0x29: {  	s4 =	sld [smem:$0x3FA4]  }
0x2a: {  	p0 =	seq.s32 s5, $0x0;
	s5 =	sld [smem:$0x3FA5]  }
0x2b: {  	s6 =	sld [smem:$0x3FA6]  }
0x2c: {  	s7 =	sld [smem:$0x3FA7]  }
0x2d: {  	s3 =	simm.s32 $0x108;
	s8 =	sld [smem:$0x3FA8]  }
0x2e: {  	s3 =	simm.s32 @!p0 $0x1082;
	s9 =	sld [smem:$0x3FA9]  }
0x2f: {  	lr =	sadd.s32 s0, s3;
	s0 =	sld [smem:$0x3FA0]  }
0x30: {  	s3 =	sld [smem:$0x3FA3]  }
0x31: {  	[smem:$0x3FAC] =	sst s10  }
0x32: {  	s10 =	sld [smem:$0x3FAA];
	_ =	sdelay $0x3  }
0x33: {  	p0 =	seq.s32 s10, $0x1;
	s10 =	sld [smem:$0x3FAC];
	_ =	sdelay $0x3  }
0x34: {  	[smem:$0x3FAC] =	sst s10  }
0x35: {  	s10 =	sld [smem:$0x3FAB];
	_ =	sdelay $0x3  }
0x36: {  	p1 =	seq.s32 s10, $0x1;
	s10 =	sld [smem:$0x3FAC];
	_ =	sdelay $0x3  }
0x37: {  	[smem:$0x3FAC] =	sst s10  }
0x38: {  	s10 =	sld [smem:$0x3FAD]  }
0x39: {  	_ = 	snop;
	(pc) =	sbr.ind lr, $3  }
0x3a: {  	_ = 	snop  }
0x3b: {  	_ = 	snop  }
0x3c: {  	p2 =	seq.s32 s10, $0x1;
	s10 =	sld [smem:$0x3FAC]  }
0x3d: {  	_ =	shalt  }
0x3e: {  	_ =	shalt  }
0x3f: {  	_ =	shalt  }
0x40: {  	_ =	shalt  }
0x41: {  	_ =	shalt  }
0x42: {  	_ =	shalt  }
0x43: {  	_ =	shalt  }
0x44: {  	_ =	shalt  }
0x45: {  	_ =	shalt  }
0x46: {  	_ =	shalt  }
0x47: {  	_ =	shalt  }
0x48: {  	_ =	shalt  }
0x49: {  	_ =	shalt  }
0x4a: {  	_ =	shalt  }
0x4b: {  	_ =	shalt  }
0x4c: {  	_ =	shalt  }
0x4d: {  	_ =	shalt  }
0x4e: {  	_ =	shalt  }
0x4f: {  	_ =	shalt  }
0x50: {  	_ =	shalt  }
0x51: {  	_ =	shalt  }
0x52: {  	_ =	shalt  }
0x53: {  	_ =	shalt  }
0x54: {  	_ =	shalt  }
0x55: {  	_ =	shalt  }
0x56: {  	_ =	shalt  }
0x57: {  	_ =	shalt  }
0x58: {  	_ =	shalt  }
0x59: {  	_ =	shalt  }
0x5a: {  	_ =	shalt  }
0x5b: {  	_ =	shalt  }
0x5c: {  	_ =	shalt  }
0x5d: {  	_ =	shalt  }
0x5e: {  	_ =	shalt  }
0x5f: {  	_ =	shalt  }
0x60: {  	_ =	shalt  }
0x61: {  	_ =	shalt  }
0x62: {  	_ =	shalt  }
0x63: {  	_ =	shalt  }
0x64: {  	_ =	shalt  }
0x65: {  	_ =	shalt  }
0x66: {  	_ =	shalt  }
0x67: {  	_ =	shalt  }
0x68: {  	_ =	shalt  }
0x69: {  	_ =	shalt  }
0x6a: {  	_ =	shalt  }
0x6b: {  	_ =	shalt  }
0x6c: {  	_ =	shalt  }
0x6d: {  	_ =	shalt  }
0x6e: {  	_ =	shalt  }
0x6f: {  	_ =	shalt  }
0x70: {  	_ =	shalt  }
0x71: {  	_ =	shalt  }
0x72: {  	_ =	shalt  }
0x73: {  	_ =	shalt  }
0x74: {  	_ =	shalt  }
0x75: {  	_ =	shalt  }
0x76: {  	_ =	shalt  }
0x77: {  	_ =	shalt  }
0x78: {  	_ =	shalt  }
0x79: {  	_ =	shalt  }
0x7a: {  	_ =	shalt  }
0x7b: {  	_ =	shalt  }
0x7c: {  	_ =	shalt  }
0x7d: {  	_ =	shalt  }
0x7e: {  	_ =	shalt  }
0x7f: {  	_ =	shalt  }
0x80: {  	_ =	shalt  }
0x81: {  	_ =	shalt  }
0x82: {  	_ =	shalt  }
0x83: {  	_ =	shalt  }
0x84: {  	_ =	shalt  }
0x85: {  	_ =	shalt  }
0x86: {  	_ =	shalt  }
0x87: {  	_ =	shalt  }
.Lfunc_end0:
.L_simem_size_0:
called_computation.1_lowered:
.L_overlay_start_0:
0x88: {  	s2 =	sld [smem:$0x3FD9]  }
0x89: {  	s3 =	sld [smem:$0x3FFE];
	_ =	sdelay $0x1  }
0x8a: {  	s1 =	srdreg.scid  }
0x8b: {  	s0 =	sand.u32 $0x1, s1  }
0x8c: {  	s14 =	sshll.u32 s0, $0xA;
	s2 =	sadd.s32 s3, s2  }
0x8d: {  	s2 =	sadd.s32 s2, s14  }
0x8e: {  	[smem:$0x3FB8] =	sst s2  }
0x8f: {  	_ = 	snop  }
0x90: {  	s2 =	sld [smem:$0x3FD0];
	_ =	sdelay $0x2  }
0x91: {  	s15 =	simm.s32 $0xA;
	s4 =	simm.s32 $0x10  }
0x92: {  	[smem:s4], [sflag:s15] =	dma.local [hbm:s2], $0x1  }
0x93: {  	_ =	swait.eq [sflag:s15], $0x1  }
0x94: {  	[sflag:s15] =	ssyncset.done $0x0  }
0x95: {  	[sflag:s15] =	ssyncadd.s32 $0xFFFFFFFF  }
0x96: {  	s16 =	sld [smem:$0x10];
	(tm) =	ssettm $0x1  }
0x97: {  	s17 =	sld [smem:$0x3FFB];
	_ =	sdelay $0x3  }
0x98: {  	_ =	strace s17  }
0x99: {  	s3 =	sld [smem:$0x3FFC];
	_ =	sdelay $0x3  }
0x9a: {  	_ =	strace s3  }
0x9b: {  	s3 =	sld [smem:$0x3FFD];
	_ =	sdelay $0x3  }
0x9c: {  	_ =	strace s3  }
0x9d: {  	_ =	strace $0x8FFFFFFF  }
0x9e: {  	s18 =	sld [smem:$0x3FDB];
	_ =	sdelay $0x1  }
0x9f: {  	s19 =	simm.s32 $_scs_section_size  }
0xa0: {  	s5 =	simm.s32 $_size__tile_overlayer_lowered;
	s6 =	simm.s32 $_tile_overlayer_lowered  }
0xa1: {  	s22 =	simm.s32 $0x1BFF;
	s21 =	sshll.u32 s6, $0x1;
	s3 =	sadd.s32 s19, s18  }
0xa2: {  	s7 =	simm.s32 $0x0;
	s20 =	sshll.u32 s5, $0x1;
	s5 =	sadd.s32 s21, s3  }
0xa3: {  	[timem:s7], [sflag:s22] =	dma.local [hbm:s5], s20  }
0xa4: {  	_ =	swait.ge [sflag:s22], s20  }
0xa5: {  	s4 =	ssub.s32 $0x0, s20;
	[sflag:s22] =	ssyncset.done $0x0  }
0xa6: {  	[sflag:s22] =	ssyncadd.s32 s4;
	_ =	sdelay $0x1  }
0xa7: {  	s23 =	simm.s32 $0x1B8B  }
0xa8: {  	_ =	swait.ge [sflag:s23], $0x1  }
0xa9: {  	[sflag:s23] =	ssyncset.done $0x0  }
0xaa: {  	s25 =	simm.s32 $0x1B8E;
	s24 =	sld [smem:$0x3FFE];
	[sflag:s23] =	ssyncadd.s32 $0xFFFFFFFF  }
0xab: {  	s26 =	simm.s32 $execute0_lowered;
	[smem:$0x3FD2] =	sst s25  }
0xac: {  	s5 =	sshll.u32 s26, $0x1;
	_ =	strace $0x80000049;
	[dreg:$0x1] =	wrdreg $0xFFFFFFFF  }
0xad: {  	s28 =	simm.s32 $_size_execute0_lowered;
	s3 =	sadd.s32 s3, s5;
	[dreg:$0x0] =	wrdreg $0x0  }
0xae: {  	s5 =	sshll.u32 s28, $0x1;
	[dreg:$0x2] =	wrdreg s3  }
0xaf: {  	[dreg:$0x3] =	wrdreg s5  }
0xb0: {  	[dreg:$0x4] =	wrdreg $0xC0  }
0xb1: {  	_ =	task [dreg:s7], $0x5FFFF  }
0xb2: {  	[dreg:$0x1] =	wrdreg $0xFFFFFFFF  }
0xb3: {  	[dreg:$0x0] =	wrdreg $0x60  }
0xb4: {  	[dreg:$0x2] =	wrdreg s24  }
0xb5: {  	[dreg:$0x3] =	wrdreg s16  }
0xb6: {  	[dreg:$0x4] =	wrdreg $0x0  }
0xb7: {  	[dreg:$0x5] =	wrdreg $0x9  }
0xb8: {  	_ =	task.clear_ibuf [dreg:s7], $0x6FFFF;
	_ =	strace $0x90000049  }
0xb9: {  	s29 =	simm.s32 $0x9;
	_ =	strace $0x8000004B  }
0xba: {  	_ =	swait.ge [sflag:s29], $0x1  }
0xbb: {  	[sflag:s29] =	ssyncadd.s32 $0xFFFFFFFF  }
0xbc: {  	_ =	strace $0x9000004B  }
0xbd: {  	_ =	sfence  }
0xbe: {  	s30 =	sld [smem:$0x0];
	_ =	sdelay $0x2  }
0xbf: {  	s31 =	sshll.u32 s1, $0xD;
	s1 =	sshrl.u32 s1, $0x2  }
0xc0: {  	s3 =	sand.u32 $0x4000, s31;
	s1 =	sadd.s32 s1, s30  }
0xc1: {  	s0 =	sor.u32 s3, s0;
	s1 =	sshll.u32 s1, $0x11  }
0xc2: {  	s0 =	sor.u32 s1, s0  }
0xc3: {  	s0 =	sadd.s32 $0x8F2B, s0  }
0xc4: {  	[sflag:s0] =	ssyncadd.remote.s32 $0x1  }
0xc5: {  	_ =	sfence.sel $0xFFFF  }
0xc6: {  	[dreg:$0x0] =	wrdreg $0xFFFFFFFF;
	(pc) =	sbr.abs _section_cstart, $3  }
0xc7: {  	[dreg:$0x1] =	wrdreg $0xFFFFFFFF  }
0xc8: {  	_ =	task.clear_ibuf [dreg:s7], $0x2FFFF;
	_ =	strace $0x9FFFFFFF  }
0xc9: {  	(tm) =	ssettm $0x7FFFFFFF  }
tec
execute0_lowered:
.L_overlay_start_1:
0x0: {  	(tag) =	ssettag $0x1  }
0x1: {  	s0 =	rddreg [dreg:$0x0]  }
0x2: {  	s1 =	rddreg [dreg:$0x1]  }
0x3: {  	s2 =	rddreg [dreg:$0x2]  }
0x4: {  	s11 =	rddreg [dreg:$0x3];
	s6 =	simm.s32 $0x0  }
0x5: {  	s22 =	simm.s32 $0x4EA0;
	[smem:$0x7FF] =	sst s6  }
0x6: {  	s23 =	simm.s32 $0x4F20;
	_ =	strace $0x8000004A;
	[dreg:$0x9] =	wrdreg s22  }
0x7: {  	s3 =	srdreg.scid;
	s24 =	simm.s32 $0x4FA0;
	[dreg:$0xa] =	wrdreg s23  }
0x8: {  	s10 =	stileid.u32;
	s25 =	simm.s32 $0x5020;
	[dreg:$0xb] =	wrdreg s24  }
0x9: {  	s26 =	simm.s32 $0x50A0;
	s12 =	simm.s32 $0x53A0;
	[dreg:$0xc] =	wrdreg s25  }
0xa: {  	s13 =	simm.s32 $0x5420;
	s14 =	simm.s32 $0x54A0;
	[dreg:$0xd] =	wrdreg s26  }
0xb: {  	s16 =	simm.s32 $0x5520;
	s17 =	simm.s32 $0x55A0;
	[dreg:$0x13] =	wrdreg s12  }
0xc: {  	s18 =	simm.s32 $0x5620;
	s28 =	simm.s32 $0x14220;
	[dreg:$0x14] =	wrdreg s13  }
0xd: {  	p0 =	por $0x0, $0x0;
	s31 =	simm.s32 $0x15220;
	[dreg:$0x15] =	wrdreg s14  }
0xe: {  	s30 =	simm.s32 $0x16220;
	s29 =	simm.s32 $0x17220;
	[dreg:$0x16] =	wrdreg s16  }
0xf: {  	s3 =	sand.u32 $0x1, s3;
	s4 =	sshll.u32 s10, $0x1;
	[dreg:$0x17] =	wrdreg s17  }
0x10: {  	s5 =	smul.u32 $0x4E20, s10;
	[dreg:$0x18] =	wrdreg s18;
	s22 =	simm.s32 $0x5720  }
0x11: {  	s4 =	sor.u32 s3, s4;
	s23 =	simm.s32 $0x57A0;
	[dreg:$0x1a] =	wrdreg s22  }
0x12: {  	s7 =	smul.u32 $0x4E200, s3;
	s24 =	simm.s32 $0x5820;
	[dreg:$0x1b] =	wrdreg s23  }
0x13: {  	s15 =	ssub.s32 $0x2, s3;
	s25 =	simm.s32 $0x58A0;
	[dreg:$0x1c] =	wrdreg s24  }
0x14: {  	s26 =	simm.s32 $0x5920;
	s12 =	simm.s32 $0x5AA0;
	[dreg:$0x1d] =	wrdreg s25  }
0x15: {  	s13 =	simm.s32 $0x5B20;
	s14 =	simm.s32 $0x5BA0;
	[dreg:$0x1e] =	wrdreg s26  }
0x16: {  	s16 =	simm.s32 $0x5CA0;
	s17 =	simm.s32 $0x5D20;
	[smem:$0x7EF] =	sst s12  }
0x17: {  	s18 =	simm.s32 $0x5DA0;
	s8 =	smul.u32 $0x280, s4;
	[smem:$0x7F0] =	sst s13  }
0x18: {  	s4 =	smul.u32 $0x5000, s4;
	s9 =	sshrl.u32 s5, $0x3;
	[smem:$0x7F1] =	sst s14  }
0x19: {  	s3 =	sshrl.u32 s15, $0x1;
	s14 =	simm.s32 $0x9220;
	[smem:$0x7F3] =	sst s16  }
0x1a: {  	s16 =	simm.s32 $0xB220;
	[smem:$0x7F4] =	sst s17;
	s17 =	simm.s32 $0xC220  }
0x1b: {  	[smem:$0x7F5] =	sst s18;
	s18 =	simm.s32 $0xD220;
	s22 =	simm.s32 $0x5FA0  }
0x1c: {  	s23 =	simm.s32 $0x6020;
	s24 =	simm.s32 $0x60A0;
	[smem:$0x7F9] =	sst s22  }
0x1d: {  	s25 =	simm.s32 $0x6120;
	s26 =	simm.s32 $0x61A0;
	[smem:$0x7FA] =	sst s23  }
0x1e: {  	s7 =	sadd.s32 s5, s7;
	s1 =	sadd.s32 s1, s9;
	[smem:$0x7FB] =	sst s24  }
0x1f: {  	s9 =	simm.s32 $0x5320;
	s22 =	simm.s32 $0x11220;
	[smem:$0x7FC] =	sst s25  }
0x20: {  	s23 =	simm.s32 $0x12220;
	s24 =	simm.s32 $0x13220;
	[smem:$0x7FD] =	sst s26  }
0x21: {  	s25 =	simm.s32 $0x18220;
	s8 =	sadd.s32 s8, s0;
	[dreg:$0x4] =	wrdreg s1  }
0x22: {  	s7 =	sshrl.u32 s7, $0x3;
	s1 =	simm.s32 $0x5120;
	[dreg:$0x12] =	wrdreg s9  }
0x23: {  	s7 =	sadd.s32 s7, s0;
	s19 =	sadd.s32 $0x7F200, s8;
	[dreg:$0xe] =	wrdreg s1  }
0x24: {  	s0 =	sadd.s32 s4, s0;
	s4 =	simm.s32 $0x51A0;
	[dreg:$0x5] =	wrdreg s19  }
0x25: {  	s26 =	simm.s32 $0x19220;
	s8 =	simm.s32 $0x52A0;
	[dreg:$0xf] =	wrdreg s4  }
0x26: {  	s1 =	ssub.s32 s15, s3;
	s15 =	simm.s32 $0x5C20;
	[dreg:$0x11] =	wrdreg s8  }
0x27: {  	s9 =	simm.s32 $0x6220;
	s20 =	sadd.s32 $0x2F200, s7;
	[smem:$0x7F2] =	sst s15  }
0x28: {  	s21 =	sadd.s32 $0x84200, s0;
	s0 =	sadd.s32 $0x86A00, s0;
	[dreg:$0x6] =	wrdreg s20  }
0x29: {  	s7 =	simm.s32 $0x5220;
	s19 =	sadd.s32 s5, s2;
	[dreg:$0x7] =	wrdreg s21  }
0x2a: {  	s5 =	simm.s32 $0x3;
	s8 =	simm.s32 $0x5A20;
	[dreg:$0x8] =	wrdreg s0  }
0x2b: {  	s15 =	simm.s32 $0xA220;
	[dreg:$0x10] =	wrdreg s7;
	s20 =	simm.s32 $0x56A0  }
0x2c: {  	s21 =	sshll.u32 s10, $0x6;
	s0 =	smax.u32 s1, $0x1;
	[smem:$0x7EE] =	sst s8  }
0x2d: {  	s4 =	sshrl.u32 s19, $0x3;
	s7 =	simm.s32 $0x59A0;
	s1 =	rddreg [dreg:$0x4]  }
0x2e: {  	s10 =	simm.s32 $0x1;
	[dreg:$0x19] =	wrdreg s20;
	p1 =	sne.s32 s0, $0x1  }
.Ltmp0:
0x2f: {  	s19 =	simm.s32 $0x5E20;
	[dreg:$0x1f] =	wrdreg s7;
	(pc) =	sbr.rel @!p1 .LBB2_5-.Ltmp0, $4  }
0x30: {  	s8 =	simm.s32 $0x80;
	s3 =	sor.u32 $0x1C03, s21;
	[smem:$0x7F6] =	sst s19  }
0x31: {  	s20 =	simm.s32 $0x5EA0;
	s19 =	simm.s32 $0xE220;
	s21 =	simm.s32 $0x5F20  }
0x32: {  	s13 =	sadd.s32 $0xFFFFFFFF, s0;
	s7 =	simm.s32 $0x2;
	[smem:$0x7F7] =	sst s20  }
0x33: {  	s20 =	simm.s32 $0xF220;
	[smem:$0x7F8] =	sst s21;
	s21 =	simm.s32 $0x10220  }
0x34: {  	[spmem:s4], [sflag:s3] =	dma.local [hbm:s1], $0x9C4  }
0x35: {  	_ =	swait.ge [sflag:s5], $0x9C4  }
0x36: {  	[sflag:s5] =	ssyncset.done $0x0  }
0x37: {  	s0 =	simm.s32 $0x4E20;
	s12 =	rddreg [dreg:$0x5];
	[sflag:s5] =	ssyncadd.s32 $0xFFFFF63C  }
0x38: {  	[tilespmem:s0], [sflag:$0x3] =	stream.linear.gather [hbm4b:s12+s6], $0x1400, $0x38;
	[tilespmem:$0x1A220] =	vst v63  }
0x39: {  	_ =	swait.ge [sflag:s5], $0x1400  }
0x3a: {  	[sflag:s5] =	ssyncset.done $0x0  }
0x3b: {  	[sflag:s5] =	ssyncadd.s32 $0xFFFFEC00  }
0x3c: {  	[bflag:$0x0] =	sbarrier.arrive $0xFFFF  }
0x3d: {  	s11 =	rddreg [dreg:$0x7]  }
0x3e: {  	[tilespmem:s9], [sflag:$0x1] =	stream.linear.gather [hbm4b:s11+s6], $0x14000, $0x38;
	[tilespmem:$0x1A220] =	vst v63  }
0x3f: {  	_ =	swait.ge [sflag:s10], $0x14000  }
0x40: {  	[sflag:s10] =	ssyncset.done $0x0  }
0x41: {  	[sflag:s10] =	ssyncadd.s32 $0xFFFEC000  }
0x42: {  	[spmem:s2] =	stream.indirect.scatter.add.f32 [tilespmem:s9], [sflag:$0x2], $0x20, s0, s8, $0xb8;
	[tilespmem:$0x1A220] =	vst v63  }
0x43: {  	s11 =	simm.s32 $0x7220;
	s12 =	rddreg [dreg:$0x9]  }
0x44: {  	[spmem:s2] =	stream.indirect.scatter.add.f32 [tilespmem:s11], [sflag:$0x2], $0x20, s12, s8, $0xb8;
	[tilespmem:$0x1A220] =	vst v63  }
0x45: {  	s0 =	rddreg [dreg:$0xa];
	s12 =	simm.s32 $0x8220  }
0x46: {  	[spmem:s2] =	stream.indirect.scatter.add.f32 [tilespmem:s12], [sflag:$0x2], $0x20, s0, s8, $0xb8;
	[tilespmem:$0x1A220] =	vst v63  }
0x47: {  	s1 =	rddreg [dreg:$0xb]  }
0x48: {  	[spmem:s2] =	stream.indirect.scatter.add.f32 [tilespmem:s14], [sflag:$0x2], $0x20, s1, s8, $0xb8;
	[tilespmem:$0x1A220] =	vst v63  }
0x49: {  	s0 =	rddreg [dreg:$0xc]  }
0x4a: {  	[spmem:s2] =	stream.indirect.scatter.add.f32 [tilespmem:s15], [sflag:$0x2], $0x20, s0, s8, $0xb8;
	[tilespmem:$0x1A220] =	vst v63  }
0x4b: {  	s1 =	rddreg [dreg:$0xd]  }
0x4c: {  	[spmem:s2] =	stream.indirect.scatter.add.f32 [tilespmem:s16], [sflag:$0x2], $0x20, s1, s8, $0xb8;
	[tilespmem:$0x1A220] =	vst v63  }
0x4d: {  	s0 =	rddreg [dreg:$0xe]  }
0x4e: {  	[spmem:s2] =	stream.indirect.scatter.add.f32 [tilespmem:s17], [sflag:$0x2], $0x20, s0, s8, $0xb8;
	[tilespmem:$0x1A220] =	vst v63  }
0x4f: {  	s1 =	rddreg [dreg:$0xf]  }
0x50: {  	[spmem:s2] =	stream.indirect.scatter.add.f32 [tilespmem:s18], [sflag:$0x2], $0x20, s1, s8, $0xb8;
	[tilespmem:$0x1A220] =	vst v63  }
0x51: {  	s0 =	rddreg [dreg:$0x10]  }
0x52: {  	[spmem:s2] =	stream.indirect.scatter.add.f32 [tilespmem:s19], [sflag:$0x2], $0x20, s0, s8, $0xb8;
	[tilespmem:$0x1A220] =	vst v63  }
0x53: {  	s1 =	rddreg [dreg:$0x11]  }
0x54: {  	[spmem:s2] =	stream.indirect.scatter.add.f32 [tilespmem:s20], [sflag:$0x2], $0x20, s1, s8, $0xb8;
	[tilespmem:$0x1A220] =	vst v63  }
0x55: {  	s0 =	rddreg [dreg:$0x12]  }
0x56: {  	[spmem:s2] =	stream.indirect.scatter.add.f32 [tilespmem:s21], [sflag:$0x2], $0x20, s0, s8, $0xb8;
	[tilespmem:$0x1A220] =	vst v63  }
0x57: {  	s1 =	rddreg [dreg:$0x13]  }
0x58: {  	[spmem:s2] =	stream.indirect.scatter.add.f32 [tilespmem:s22], [sflag:$0x2], $0x20, s1, s8, $0xb8;
	[tilespmem:$0x1A220] =	vst v63  }
0x59: {  	s0 =	rddreg [dreg:$0x14]  }
0x5a: {  	[spmem:s2] =	stream.indirect.scatter.add.f32 [tilespmem:s23], [sflag:$0x2], $0x20, s0, s8, $0xb8;
	[tilespmem:$0x1A220] =	vst v63  }
0x5b: {  	s1 =	rddreg [dreg:$0x15]  }
0x5c: {  	[spmem:s2] =	stream.indirect.scatter.add.f32 [tilespmem:s24], [sflag:$0x2], $0x20, s1, s8, $0xb8;
	[tilespmem:$0x1A220] =	vst v63  }
0x5d: {  	s0 =	rddreg [dreg:$0x16]  }
0x5e: {  	[spmem:s2] =	stream.indirect.scatter.add.f32 [tilespmem:s28], [sflag:$0x2], $0x20, s0, s8, $0xb8;
	[tilespmem:$0x1A220] =	vst v63  }
0x5f: {  	s1 =	rddreg [dreg:$0x17]  }
0x60: {  	[spmem:s2] =	stream.indirect.scatter.add.f32 [tilespmem:s31], [sflag:$0x2], $0x20, s1, s8, $0xb8;
	[tilespmem:$0x1A220] =	vst v63  }
0x61: {  	s0 =	rddreg [dreg:$0x18]  }
0x62: {  	[spmem:s2] =	stream.indirect.scatter.add.f32 [tilespmem:s30], [sflag:$0x2], $0x20, s0, s8, $0xb8;
	[tilespmem:$0x1A220] =	vst v63  }
0x63: {  	s1 =	rddreg [dreg:$0x19]  }
0x64: {  	[spmem:s2] =	stream.indirect.scatter.add.f32 [tilespmem:s29], [sflag:$0x2], $0x20, s1, s8, $0xb8;
	[tilespmem:$0x1A220] =	vst v63  }
0x65: {  	s0 =	rddreg [dreg:$0x1a]  }
0x66: {  	[spmem:s2] =	stream.indirect.scatter.add.f32 [tilespmem:s25], [sflag:$0x2], $0x20, s0, s8, $0xb8;
	[tilespmem:$0x1A220] =	vst v63  }
0x67: {  	s1 =	rddreg [dreg:$0x1b]  }
0x68: {  	[spmem:s2] =	stream.indirect.scatter.add.f32 [tilespmem:s26], [sflag:$0x2], $0x20, s1, s8, $0xb8;
	[tilespmem:$0x1A220] =	vst v63  }
0x69: {  	_ =	swait.ge [sflag:s7], $0x1000  }
0x6a: {  	[sflag:s7] =	ssyncset.done $0x0  }
0x6b: {  	[sflag:s7] =	ssyncadd.s32 $0xFFFFF000  }
0x6c: {  	_ =	swait.ge [sflag:s7], $0x1000  }
0x6d: {  	[sflag:s7] =	ssyncset.done $0x0  }
0x6e: {  	[sflag:s7] =	ssyncadd.s32 $0xFFFFF000  }
0x6f: {  	_ =	swait.ge [sflag:s7], $0x1000  }
0x70: {  	[sflag:s7] =	ssyncset.done $0x0  }
0x71: {  	[sflag:s7] =	ssyncadd.s32 $0xFFFFF000  }
0x72: {  	_ =	swait.ge [sflag:s7], $0x1000  }
0x73: {  	[sflag:s7] =	ssyncset.done $0x0  }
0x74: {  	[sflag:s7] =	ssyncadd.s32 $0xFFFFF000  }
0x75: {  	_ =	swait.ge [sflag:s7], $0x1000  }
0x76: {  	[sflag:s7] =	ssyncset.done $0x0  }
0x77: {  	[sflag:s7] =	ssyncadd.s32 $0xFFFFF000  }
0x78: {  	_ =	swait.ge [sflag:s7], $0x1000  }
0x79: {  	[sflag:s7] =	ssyncset.done $0x0  }
0x7a: {  	[sflag:s7] =	ssyncadd.s32 $0xFFFFF000  }
0x7b: {  	_ =	swait.ge [sflag:s7], $0x1000  }
0x7c: {  	[sflag:s7] =	ssyncset.done $0x0  }
0x7d: {  	[sflag:s7] =	ssyncadd.s32 $0xFFFFF000  }
0x7e: {  	_ =	swait.ge [sflag:s7], $0x1000  }
0x7f: {  	[sflag:s7] =	ssyncset.done $0x0  }
0x80: {  	[sflag:s7] =	ssyncadd.s32 $0xFFFFF000  }
0x81: {  	_ =	swait.ge [sflag:s7], $0x1000  }
0x82: {  	[sflag:s7] =	ssyncset.done $0x0  }
0x83: {  	[sflag:s7] =	ssyncadd.s32 $0xFFFFF000  }
0x84: {  	_ =	swait.ge [sflag:s7], $0x1000  }
0x85: {  	[sflag:s7] =	ssyncset.done $0x0  }
0x86: {  	[sflag:s7] =	ssyncadd.s32 $0xFFFFF000  }
0x87: {  	_ =	swait.ge [sflag:s7], $0x1000  }
0x88: {  	[sflag:s7] =	ssyncset.done $0x0  }
0x89: {  	[sflag:s7] =	ssyncadd.s32 $0xFFFFF000  }
0x8a: {  	_ =	swait.ge [sflag:s7], $0x1000  }
0x8b: {  	[sflag:s7] =	ssyncset.done $0x0  }
0x8c: {  	[sflag:s7] =	ssyncadd.s32 $0xFFFFF000  }
0x8d: {  	_ =	swait.ge [sflag:s7], $0x1000  }
0x8e: {  	[sflag:s7] =	ssyncset.done $0x0  }
0x8f: {  	[sflag:s7] =	ssyncadd.s32 $0xFFFFF000  }
0x90: {  	_ =	swait.ge [sflag:s7], $0x1000  }
0x91: {  	[sflag:s7] =	ssyncset.done $0x0  }
0x92: {  	[sflag:s7] =	ssyncadd.s32 $0xFFFFF000  }
0x93: {  	_ =	swait.ge [sflag:s7], $0x1000  }
0x94: {  	[sflag:s7] =	ssyncset.done $0x0  }
0x95: {  	[sflag:s7] =	ssyncadd.s32 $0xFFFFF000  }
0x96: {  	_ =	swait.ge [sflag:s7], $0x1000  }
0x97: {  	[sflag:s7] =	ssyncset.done $0x0  }
0x98: {  	[sflag:s7] =	ssyncadd.s32 $0xFFFFF000  }
0x99: {  	_ =	swait.ge [sflag:s7], $0x1000  }
0x9a: {  	[sflag:s7] =	ssyncset.done $0x0  }
0x9b: {  	[sflag:s7] =	ssyncadd.s32 $0xFFFFF000  }
0x9c: {  	_ =	swait.ge [sflag:s7], $0x1000  }
0x9d: {  	[sflag:s7] =	ssyncset.done $0x0  }
0x9e: {  	[sflag:s7] =	ssyncadd.s32 $0xFFFFF000  }
0x9f: {  	_ =	swait.ge [sflag:s7], $0x1000  }
0xa0: {  	[sflag:s7] =	ssyncset.done $0x0  }
0xa1: {  	[sflag:s7] =	ssyncadd.s32 $0xFFFFF000  }
0xa2: {  	_ =	swait.ge [sflag:s7], $0x1000  }
0xa3: {  	[sflag:s7] =	ssyncset.done $0x0  }
0xa4: {  	s1 =	rddreg [dreg:$0x8];
	[sflag:s7] =	ssyncadd.s32 $0xFFFFF000  }
0xa5: {  	[tilespmem:s9], [sflag:$0x1] =	stream.linear.gather [hbm4b:s1+s6], $0x14000, $0x38;
	[tilespmem:$0x1A220] =	vst v63  }
0xa6: {  	_ =	swait.ge [sflag:s10], $0x14000  }
0xa7: {  	s0 =	rddreg [dreg:$0x1c];
	[sflag:s10] =	ssyncset.done $0x0  }
0xa8: {  	s1 =	rddreg [dreg:$0x1d];
	[sflag:s10] =	ssyncadd.s32 $0xFFFEC000  }
0xa9: {  	[spmem:s2] =	stream.indirect.scatter.add.f32 [tilespmem:s9], [sflag:$0x2], $0x20, s0, s8, $0xb8;
	[tilespmem:$0x1A220] =	vst v63  }
0xaa: {  	s0 =	rddreg [dreg:$0x1e]  }
0xab: {  	[spmem:s2] =	stream.indirect.scatter.add.f32 [tilespmem:s11], [sflag:$0x2], $0x20, s1, s8, $0xb8;
	[tilespmem:$0x1A220] =	vst v63  }
0xac: {  	s11 =	rddreg [dreg:$0x1f]  }
0xad: {  	[spmem:s2] =	stream.indirect.scatter.add.f32 [tilespmem:s12], [sflag:$0x2], $0x20, s0, s8, $0xb8;
	[tilespmem:$0x1A220] =	vst v63  }
0xae: {  	s12 =	sld [smem:$0x7EE]  }
0xaf: {  	[spmem:s2] =	stream.indirect.scatter.add.f32 [tilespmem:s14], [sflag:$0x2], $0x20, s11, s8, $0xb8;
	[tilespmem:$0x1A220] =	vst v63  }
0xb0: {  	s11 =	sld [smem:$0x7EF]  }
0xb1: {  	[spmem:s2] =	stream.indirect.scatter.add.f32 [tilespmem:s15], [sflag:$0x2], $0x20, s12, s8, $0xb8;
	[tilespmem:$0x1A220] =	vst v63  }
0xb2: {  	s12 =	sld [smem:$0x7F0]  }
0xb3: {  	[spmem:s2] =	stream.indirect.scatter.add.f32 [tilespmem:s16], [sflag:$0x2], $0x20, s11, s8, $0xb8;
	[tilespmem:$0x1A220] =	vst v63  }
0xb4: {  	s11 =	sld [smem:$0x7F1]  }
0xb5: {  	[spmem:s2] =	stream.indirect.scatter.add.f32 [tilespmem:s17], [sflag:$0x2], $0x20, s12, s8, $0xb8;
	[tilespmem:$0x1A220] =	vst v63  }
0xb6: {  	s12 =	sld [smem:$0x7F2]  }
0xb7: {  	[spmem:s2] =	stream.indirect.scatter.add.f32 [tilespmem:s18], [sflag:$0x2], $0x20, s11, s8, $0xb8;
	[tilespmem:$0x1A220] =	vst v63  }
0xb8: {  	s11 =	sld [smem:$0x7F3]  }
0xb9: {  	[spmem:s2] =	stream.indirect.scatter.add.f32 [tilespmem:s19], [sflag:$0x2], $0x20, s12, s8, $0xb8;
	[tilespmem:$0x1A220] =	vst v63  }
0xba: {  	s12 =	sld [smem:$0x7F4]  }
0xbb: {  	[spmem:s2] =	stream.indirect.scatter.add.f32 [tilespmem:s20], [sflag:$0x2], $0x20, s11, s8, $0xb8;
	[tilespmem:$0x1A220] =	vst v63  }
0xbc: {  	s11 =	sld [smem:$0x7F5]  }
0xbd: {  	[spmem:s2] =	stream.indirect.scatter.add.f32 [tilespmem:s21], [sflag:$0x2], $0x20, s12, s8, $0xb8;
	[tilespmem:$0x1A220] =	vst v63  }
0xbe: {  	s12 =	sld [smem:$0x7F6]  }
0xbf: {  	[spmem:s2] =	stream.indirect.scatter.add.f32 [tilespmem:s22], [sflag:$0x2], $0x20, s11, s8, $0xb8;
	[tilespmem:$0x1A220] =	vst v63  }
0xc0: {  	s11 =	sld [smem:$0x7F7]  }
0xc1: {  	[spmem:s2] =	stream.indirect.scatter.add.f32 [tilespmem:s23], [sflag:$0x2], $0x20, s12, s8, $0xb8;
	[tilespmem:$0x1A220] =	vst v63  }
0xc2: {  	s12 =	sld [smem:$0x7F8]  }
0xc3: {  	[spmem:s2] =	stream.indirect.scatter.add.f32 [tilespmem:s24], [sflag:$0x2], $0x20, s11, s8, $0xb8;
	[tilespmem:$0x1A220] =	vst v63  }
0xc4: {  	s11 =	sld [smem:$0x7F9]  }
0xc5: {  	[spmem:s2] =	stream.indirect.scatter.add.f32 [tilespmem:s28], [sflag:$0x2], $0x20, s12, s8, $0xb8;
	[tilespmem:$0x1A220] =	vst v63  }
0xc6: {  	s12 =	sld [smem:$0x7FA]  }
0xc7: {  	[spmem:s2] =	stream.indirect.scatter.add.f32 [tilespmem:s31], [sflag:$0x2], $0x20, s11, s8, $0xb8;
	[tilespmem:$0x1A220] =	vst v63  }
0xc8: {  	s11 =	sld [smem:$0x7FB]  }
0xc9: {  	[spmem:s2] =	stream.indirect.scatter.add.f32 [tilespmem:s30], [sflag:$0x2], $0x20, s12, s8, $0xb8;
	[tilespmem:$0x1A220] =	vst v63  }
0xca: {  	s12 =	sld [smem:$0x7FC]  }
0xcb: {  	[spmem:s2] =	stream.indirect.scatter.add.f32 [tilespmem:s29], [sflag:$0x2], $0x20, s11, s8, $0xb8;
	[tilespmem:$0x1A220] =	vst v63  }
0xcc: {  	s11 =	sld [smem:$0x7FD]  }
0xcd: {  	[spmem:s2] =	stream.indirect.scatter.add.f32 [tilespmem:s25], [sflag:$0x2], $0x20, s12, s8, $0xb8;
	[tilespmem:$0x1A220] =	vst v63  }
0xce: {  	_ = 	snop  }
0xcf: {  	[spmem:s2] =	stream.indirect.scatter.add.f32 [tilespmem:s26], [sflag:$0x2], $0x20, s11, s8, $0xb8;
	[tilespmem:$0x1A220] =	vst v63  }
0xd0: {  	_ =	swait.ge [sflag:s7], $0x1000  }
0xd1: {  	[sflag:s7] =	ssyncset.done $0x0  }
0xd2: {  	[sflag:s7] =	ssyncadd.s32 $0xFFFFF000  }
0xd3: {  	_ =	swait.ge [sflag:s7], $0x1000  }
0xd4: {  	[sflag:s7] =	ssyncset.done $0x0  }
0xd5: {  	[sflag:s7] =	ssyncadd.s32 $0xFFFFF000  }
0xd6: {  	_ =	swait.ge [sflag:s7], $0x1000  }
0xd7: {  	[sflag:s7] =	ssyncset.done $0x0  }
0xd8: {  	[sflag:s7] =	ssyncadd.s32 $0xFFFFF000  }
0xd9: {  	_ =	swait.ge [sflag:s7], $0x1000  }
0xda: {  	[sflag:s7] =	ssyncset.done $0x0  }
0xdb: {  	[sflag:s7] =	ssyncadd.s32 $0xFFFFF000  }
0xdc: {  	_ =	swait.ge [sflag:s7], $0x1000  }
0xdd: {  	[sflag:s7] =	ssyncset.done $0x0  }
0xde: {  	[sflag:s7] =	ssyncadd.s32 $0xFFFFF000  }
0xdf: {  	_ =	swait.ge [sflag:s7], $0x1000  }
0xe0: {  	[sflag:s7] =	ssyncset.done $0x0  }
0xe1: {  	[sflag:s7] =	ssyncadd.s32 $0xFFFFF000  }
0xe2: {  	_ =	swait.ge [sflag:s7], $0x1000  }
0xe3: {  	[sflag:s7] =	ssyncset.done $0x0  }
0xe4: {  	[sflag:s7] =	ssyncadd.s32 $0xFFFFF000  }
0xe5: {  	_ =	swait.ge [sflag:s7], $0x1000  }
0xe6: {  	[sflag:s7] =	ssyncset.done $0x0  }
0xe7: {  	[sflag:s7] =	ssyncadd.s32 $0xFFFFF000  }
0xe8: {  	_ =	swait.ge [sflag:s7], $0x1000  }
0xe9: {  	[sflag:s7] =	ssyncset.done $0x0  }
0xea: {  	[sflag:s7] =	ssyncadd.s32 $0xFFFFF000  }
0xeb: {  	_ =	swait.ge [sflag:s7], $0x1000  }
0xec: {  	[sflag:s7] =	ssyncset.done $0x0  }
0xed: {  	[sflag:s7] =	ssyncadd.s32 $0xFFFFF000  }
0xee: {  	_ =	swait.ge [sflag:s7], $0x1000  }
0xef: {  	[sflag:s7] =	ssyncset.done $0x0  }
0xf0: {  	[sflag:s7] =	ssyncadd.s32 $0xFFFFF000  }
0xf1: {  	_ =	swait.ge [sflag:s7], $0x1000  }
0xf2: {  	[sflag:s7] =	ssyncset.done $0x0  }
0xf3: {  	[sflag:s7] =	ssyncadd.s32 $0xFFFFF000  }
0xf4: {  	_ =	swait.ge [sflag:s7], $0x1000  }
0xf5: {  	[sflag:s7] =	ssyncset.done $0x0  }
0xf6: {  	[sflag:s7] =	ssyncadd.s32 $0xFFFFF000  }
0xf7: {  	_ =	swait.ge [sflag:s7], $0x1000  }
0xf8: {  	[sflag:s7] =	ssyncset.done $0x0  }
0xf9: {  	[sflag:s7] =	ssyncadd.s32 $0xFFFFF000  }
0xfa: {  	_ =	swait.ge [sflag:s7], $0x1000  }
0xfb: {  	[sflag:s7] =	ssyncset.done $0x0  }
0xfc: {  	[sflag:s7] =	ssyncadd.s32 $0xFFFFF000  }
0xfd: {  	_ =	swait.ge [sflag:s7], $0x1000  }
0xfe: {  	[sflag:s7] =	ssyncset.done $0x0  }
0xff: {  	[sflag:s7] =	ssyncadd.s32 $0xFFFFF000  }
0x100: {  	_ =	swait.ge [sflag:s7], $0x1000  }
0x101: {  	[sflag:s7] =	ssyncset.done $0x0  }
0x102: {  	[sflag:s7] =	ssyncadd.s32 $0xFFFFF000  }
0x103: {  	_ =	swait.ge [sflag:s7], $0x1000  }
0x104: {  	[sflag:s7] =	ssyncset.done $0x0  }
0x105: {  	[sflag:s7] =	ssyncadd.s32 $0xFFFFF000  }
0x106: {  	_ =	swait.ge [sflag:s7], $0x1000  }
0x107: {  	[sflag:s7] =	ssyncset.done $0x0  }
0x108: {  	[sflag:s7] =	ssyncadd.s32 $0xFFFFF000  }
0x109: {  	_ =	swait.ge [sflag:s7], $0x1000  }
0x10a: {  	[sflag:s7] =	ssyncset.done $0x0  }
0x10b: {  	p1 =	sne.s32 s13, $0x1;
	[sflag:s7] =	ssyncadd.s32 $0xFFFFF000  }
.Ltmp1:
0x10c: {  	[bflag:$0x0] =	sbarrier.arrive $0xFFFF;
	(pc) =	sbr.rel @!p1 .LBB2_6-.Ltmp1, $4  }
0x10d: {  	s12 =	rddreg [dreg:$0x6]  }
0x10e: {  	[hbm:s12], [sflag:s3] =	dma.local [spmem:s4], $0x9C4  }
0x10f: {  	p0 =	por $0x1, $0x1;
	_ =	swait.ge [sflag:s5], $0x9C4  }
0x110: {  	s0 =	sadd.s32 $0xFFFFFFFF, s13;
	s1 =	rddreg [dreg:$0x4];
	[sflag:s5] =	ssyncset.done $0x0  }
0x111: {  	s13 =	simm.s32 $0x7220;
	s12 =	simm.s32 $0x8220  }
.LBB2_3:
0x112: {  	[sflag:s5] =	ssyncadd.s32 $0xFFFFF63C  }
0x113: {  	[spmem:s4], [sflag:s3] =	dma.local [hbm:s1], $0x9C4  }
0x114: {  	_ =	swait.ge [sflag:s5], $0x9C4  }
0x115: {  	[sflag:s5] =	ssyncset.done $0x0  }
0x116: {  	s11 =	simm.s32 $0x4E20;
	s1 =	rddreg [dreg:$0x5];
	[sflag:s5] =	ssyncadd.s32 $0xFFFFF63C  }
0x117: {  	[tilespmem:s11], [sflag:$0x3] =	stream.linear.gather [hbm4b:s1+s6], $0x1400, $0x38;
	[tilespmem:$0x1A220] =	vst v63  }
0x118: {  	_ =	swait.ge [sflag:s5], $0x1400  }
0x119: {  	[sflag:s5] =	ssyncset.done $0x0  }
0x11a: {  	[sflag:s5] =	ssyncadd.s32 $0xFFFFEC00  }
0x11b: {  	[bflag:$0x0] =	sbarrier.arrive $0xFFFF  }
0x11c: {  	s1 =	rddreg [dreg:$0x7]  }
0x11d: {  	[tilespmem:s9], [sflag:$0x1] =	stream.linear.gather [hbm4b:s1+s6], $0x14000, $0x38;
	[tilespmem:$0x1A220] =	vst v63  }
0x11e: {  	_ =	swait.ge [sflag:s10], $0x14000  }
0x11f: {  	[sflag:s10] =	ssyncset.done $0x0  }
0x120: {  	[sflag:s10] =	ssyncadd.s32 $0xFFFEC000  }
0x121: {  	[spmem:s2] =	stream.indirect.scatter.add.f32 [tilespmem:s9], [sflag:$0x2], $0x20, s11, s8, $0xb8;
	[tilespmem:$0x1A220] =	vst v63  }
0x122: {  	s1 =	rddreg [dreg:$0x9]  }
0x123: {  	[spmem:s2] =	stream.indirect.scatter.add.f32 [tilespmem:s13], [sflag:$0x2], $0x20, s1, s8, $0xb8;
	[tilespmem:$0x1A220] =	vst v63  }
0x124: {  	s11 =	rddreg [dreg:$0xa]  }
0x125: {  	[spmem:s2] =	stream.indirect.scatter.add.f32 [tilespmem:s12], [sflag:$0x2], $0x20, s11, s8, $0xb8;
	[tilespmem:$0x1A220] =	vst v63  }
0x126: {  	s1 =	rddreg [dreg:$0xb]  }
0x127: {  	[spmem:s2] =	stream.indirect.scatter.add.f32 [tilespmem:s14], [sflag:$0x2], $0x20, s1, s8, $0xb8;
	[tilespmem:$0x1A220] =	vst v63  }
0x128: {  	s11 =	rddreg [dreg:$0xc]  }
0x129: {  	[spmem:s2] =	stream.indirect.scatter.add.f32 [tilespmem:s15], [sflag:$0x2], $0x20, s11, s8, $0xb8;
	[tilespmem:$0x1A220] =	vst v63  }
0x12a: {  	s1 =	rddreg [dreg:$0xd]  }
0x12b: {  	[spmem:s2] =	stream.indirect.scatter.add.f32 [tilespmem:s16], [sflag:$0x2], $0x20, s1, s8, $0xb8;
	[tilespmem:$0x1A220] =	vst v63  }
0x12c: {  	s11 =	rddreg [dreg:$0xe]  }
0x12d: {  	[spmem:s2] =	stream.indirect.scatter.add.f32 [tilespmem:s17], [sflag:$0x2], $0x20, s11, s8, $0xb8;
	[tilespmem:$0x1A220] =	vst v63  }
0x12e: {  	s1 =	rddreg [dreg:$0xf]  }
0x12f: {  	[spmem:s2] =	stream.indirect.scatter.add.f32 [tilespmem:s18], [sflag:$0x2], $0x20, s1, s8, $0xb8;
	[tilespmem:$0x1A220] =	vst v63  }
0x130: {  	s11 =	rddreg [dreg:$0x10]  }
0x131: {  	[spmem:s2] =	stream.indirect.scatter.add.f32 [tilespmem:s19], [sflag:$0x2], $0x20, s11, s8, $0xb8;
	[tilespmem:$0x1A220] =	vst v63  }
0x132: {  	s1 =	rddreg [dreg:$0x11]  }
0x133: {  	[spmem:s2] =	stream.indirect.scatter.add.f32 [tilespmem:s20], [sflag:$0x2], $0x20, s1, s8, $0xb8;
	[tilespmem:$0x1A220] =	vst v63  }
0x134: {  	s11 =	rddreg [dreg:$0x12]  }
0x135: {  	[spmem:s2] =	stream.indirect.scatter.add.f32 [tilespmem:s21], [sflag:$0x2], $0x20, s11, s8, $0xb8;
	[tilespmem:$0x1A220] =	vst v63  }
0x136: {  	s1 =	rddreg [dreg:$0x13]  }
0x137: {  	[spmem:s2] =	stream.indirect.scatter.add.f32 [tilespmem:s22], [sflag:$0x2], $0x20, s1, s8, $0xb8;
	[tilespmem:$0x1A220] =	vst v63  }
0x138: {  	s11 =	rddreg [dreg:$0x14]  }
0x139: {  	[spmem:s2] =	stream.indirect.scatter.add.f32 [tilespmem:s23], [sflag:$0x2], $0x20, s11, s8, $0xb8;
	[tilespmem:$0x1A220] =	vst v63  }
0x13a: {  	s1 =	rddreg [dreg:$0x15]  }
0x13b: {  	[spmem:s2] =	stream.indirect.scatter.add.f32 [tilespmem:s24], [sflag:$0x2], $0x20, s1, s8, $0xb8;
	[tilespmem:$0x1A220] =	vst v63  }
0x13c: {  	s11 =	rddreg [dreg:$0x16]  }
0x13d: {  	[spmem:s2] =	stream.indirect.scatter.add.f32 [tilespmem:s28], [sflag:$0x2], $0x20, s11, s8, $0xb8;
	[tilespmem:$0x1A220] =	vst v63  }
0x13e: {  	s1 =	rddreg [dreg:$0x17]  }
0x13f: {  	[spmem:s2] =	stream.indirect.scatter.add.f32 [tilespmem:s31], [sflag:$0x2], $0x20, s1, s8, $0xb8;
	[tilespmem:$0x1A220] =	vst v63  }
0x140: {  	s11 =	rddreg [dreg:$0x18]  }
0x141: {  	[spmem:s2] =	stream.indirect.scatter.add.f32 [tilespmem:s30], [sflag:$0x2], $0x20, s11, s8, $0xb8;
	[tilespmem:$0x1A220] =	vst v63  }
0x142: {  	s1 =	rddreg [dreg:$0x19]  }
0x143: {  	[spmem:s2] =	stream.indirect.scatter.add.f32 [tilespmem:s29], [sflag:$0x2], $0x20, s1, s8, $0xb8;
	[tilespmem:$0x1A220] =	vst v63  }
0x144: {  	s11 =	rddreg [dreg:$0x1a]  }
0x145: {  	[spmem:s2] =	stream.indirect.scatter.add.f32 [tilespmem:s25], [sflag:$0x2], $0x20, s11, s8, $0xb8;
	[tilespmem:$0x1A220] =	vst v63  }
0x146: {  	s1 =	rddreg [dreg:$0x1b]  }
0x147: {  	[spmem:s2] =	stream.indirect.scatter.add.f32 [tilespmem:s26], [sflag:$0x2], $0x20, s1, s8, $0xb8;
	[tilespmem:$0x1A220] =	vst v63  }
0x148: {  	_ =	swait.ge [sflag:s7], $0x1000  }
0x149: {  	[sflag:s7] =	ssyncset.done $0x0  }
0x14a: {  	[sflag:s7] =	ssyncadd.s32 $0xFFFFF000  }
0x14b: {  	_ =	swait.ge [sflag:s7], $0x1000  }
0x14c: {  	[sflag:s7] =	ssyncset.done $0x0  }
0x14d: {  	[sflag:s7] =	ssyncadd.s32 $0xFFFFF000  }
0x14e: {  	_ =	swait.ge [sflag:s7], $0x1000  }
0x14f: {  	[sflag:s7] =	ssyncset.done $0x0  }
0x150: {  	[sflag:s7] =	ssyncadd.s32 $0xFFFFF000  }
0x151: {  	_ =	swait.ge [sflag:s7], $0x1000  }
0x152: {  	[sflag:s7] =	ssyncset.done $0x0  }
0x153: {  	[sflag:s7] =	ssyncadd.s32 $0xFFFFF000  }
0x154: {  	_ =	swait.ge [sflag:s7], $0x1000  }
0x155: {  	[sflag:s7] =	ssyncset.done $0x0  }
0x156: {  	[sflag:s7] =	ssyncadd.s32 $0xFFFFF000  }
0x157: {  	_ =	swait.ge [sflag:s7], $0x1000  }
0x158: {  	[sflag:s7] =	ssyncset.done $0x0  }
0x159: {  	[sflag:s7] =	ssyncadd.s32 $0xFFFFF000  }
0x15a: {  	_ =	swait.ge [sflag:s7], $0x1000  }
0x15b: {  	[sflag:s7] =	ssyncset.done $0x0  }
0x15c: {  	[sflag:s7] =	ssyncadd.s32 $0xFFFFF000  }
0x15d: {  	_ =	swait.ge [sflag:s7], $0x1000  }
0x15e: {  	[sflag:s7] =	ssyncset.done $0x0  }
0x15f: {  	[sflag:s7] =	ssyncadd.s32 $0xFFFFF000  }
0x160: {  	_ =	swait.ge [sflag:s7], $0x1000  }
0x161: {  	[sflag:s7] =	ssyncset.done $0x0  }
0x162: {  	[sflag:s7] =	ssyncadd.s32 $0xFFFFF000  }
0x163: {  	_ =	swait.ge [sflag:s7], $0x1000  }
0x164: {  	[sflag:s7] =	ssyncset.done $0x0  }
0x165: {  	[sflag:s7] =	ssyncadd.s32 $0xFFFFF000  }
0x166: {  	_ =	swait.ge [sflag:s7], $0x1000  }
0x167: {  	[sflag:s7] =	ssyncset.done $0x0  }
0x168: {  	[sflag:s7] =	ssyncadd.s32 $0xFFFFF000  }
0x169: {  	_ =	swait.ge [sflag:s7], $0x1000  }
0x16a: {  	[sflag:s7] =	ssyncset.done $0x0  }
0x16b: {  	[sflag:s7] =	ssyncadd.s32 $0xFFFFF000  }
0x16c: {  	_ =	swait.ge [sflag:s7], $0x1000  }
0x16d: {  	[sflag:s7] =	ssyncset.done $0x0  }
0x16e: {  	[sflag:s7] =	ssyncadd.s32 $0xFFFFF000  }
0x16f: {  	_ =	swait.ge [sflag:s7], $0x1000  }
0x170: {  	[sflag:s7] =	ssyncset.done $0x0  }
0x171: {  	[sflag:s7] =	ssyncadd.s32 $0xFFFFF000  }
0x172: {  	_ =	swait.ge [sflag:s7], $0x1000  }
0x173: {  	[sflag:s7] =	ssyncset.done $0x0  }
0x174: {  	[sflag:s7] =	ssyncadd.s32 $0xFFFFF000  }
0x175: {  	_ =	swait.ge [sflag:s7], $0x1000  }
0x176: {  	[sflag:s7] =	ssyncset.done $0x0  }
0x177: {  	[sflag:s7] =	ssyncadd.s32 $0xFFFFF000  }
0x178: {  	_ =	swait.ge [sflag:s7], $0x1000  }
0x179: {  	[sflag:s7] =	ssyncset.done $0x0  }
0x17a: {  	[sflag:s7] =	ssyncadd.s32 $0xFFFFF000  }
0x17b: {  	_ =	swait.ge [sflag:s7], $0x1000  }
0x17c: {  	[sflag:s7] =	ssyncset.done $0x0  }
0x17d: {  	[sflag:s7] =	ssyncadd.s32 $0xFFFFF000  }
0x17e: {  	_ =	swait.ge [sflag:s7], $0x1000  }
0x17f: {  	[sflag:s7] =	ssyncset.done $0x0  }
0x180: {  	[sflag:s7] =	ssyncadd.s32 $0xFFFFF000  }
0x181: {  	_ =	swait.ge [sflag:s7], $0x1000  }
0x182: {  	[sflag:s7] =	ssyncset.done $0x0  }
0x183: {  	s11 =	rddreg [dreg:$0x8];
	[sflag:s7] =	ssyncadd.s32 $0xFFFFF000  }
0x184: {  	[tilespmem:s9], [sflag:$0x1] =	stream.linear.gather [hbm4b:s11+s6], $0x14000, $0x38;
	[tilespmem:$0x1A220] =	vst v63  }
0x185: {  	_ =	swait.ge [sflag:s10], $0x14000  }
0x186: {  	s1 =	rddreg [dreg:$0x1c];
	[sflag:s10] =	ssyncset.done $0x0  }
0x187: {  	s11 =	rddreg [dreg:$0x1d];
	[sflag:s10] =	ssyncadd.s32 $0xFFFEC000  }
0x188: {  	[spmem:s2] =	stream.indirect.scatter.add.f32 [tilespmem:s9], [sflag:$0x2], $0x20, s1, s8, $0xb8;
	[tilespmem:$0x1A220] =	vst v63  }
0x189: {  	s1 =	rddreg [dreg:$0x1e]  }
0x18a: {  	[spmem:s2] =	stream.indirect.scatter.add.f32 [tilespmem:s13], [sflag:$0x2], $0x20, s11, s8, $0xb8;
	[tilespmem:$0x1A220] =	vst v63  }
0x18b: {  	s11 =	rddreg [dreg:$0x1f]  }
0x18c: {  	[spmem:s2] =	stream.indirect.scatter.add.f32 [tilespmem:s12], [sflag:$0x2], $0x20, s1, s8, $0xb8;
	[tilespmem:$0x1A220] =	vst v63  }
0x18d: {  	s1 =	sld [smem:$0x7EE]  }
0x18e: {  	[spmem:s2] =	stream.indirect.scatter.add.f32 [tilespmem:s14], [sflag:$0x2], $0x20, s11, s8, $0xb8;
	[tilespmem:$0x1A220] =	vst v63  }
0x18f: {  	s11 =	sld [smem:$0x7EF]  }
0x190: {  	[spmem:s2] =	stream.indirect.scatter.add.f32 [tilespmem:s15], [sflag:$0x2], $0x20, s1, s8, $0xb8;
	[tilespmem:$0x1A220] =	vst v63  }
0x191: {  	s1 =	sld [smem:$0x7F0]  }
0x192: {  	[spmem:s2] =	stream.indirect.scatter.add.f32 [tilespmem:s16], [sflag:$0x2], $0x20, s11, s8, $0xb8;
	[tilespmem:$0x1A220] =	vst v63  }
0x193: {  	s11 =	sld [smem:$0x7F1]  }
0x194: {  	[spmem:s2] =	stream.indirect.scatter.add.f32 [tilespmem:s17], [sflag:$0x2], $0x20, s1, s8, $0xb8;
	[tilespmem:$0x1A220] =	vst v63  }
0x195: {  	s1 =	sld [smem:$0x7F2]  }
0x196: {  	[spmem:s2] =	stream.indirect.scatter.add.f32 [tilespmem:s18], [sflag:$0x2], $0x20, s11, s8, $0xb8;
	[tilespmem:$0x1A220] =	vst v63  }
0x197: {  	s11 =	sld [smem:$0x7F3]  }
0x198: {  	[spmem:s2] =	stream.indirect.scatter.add.f32 [tilespmem:s19], [sflag:$0x2], $0x20, s1, s8, $0xb8;
	[tilespmem:$0x1A220] =	vst v63  }
0x199: {  	s1 =	sld [smem:$0x7F4]  }
0x19a: {  	[spmem:s2] =	stream.indirect.scatter.add.f32 [tilespmem:s20], [sflag:$0x2], $0x20, s11, s8, $0xb8;
	[tilespmem:$0x1A220] =	vst v63  }
0x19b: {  	s11 =	sld [smem:$0x7F5]  }
0x19c: {  	[spmem:s2] =	stream.indirect.scatter.add.f32 [tilespmem:s21], [sflag:$0x2], $0x20, s1, s8, $0xb8;
	[tilespmem:$0x1A220] =	vst v63  }
0x19d: {  	s1 =	sld [smem:$0x7F6]  }
0x19e: {  	[spmem:s2] =	stream.indirect.scatter.add.f32 [tilespmem:s22], [sflag:$0x2], $0x20, s11, s8, $0xb8;
	[tilespmem:$0x1A220] =	vst v63  }
0x19f: {  	s11 =	sld [smem:$0x7F7]  }
0x1a0: {  	[spmem:s2] =	stream.indirect.scatter.add.f32 [tilespmem:s23], [sflag:$0x2], $0x20, s1, s8, $0xb8;
	[tilespmem:$0x1A220] =	vst v63  }
0x1a1: {  	s1 =	sld [smem:$0x7F8]  }
0x1a2: {  	[spmem:s2] =	stream.indirect.scatter.add.f32 [tilespmem:s24], [sflag:$0x2], $0x20, s11, s8, $0xb8;
	[tilespmem:$0x1A220] =	vst v63  }
0x1a3: {  	s11 =	sld [smem:$0x7F9]  }
0x1a4: {  	[spmem:s2] =	stream.indirect.scatter.add.f32 [tilespmem:s28], [sflag:$0x2], $0x20, s1, s8, $0xb8;
	[tilespmem:$0x1A220] =	vst v63  }
0x1a5: {  	s1 =	sld [smem:$0x7FA]  }
0x1a6: {  	[spmem:s2] =	stream.indirect.scatter.add.f32 [tilespmem:s31], [sflag:$0x2], $0x20, s11, s8, $0xb8;
	[tilespmem:$0x1A220] =	vst v63  }
0x1a7: {  	s11 =	sld [smem:$0x7FB]  }
0x1a8: {  	[spmem:s2] =	stream.indirect.scatter.add.f32 [tilespmem:s30], [sflag:$0x2], $0x20, s1, s8, $0xb8;
	[tilespmem:$0x1A220] =	vst v63  }
0x1a9: {  	s1 =	sld [smem:$0x7FC]  }
0x1aa: {  	[spmem:s2] =	stream.indirect.scatter.add.f32 [tilespmem:s29], [sflag:$0x2], $0x20, s11, s8, $0xb8;
	[tilespmem:$0x1A220] =	vst v63  }
0x1ab: {  	s11 =	sld [smem:$0x7FD]  }
0x1ac: {  	[spmem:s2] =	stream.indirect.scatter.add.f32 [tilespmem:s25], [sflag:$0x2], $0x20, s1, s8, $0xb8;
	[tilespmem:$0x1A220] =	vst v63  }
0x1ad: {  	_ = 	snop  }
0x1ae: {  	[spmem:s2] =	stream.indirect.scatter.add.f32 [tilespmem:s26], [sflag:$0x2], $0x20, s11, s8, $0xb8;
	[tilespmem:$0x1A220] =	vst v63  }
0x1af: {  	_ =	swait.ge [sflag:s7], $0x1000  }
0x1b0: {  	[sflag:s7] =	ssyncset.done $0x0  }
0x1b1: {  	[sflag:s7] =	ssyncadd.s32 $0xFFFFF000  }
0x1b2: {  	_ =	swait.ge [sflag:s7], $0x1000  }
0x1b3: {  	[sflag:s7] =	ssyncset.done $0x0  }
0x1b4: {  	[sflag:s7] =	ssyncadd.s32 $0xFFFFF000  }
0x1b5: {  	_ =	swait.ge [sflag:s7], $0x1000  }
0x1b6: {  	[sflag:s7] =	ssyncset.done $0x0  }
0x1b7: {  	[sflag:s7] =	ssyncadd.s32 $0xFFFFF000  }
0x1b8: {  	_ =	swait.ge [sflag:s7], $0x1000  }
0x1b9: {  	[sflag:s7] =	ssyncset.done $0x0  }
0x1ba: {  	[sflag:s7] =	ssyncadd.s32 $0xFFFFF000  }
0x1bb: {  	_ =	swait.ge [sflag:s7], $0x1000  }
0x1bc: {  	[sflag:s7] =	ssyncset.done $0x0  }
0x1bd: {  	[sflag:s7] =	ssyncadd.s32 $0xFFFFF000  }
0x1be: {  	_ =	swait.ge [sflag:s7], $0x1000  }
0x1bf: {  	[sflag:s7] =	ssyncset.done $0x0  }
0x1c0: {  	[sflag:s7] =	ssyncadd.s32 $0xFFFFF000  }
0x1c1: {  	_ =	swait.ge [sflag:s7], $0x1000  }
0x1c2: {  	[sflag:s7] =	ssyncset.done $0x0  }
0x1c3: {  	[sflag:s7] =	ssyncadd.s32 $0xFFFFF000  }
0x1c4: {  	_ =	swait.ge [sflag:s7], $0x1000  }
0x1c5: {  	[sflag:s7] =	ssyncset.done $0x0  }
0x1c6: {  	[sflag:s7] =	ssyncadd.s32 $0xFFFFF000  }
0x1c7: {  	_ =	swait.ge [sflag:s7], $0x1000  }
0x1c8: {  	[sflag:s7] =	ssyncset.done $0x0  }
0x1c9: {  	[sflag:s7] =	ssyncadd.s32 $0xFFFFF000  }
0x1ca: {  	_ =	swait.ge [sflag:s7], $0x1000  }
0x1cb: {  	[sflag:s7] =	ssyncset.done $0x0  }
0x1cc: {  	[sflag:s7] =	ssyncadd.s32 $0xFFFFF000  }
0x1cd: {  	_ =	swait.ge [sflag:s7], $0x1000  }
0x1ce: {  	[sflag:s7] =	ssyncset.done $0x0  }
0x1cf: {  	[sflag:s7] =	ssyncadd.s32 $0xFFFFF000  }
0x1d0: {  	_ =	swait.ge [sflag:s7], $0x1000  }
0x1d1: {  	[sflag:s7] =	ssyncset.done $0x0  }
0x1d2: {  	[sflag:s7] =	ssyncadd.s32 $0xFFFFF000  }
0x1d3: {  	_ =	swait.ge [sflag:s7], $0x1000  }
0x1d4: {  	[sflag:s7] =	ssyncset.done $0x0  }
0x1d5: {  	[sflag:s7] =	ssyncadd.s32 $0xFFFFF000  }
0x1d6: {  	_ =	swait.ge [sflag:s7], $0x1000  }
0x1d7: {  	[sflag:s7] =	ssyncset.done $0x0  }
0x1d8: {  	[sflag:s7] =	ssyncadd.s32 $0xFFFFF000  }
0x1d9: {  	_ =	swait.ge [sflag:s7], $0x1000  }
0x1da: {  	[sflag:s7] =	ssyncset.done $0x0  }
0x1db: {  	[sflag:s7] =	ssyncadd.s32 $0xFFFFF000  }
0x1dc: {  	_ =	swait.ge [sflag:s7], $0x1000  }
0x1dd: {  	[sflag:s7] =	ssyncset.done $0x0  }
0x1de: {  	[sflag:s7] =	ssyncadd.s32 $0xFFFFF000  }
0x1df: {  	_ =	swait.ge [sflag:s7], $0x1000  }
0x1e0: {  	[sflag:s7] =	ssyncset.done $0x0  }
0x1e1: {  	[sflag:s7] =	ssyncadd.s32 $0xFFFFF000  }
0x1e2: {  	_ =	swait.ge [sflag:s7], $0x1000  }
0x1e3: {  	[sflag:s7] =	ssyncset.done $0x0  }
0x1e4: {  	[sflag:s7] =	ssyncadd.s32 $0xFFFFF000  }
0x1e5: {  	_ =	swait.ge [sflag:s7], $0x1000  }
0x1e6: {  	[sflag:s7] =	ssyncset.done $0x0  }
0x1e7: {  	[sflag:s7] =	ssyncadd.s32 $0xFFFFF000  }
0x1e8: {  	_ =	swait.ge [sflag:s7], $0x1000  }
0x1e9: {  	[sflag:s7] =	ssyncset.done $0x0  }
0x1ea: {  	p1 =	sne.s32 s0, $0x1;
	[sflag:s7] =	ssyncadd.s32 $0xFFFFF000  }
.Ltmp2:
0x1eb: {  	[bflag:$0x0] =	sbarrier.arrive $0xFFFF;
	(pc) =	sbr.rel @p1 .LBB2_3-.Ltmp2, $4  }
0x1ec: {  	s11 =	rddreg [dreg:$0x6]  }
0x1ed: {  	[hbm:s11], [sflag:s3] =	dma.local [spmem:s4], $0x9C4  }
0x1ee: {  	_ =	swait.ge [sflag:s5], $0x9C4  }
0x1ef: {  	s0 =	sadd.s32 $0xFFFFFFFF, s0;
	s1 =	rddreg [dreg:$0x4];
	[sflag:s5] =	ssyncset.done $0x0  }
0x1f0: {  	s11 =	rddreg [dreg:$0x3]  }
.LBB2_5:
0x1f1: {  	[sflag:s5] =	ssyncadd.s32 @p0 $0xFFFFF63C  }
0x1f2: {  	[spmem:s4], [sflag:s3] =	dma.local [hbm:s1], $0x9C4  }
0x1f3: {  	_ =	swait.ge [sflag:s5], $0x9C4  }
0x1f4: {  	[sflag:s5] =	ssyncset.done $0x0  }
0x1f5: {  	s16 =	simm.s32 $0x4E20;
	s0 =	rddreg [dreg:$0x5];
	[sflag:s5] =	ssyncadd.s32 $0xFFFFF63C  }
0x1f6: {  	[tilespmem:s16], [sflag:$0x3] =	stream.linear.gather [hbm4b:s0+s6], $0x1400, $0x38;
	[tilespmem:$0x1A220] =	vst v63  }
0x1f7: {  	_ =	swait.ge [sflag:s5], $0x1400  }
0x1f8: {  	[sflag:s5] =	ssyncset.done $0x0  }
0x1f9: {  	[sflag:s5] =	ssyncadd.s32 $0xFFFFEC00  }
0x1fa: {  	[bflag:$0x0] =	sbarrier.arrive $0xFFFF  }
0x1fb: {  	s17 =	rddreg [dreg:$0x7]  }
0x1fc: {  	[tilespmem:s9], [sflag:$0x1] =	stream.linear.gather [hbm4b:s17+s6], $0x14000, $0x38;
	[tilespmem:$0x1A220] =	vst v63  }
0x1fd: {  	_ =	swait.ge [sflag:s10], $0x14000  }
0x1fe: {  	[sflag:s10] =	ssyncset.done $0x0  }
0x1ff: {  	[sflag:s10] =	ssyncadd.s32 $0xFFFEC000  }
0x200: {  	[spmem:s2] =	stream.indirect.scatter.add.f32 [tilespmem:s9], [sflag:$0x2], $0x20, s16, s8, $0xb8;
	[tilespmem:$0x1A220] =	vst v63  }
0x201: {  	s12 =	simm.s32 $0x7220;
	s18 =	rddreg [dreg:$0x9]  }
0x202: {  	[spmem:s2] =	stream.indirect.scatter.add.f32 [tilespmem:s12], [sflag:$0x2], $0x20, s18, s8, $0xb8;
	[tilespmem:$0x1A220] =	vst v63  }
0x203: {  	s13 =	simm.s32 $0x8220;
	s19 =	rddreg [dreg:$0xa]  }
0x204: {  	[spmem:s2] =	stream.indirect.scatter.add.f32 [tilespmem:s13], [sflag:$0x2], $0x20, s19, s8, $0xb8;
	[tilespmem:$0x1A220] =	vst v63  }
0x205: {  	s14 =	simm.s32 $0x9220;
	s20 =	rddreg [dreg:$0xb]  }
0x206: {  	[spmem:s2] =	stream.indirect.scatter.add.f32 [tilespmem:s14], [sflag:$0x2], $0x20, s20, s8, $0xb8;
	[tilespmem:$0x1A220] =	vst v63  }
0x207: {  	s15 =	simm.s32 $0xA220;
	s21 =	rddreg [dreg:$0xc]  }
0x208: {  	[spmem:s2] =	stream.indirect.scatter.add.f32 [tilespmem:s15], [sflag:$0x2], $0x20, s21, s8, $0xb8;
	[tilespmem:$0x1A220] =	vst v63  }
0x209: {  	s22 =	rddreg [dreg:$0xd];
	s16 =	simm.s32 $0xB220  }
0x20a: {  	[spmem:s2] =	stream.indirect.scatter.add.f32 [tilespmem:s16], [sflag:$0x2], $0x20, s22, s8, $0xb8;
	[tilespmem:$0x1A220] =	vst v63  }
0x20b: {  	s17 =	simm.s32 $0xC220;
	s23 =	rddreg [dreg:$0xe]  }
0x20c: {  	[spmem:s2] =	stream.indirect.scatter.add.f32 [tilespmem:s17], [sflag:$0x2], $0x20, s23, s8, $0xb8;
	[tilespmem:$0x1A220] =	vst v63  }
0x20d: {  	s24 =	rddreg [dreg:$0xf];
	s18 =	simm.s32 $0xD220  }
0x20e: {  	[spmem:s2] =	stream.indirect.scatter.add.f32 [tilespmem:s18], [sflag:$0x2], $0x20, s24, s8, $0xb8;
	[tilespmem:$0x1A220] =	vst v63  }
0x20f: {  	s25 =	rddreg [dreg:$0x10];
	s19 =	simm.s32 $0xE220  }
0x210: {  	[spmem:s2] =	stream.indirect.scatter.add.f32 [tilespmem:s19], [sflag:$0x2], $0x20, s25, s8, $0xb8;
	[tilespmem:$0x1A220] =	vst v63  }
0x211: {  	s26 =	rddreg [dreg:$0x11];
	s20 =	simm.s32 $0xF220  }
0x212: {  	[spmem:s2] =	stream.indirect.scatter.add.f32 [tilespmem:s20], [sflag:$0x2], $0x20, s26, s8, $0xb8;
	[tilespmem:$0x1A220] =	vst v63  }
0x213: {  	s28 =	rddreg [dreg:$0x12];
	s21 =	simm.s32 $0x10220  }
0x214: {  	[spmem:s2] =	stream.indirect.scatter.add.f32 [tilespmem:s21], [sflag:$0x2], $0x20, s28, s8, $0xb8;
	[tilespmem:$0x1A220] =	vst v63  }
0x215: {  	s29 =	rddreg [dreg:$0x13];
	s22 =	simm.s32 $0x11220  }
0x216: {  	[spmem:s2] =	stream.indirect.scatter.add.f32 [tilespmem:s22], [sflag:$0x2], $0x20, s29, s8, $0xb8;
	[tilespmem:$0x1A220] =	vst v63  }
0x217: {  	s30 =	rddreg [dreg:$0x14];
	s23 =	simm.s32 $0x12220  }
0x218: {  	[spmem:s2] =	stream.indirect.scatter.add.f32 [tilespmem:s23], [sflag:$0x2], $0x20, s30, s8, $0xb8;
	[tilespmem:$0x1A220] =	vst v63  }
0x219: {  	s31 =	rddreg [dreg:$0x15];
	s24 =	simm.s32 $0x13220  }
0x21a: {  	[spmem:s2] =	stream.indirect.scatter.add.f32 [tilespmem:s24], [sflag:$0x2], $0x20, s31, s8, $0xb8;
	[tilespmem:$0x1A220] =	vst v63  }
0x21b: {  	s25 =	rddreg [dreg:$0x16];
	s28 =	simm.s32 $0x14220  }
0x21c: {  	[spmem:s2] =	stream.indirect.scatter.add.f32 [tilespmem:s28], [sflag:$0x2], $0x20, s25, s8, $0xb8;
	[tilespmem:$0x1A220] =	vst v63  }
0x21d: {  	s26 =	rddreg [dreg:$0x17];
	s31 =	simm.s32 $0x15220  }
0x21e: {  	[spmem:s2] =	stream.indirect.scatter.add.f32 [tilespmem:s31], [sflag:$0x2], $0x20, s26, s8, $0xb8;
	[tilespmem:$0x1A220] =	vst v63  }
0x21f: {  	s29 =	rddreg [dreg:$0x18];
	s30 =	simm.s32 $0x16220  }
0x220: {  	[spmem:s2] =	stream.indirect.scatter.add.f32 [tilespmem:s30], [sflag:$0x2], $0x20, s29, s8, $0xb8;
	[tilespmem:$0x1A220] =	vst v63  }
0x221: {  	s25 =	rddreg [dreg:$0x19];
	s29 =	simm.s32 $0x17220  }
0x222: {  	[spmem:s2] =	stream.indirect.scatter.add.f32 [tilespmem:s29], [sflag:$0x2], $0x20, s25, s8, $0xb8;
	[tilespmem:$0x1A220] =	vst v63  }
0x223: {  	s26 =	rddreg [dreg:$0x1a];
	s25 =	simm.s32 $0x18220  }
0x224: {  	[spmem:s2] =	stream.indirect.scatter.add.f32 [tilespmem:s25], [sflag:$0x2], $0x20, s26, s8, $0xb8;
	[tilespmem:$0x1A220] =	vst v63  }
0x225: {  	s0 =	rddreg [dreg:$0x1b];
	s26 =	simm.s32 $0x19220  }
0x226: {  	[spmem:s2] =	stream.indirect.scatter.add.f32 [tilespmem:s26], [sflag:$0x2], $0x20, s0, s8, $0xb8;
	[tilespmem:$0x1A220] =	vst v63  }
0x227: {  	_ =	swait.ge [sflag:s7], $0x1000  }
0x228: {  	[sflag:s7] =	ssyncset.done $0x0  }
0x229: {  	[sflag:s7] =	ssyncadd.s32 $0xFFFFF000  }
0x22a: {  	_ =	swait.ge [sflag:s7], $0x1000  }
0x22b: {  	[sflag:s7] =	ssyncset.done $0x0  }
0x22c: {  	[sflag:s7] =	ssyncadd.s32 $0xFFFFF000  }
0x22d: {  	_ =	swait.ge [sflag:s7], $0x1000  }
0x22e: {  	[sflag:s7] =	ssyncset.done $0x0  }
0x22f: {  	[sflag:s7] =	ssyncadd.s32 $0xFFFFF000  }
0x230: {  	_ =	swait.ge [sflag:s7], $0x1000  }
0x231: {  	[sflag:s7] =	ssyncset.done $0x0  }
0x232: {  	[sflag:s7] =	ssyncadd.s32 $0xFFFFF000  }
0x233: {  	_ =	swait.ge [sflag:s7], $0x1000  }
0x234: {  	[sflag:s7] =	ssyncset.done $0x0  }
0x235: {  	[sflag:s7] =	ssyncadd.s32 $0xFFFFF000  }
0x236: {  	_ =	swait.ge [sflag:s7], $0x1000  }
0x237: {  	[sflag:s7] =	ssyncset.done $0x0  }
0x238: {  	[sflag:s7] =	ssyncadd.s32 $0xFFFFF000  }
0x239: {  	_ =	swait.ge [sflag:s7], $0x1000  }
0x23a: {  	[sflag:s7] =	ssyncset.done $0x0  }
0x23b: {  	[sflag:s7] =	ssyncadd.s32 $0xFFFFF000  }
0x23c: {  	_ =	swait.ge [sflag:s7], $0x1000  }
0x23d: {  	[sflag:s7] =	ssyncset.done $0x0  }
0x23e: {  	[sflag:s7] =	ssyncadd.s32 $0xFFFFF000  }
0x23f: {  	_ =	swait.ge [sflag:s7], $0x1000  }
0x240: {  	[sflag:s7] =	ssyncset.done $0x0  }
0x241: {  	[sflag:s7] =	ssyncadd.s32 $0xFFFFF000  }
0x242: {  	_ =	swait.ge [sflag:s7], $0x1000  }
0x243: {  	[sflag:s7] =	ssyncset.done $0x0  }
0x244: {  	[sflag:s7] =	ssyncadd.s32 $0xFFFFF000  }
0x245: {  	_ =	swait.ge [sflag:s7], $0x1000  }
0x246: {  	[sflag:s7] =	ssyncset.done $0x0  }
0x247: {  	[sflag:s7] =	ssyncadd.s32 $0xFFFFF000  }
0x248: {  	_ =	swait.ge [sflag:s7], $0x1000  }
0x249: {  	[sflag:s7] =	ssyncset.done $0x0  }
0x24a: {  	[sflag:s7] =	ssyncadd.s32 $0xFFFFF000  }
0x24b: {  	_ =	swait.ge [sflag:s7], $0x1000  }
0x24c: {  	[sflag:s7] =	ssyncset.done $0x0  }
0x24d: {  	[sflag:s7] =	ssyncadd.s32 $0xFFFFF000  }
0x24e: {  	_ =	swait.ge [sflag:s7], $0x1000  }
0x24f: {  	[sflag:s7] =	ssyncset.done $0x0  }
0x250: {  	[sflag:s7] =	ssyncadd.s32 $0xFFFFF000  }
0x251: {  	_ =	swait.ge [sflag:s7], $0x1000  }
0x252: {  	[sflag:s7] =	ssyncset.done $0x0  }
0x253: {  	[sflag:s7] =	ssyncadd.s32 $0xFFFFF000  }
0x254: {  	_ =	swait.ge [sflag:s7], $0x1000  }
0x255: {  	[sflag:s7] =	ssyncset.done $0x0  }
0x256: {  	[sflag:s7] =	ssyncadd.s32 $0xFFFFF000  }
0x257: {  	_ =	swait.ge [sflag:s7], $0x1000  }
0x258: {  	[sflag:s7] =	ssyncset.done $0x0  }
0x259: {  	[sflag:s7] =	ssyncadd.s32 $0xFFFFF000  }
0x25a: {  	_ =	swait.ge [sflag:s7], $0x1000  }
0x25b: {  	[sflag:s7] =	ssyncset.done $0x0  }
0x25c: {  	[sflag:s7] =	ssyncadd.s32 $0xFFFFF000  }
0x25d: {  	_ =	swait.ge [sflag:s7], $0x1000  }
0x25e: {  	[sflag:s7] =	ssyncset.done $0x0  }
0x25f: {  	[sflag:s7] =	ssyncadd.s32 $0xFFFFF000  }
0x260: {  	_ =	swait.ge [sflag:s7], $0x1000  }
0x261: {  	[sflag:s7] =	ssyncset.done $0x0  }
0x262: {  	s1 =	rddreg [dreg:$0x8];
	[sflag:s7] =	ssyncadd.s32 $0xFFFFF000  }
0x263: {  	[tilespmem:s9], [sflag:$0x1] =	stream.linear.gather [hbm4b:s1+s6], $0x14000, $0x38;
	[tilespmem:$0x1A220] =	vst v63  }
0x264: {  	_ =	swait.ge [sflag:s10], $0x14000  }
0x265: {  	s6 =	rddreg [dreg:$0x1c];
	[sflag:s10] =	ssyncset.done $0x0  }
0x266: {  	[sflag:s10] =	ssyncadd.s32 $0xFFFEC000;
	s10 =	rddreg [dreg:$0x1d]  }
0x267: {  	[spmem:s2] =	stream.indirect.scatter.add.f32 [tilespmem:s9], [sflag:$0x2], $0x20, s6, s8, $0xb8;
	[tilespmem:$0x1A220] =	vst v63  }
0x268: {  	s6 =	rddreg [dreg:$0x1e]  }
0x269: {  	[spmem:s2] =	stream.indirect.scatter.add.f32 [tilespmem:s12], [sflag:$0x2], $0x20, s10, s8, $0xb8;
	[tilespmem:$0x1A220] =	vst v63  }
0x26a: {  	s9 =	rddreg [dreg:$0x1f]  }
0x26b: {  	[spmem:s2] =	stream.indirect.scatter.add.f32 [tilespmem:s13], [sflag:$0x2], $0x20, s6, s8, $0xb8;
	[tilespmem:$0x1A220] =	vst v63  }
0x26c: {  	s10 =	sld [smem:$0x7EE]  }
0x26d: {  	[spmem:s2] =	stream.indirect.scatter.add.f32 [tilespmem:s14], [sflag:$0x2], $0x20, s9, s8, $0xb8;
	[tilespmem:$0x1A220] =	vst v63  }
0x26e: {  	s12 =	sld [smem:$0x7EF]  }
0x26f: {  	[spmem:s2] =	stream.indirect.scatter.add.f32 [tilespmem:s15], [sflag:$0x2], $0x20, s10, s8, $0xb8;
	[tilespmem:$0x1A220] =	vst v63  }
0x270: {  	s13 =	sld [smem:$0x7F0]  }
0x271: {  	[spmem:s2] =	stream.indirect.scatter.add.f32 [tilespmem:s16], [sflag:$0x2], $0x20, s12, s8, $0xb8;
	[tilespmem:$0x1A220] =	vst v63  }
0x272: {  	s14 =	sld [smem:$0x7F1]  }
0x273: {  	[spmem:s2] =	stream.indirect.scatter.add.f32 [tilespmem:s17], [sflag:$0x2], $0x20, s13, s8, $0xb8;
	[tilespmem:$0x1A220] =	vst v63  }
0x274: {  	s15 =	sld [smem:$0x7F2]  }
0x275: {  	[spmem:s2] =	stream.indirect.scatter.add.f32 [tilespmem:s18], [sflag:$0x2], $0x20, s14, s8, $0xb8;
	[tilespmem:$0x1A220] =	vst v63  }
0x276: {  	s16 =	sld [smem:$0x7F3]  }
0x277: {  	[spmem:s2] =	stream.indirect.scatter.add.f32 [tilespmem:s19], [sflag:$0x2], $0x20, s15, s8, $0xb8;
	[tilespmem:$0x1A220] =	vst v63  }
0x278: {  	s17 =	sld [smem:$0x7F4]  }
0x279: {  	[spmem:s2] =	stream.indirect.scatter.add.f32 [tilespmem:s20], [sflag:$0x2], $0x20, s16, s8, $0xb8;
	[tilespmem:$0x1A220] =	vst v63  }
0x27a: {  	s18 =	sld [smem:$0x7F5]  }
0x27b: {  	[spmem:s2] =	stream.indirect.scatter.add.f32 [tilespmem:s21], [sflag:$0x2], $0x20, s17, s8, $0xb8;
	[tilespmem:$0x1A220] =	vst v63  }
0x27c: {  	s19 =	sld [smem:$0x7F6]  }
0x27d: {  	[spmem:s2] =	stream.indirect.scatter.add.f32 [tilespmem:s22], [sflag:$0x2], $0x20, s18, s8, $0xb8;
	[tilespmem:$0x1A220] =	vst v63  }
0x27e: {  	s20 =	sld [smem:$0x7F7]  }
0x27f: {  	[spmem:s2] =	stream.indirect.scatter.add.f32 [tilespmem:s23], [sflag:$0x2], $0x20, s19, s8, $0xb8;
	[tilespmem:$0x1A220] =	vst v63  }
0x280: {  	s21 =	sld [smem:$0x7F8]  }
0x281: {  	[spmem:s2] =	stream.indirect.scatter.add.f32 [tilespmem:s24], [sflag:$0x2], $0x20, s20, s8, $0xb8;
	[tilespmem:$0x1A220] =	vst v63  }
0x282: {  	s22 =	sld [smem:$0x7F9]  }
0x283: {  	[spmem:s2] =	stream.indirect.scatter.add.f32 [tilespmem:s28], [sflag:$0x2], $0x20, s21, s8, $0xb8;
	[tilespmem:$0x1A220] =	vst v63  }
0x284: {  	s23 =	sld [smem:$0x7FA]  }
0x285: {  	[spmem:s2] =	stream.indirect.scatter.add.f32 [tilespmem:s31], [sflag:$0x2], $0x20, s22, s8, $0xb8;
	[tilespmem:$0x1A220] =	vst v63  }
0x286: {  	s24 =	sld [smem:$0x7FB]  }
0x287: {  	[spmem:s2] =	stream.indirect.scatter.add.f32 [tilespmem:s30], [sflag:$0x2], $0x20, s23, s8, $0xb8;
	[tilespmem:$0x1A220] =	vst v63  }
0x288: {  	s28 =	sld [smem:$0x7FC]  }
0x289: {  	[spmem:s2] =	stream.indirect.scatter.add.f32 [tilespmem:s29], [sflag:$0x2], $0x20, s24, s8, $0xb8;
	[tilespmem:$0x1A220] =	vst v63  }
0x28a: {  	s29 =	sld [smem:$0x7FD]  }
0x28b: {  	[spmem:s2] =	stream.indirect.scatter.add.f32 [tilespmem:s25], [sflag:$0x2], $0x20, s28, s8, $0xb8;
	[tilespmem:$0x1A220] =	vst v63  }
0x28c: {  	_ = 	snop  }
0x28d: {  	[spmem:s2] =	stream.indirect.scatter.add.f32 [tilespmem:s26], [sflag:$0x2], $0x20, s29, s8, $0xb8;
	[tilespmem:$0x1A220] =	vst v63  }
0x28e: {  	_ =	swait.ge [sflag:s7], $0x1000  }
0x28f: {  	[sflag:s7] =	ssyncset.done $0x0  }
0x290: {  	[sflag:s7] =	ssyncadd.s32 $0xFFFFF000  }
0x291: {  	_ =	swait.ge [sflag:s7], $0x1000  }
0x292: {  	[sflag:s7] =	ssyncset.done $0x0  }
0x293: {  	[sflag:s7] =	ssyncadd.s32 $0xFFFFF000  }
0x294: {  	_ =	swait.ge [sflag:s7], $0x1000  }
0x295: {  	[sflag:s7] =	ssyncset.done $0x0  }
0x296: {  	[sflag:s7] =	ssyncadd.s32 $0xFFFFF000  }
0x297: {  	_ =	swait.ge [sflag:s7], $0x1000  }
0x298: {  	[sflag:s7] =	ssyncset.done $0x0  }
0x299: {  	[sflag:s7] =	ssyncadd.s32 $0xFFFFF000  }
0x29a: {  	_ =	swait.ge [sflag:s7], $0x1000  }
0x29b: {  	[sflag:s7] =	ssyncset.done $0x0  }
0x29c: {  	[sflag:s7] =	ssyncadd.s32 $0xFFFFF000  }
0x29d: {  	_ =	swait.ge [sflag:s7], $0x1000  }
0x29e: {  	[sflag:s7] =	ssyncset.done $0x0  }
0x29f: {  	[sflag:s7] =	ssyncadd.s32 $0xFFFFF000  }
0x2a0: {  	_ =	swait.ge [sflag:s7], $0x1000  }
0x2a1: {  	[sflag:s7] =	ssyncset.done $0x0  }
0x2a2: {  	[sflag:s7] =	ssyncadd.s32 $0xFFFFF000  }
0x2a3: {  	_ =	swait.ge [sflag:s7], $0x1000  }
0x2a4: {  	[sflag:s7] =	ssyncset.done $0x0  }
0x2a5: {  	[sflag:s7] =	ssyncadd.s32 $0xFFFFF000  }
0x2a6: {  	_ =	swait.ge [sflag:s7], $0x1000  }
0x2a7: {  	[sflag:s7] =	ssyncset.done $0x0  }
0x2a8: {  	[sflag:s7] =	ssyncadd.s32 $0xFFFFF000  }
0x2a9: {  	_ =	swait.ge [sflag:s7], $0x1000  }
0x2aa: {  	[sflag:s7] =	ssyncset.done $0x0  }
0x2ab: {  	[sflag:s7] =	ssyncadd.s32 $0xFFFFF000  }
0x2ac: {  	_ =	swait.ge [sflag:s7], $0x1000  }
0x2ad: {  	[sflag:s7] =	ssyncset.done $0x0  }
0x2ae: {  	[sflag:s7] =	ssyncadd.s32 $0xFFFFF000  }
0x2af: {  	_ =	swait.ge [sflag:s7], $0x1000  }
0x2b0: {  	[sflag:s7] =	ssyncset.done $0x0  }
0x2b1: {  	[sflag:s7] =	ssyncadd.s32 $0xFFFFF000  }
0x2b2: {  	_ =	swait.ge [sflag:s7], $0x1000  }
0x2b3: {  	[sflag:s7] =	ssyncset.done $0x0  }
0x2b4: {  	[sflag:s7] =	ssyncadd.s32 $0xFFFFF000  }
0x2b5: {  	_ =	swait.ge [sflag:s7], $0x1000  }
0x2b6: {  	[sflag:s7] =	ssyncset.done $0x0  }
0x2b7: {  	[sflag:s7] =	ssyncadd.s32 $0xFFFFF000  }
0x2b8: {  	_ =	swait.ge [sflag:s7], $0x1000  }
0x2b9: {  	[sflag:s7] =	ssyncset.done $0x0  }
0x2ba: {  	[sflag:s7] =	ssyncadd.s32 $0xFFFFF000  }
0x2bb: {  	_ =	swait.ge [sflag:s7], $0x1000  }
0x2bc: {  	[sflag:s7] =	ssyncset.done $0x0  }
0x2bd: {  	[sflag:s7] =	ssyncadd.s32 $0xFFFFF000  }
0x2be: {  	_ =	swait.ge [sflag:s7], $0x1000  }
0x2bf: {  	[sflag:s7] =	ssyncset.done $0x0  }
0x2c0: {  	[sflag:s7] =	ssyncadd.s32 $0xFFFFF000  }
0x2c1: {  	_ =	swait.ge [sflag:s7], $0x1000  }
0x2c2: {  	[sflag:s7] =	ssyncset.done $0x0  }
0x2c3: {  	[sflag:s7] =	ssyncadd.s32 $0xFFFFF000  }
0x2c4: {  	_ =	swait.ge [sflag:s7], $0x1000  }
0x2c5: {  	[sflag:s7] =	ssyncset.done $0x0  }
0x2c6: {  	[sflag:s7] =	ssyncadd.s32 $0xFFFFF000  }
0x2c7: {  	_ =	swait.ge [sflag:s7], $0x1000  }
0x2c8: {  	[sflag:s7] =	ssyncset.done $0x0  }
0x2c9: {  	[sflag:s7] =	ssyncadd.s32 $0xFFFFF000  }
0x2ca: {  	[bflag:$0x0] =	sbarrier.arrive $0xFFFF  }
0x2cb: {  	s30 =	rddreg [dreg:$0x6]  }
0x2cc: {  	[hbm:s30], [sflag:s3] =	dma.local [spmem:s4], $0x9C4  }
0x2cd: {  	_ =	swait.ge [sflag:s5], $0x9C4  }
0x2ce: {  	[sflag:s5] =	ssyncset.done $0x0  }
0x2cf: {  	[sflag:s5] =	ssyncadd.s32 $0xFFFFF63C  }
0x2d0: {  	_ =	sfence.sel $0x180000  }
0x2d1: {  	s31 =	stileid.u32;
	[bflag:$0x0] =	sbarrier.arrive $0xFFFF  }
0x2d2: {  	p0 =	sne.s32 s31, $0x0;
	_ =	strace $0x9000004A  }
0x2d3: {  	s0 =	sadd.s32 @!p0 $0x100000, s11;
	[bflag:$0x2] =	sbarrier.arrive $0xFFFF  }
0x2d4: {  	[sflag:s0] =	ssyncadd.tile.s32 @!p0 $0x1;
	_ =	shalt  }
.LBB2_6:
.Ltmp3:
0x2d5: {  	(pc) =	sbr.rel .LBB2_5-.Ltmp3, $2  }
0x2d6: {  	_ =	sdelay $0x2  }
0x2d7: {  	s11 =	rddreg [dreg:$0x3]  }
.Lfunc_end2:
_tile_overlayer_lowered:
.L_overlay_start_2:
0x2d8: {  	(tag) =	ssettag $0x2  }
0x2d9: {  	s0 =	rddreg [dreg:$0x0];
	s2 =	stileid.u32  }
0x2da: {  	s1 =	rddreg [dreg:$0x1];
	p0 =	sne.s32 s2, $0x0  }
0x2db: {  	s3 =	rddreg [dreg:$0x2];
	[bflag:$0x3] =	sbarrier.arrive $0xFFFF;
	s2 =	simm.s32 @!p0 $0x1C03  }
0x2dc: {  	[timem:s3], [sflag:s2] =	dma.local @!p0 [hbm:s0], s1  }
0x2dd: {  	s0 =	simm.s32 @!p0 $0x3  }
0x2de: {  	_ =	swait.ge @!p0 [sflag:s0], s1  }
0x2df: {  	s1 =	ssub.s32 @!p0 $0x0, s1;
	[sflag:s0] =	ssyncset.done @!p0 $0x0  }
0x2e0: {  	[sflag:s0] =	ssyncadd.s32 @!p0 s1  }
0x2e1: {  	[bflag:$0x3] =	sbarrier.arrive $0xFFFF  }
0x2e2: {  	_ =	shalt  }

// kernel: kernel.16.cloned.1.call-start
scs
__scs_entry_jumppad:
0x0: {  	(pc) =	sbr.rel $0x88, $3  }
0x1: {  	(tag) =	ssettag $0x0;
	lr =	simm.s32 $0x1  }
0x2: {  	[smem:$0x3F91] =	sst lr;
	_ =	strace $0xD0000000  }
0x3: {  	_ = 	snop  }
0x4: {  	_ = 	snop  }
0x5: {  	_ = 	snop  }
0x6: {  	_ = 	snop  }
0x7: {  	_ = 	snop  }
__scs_overlays_trampoline_lowered:
0x8: {  	[smem:$0x3FA0] =	sst s0  }
0x9: {  	[smem:$0x3FA1] =	sst s1  }
0xa: {  	[smem:$0x3FA2] =	sst s2  }
0xb: {  	[smem:$0x3FA3] =	sst s3  }
0xc: {  	[smem:$0x3FA4] =	sst s4  }
0xd: {  	[smem:$0x3FA5] =	sst s5  }
0xe: {  	[smem:$0x3FA6] =	sst s6  }
0xf: {  	[smem:$0x3FA7] =	sst s7  }
0x10: {  	[smem:$0x3FA8] =	sst s8  }
0x11: {  	[smem:$0x3FA9] =	sst s9;
	s0 =	simm.s32 @!p0 $0x0  }
0x12: {  	s1 =	sld [smem:$0x3F8F];
	s0 =	simm.s32 @p0 $0x1  }
0x13: {  	[smem:$0x3FAA] =	sst s0;
	s0 =	simm.s32 @!p1 $0x0  }
0x14: {  	s2 =	sld [smem:$0x3F8E];
	s0 =	simm.s32 @p1 $0x1  }
0x15: {  	[smem:$0x3FAB] =	sst s0;
	s0 =	simm.s32 @!p2 $0x0  }
0x16: {  	s3 =	sld [smem:$0x3FDB];
	s0 =	simm.s32 @p2 $0x1  }
0x17: {  	s4 =	simm.s32 $0x1BF5;
	[smem:$0x3FAD] =	sst s0  }
0x18: {  	s0 =	sld [smem:$0x3F90];
	_ =	swait.ge [sflag:s4], $0x0  }
0x19: {  	s7 =	sld [smem:$0x3F91]  }
0x1a: {  	s8 =	sadd.s32 $0xFFFFE003, lr  }
0x1b: {  	s9 =	sadd.s32 $0xFFFFFEF7, lr;
	s5 =	simm.s32 $0xFFFFFFFF;
	p2 =	slt.u32 s8, $0xFFFFF086  }
0x1c: {  	p1 =	slt.u32 s9, $0xF7A;
	s5 =	simm.s32 @!p2 $0x0  }
0x1d: {  	s5 =	simm.s32 @p1 $0x1;
	p0 =	seq.s32 s7, s2  }
0x1e: {  	s7 =	smul.u32 @!p0 $0xF7A, s2;
	p2 =	seq.s32 @!p0 s5, $0x0  }
0x1f: {  	s9 =	smul.u32 $0xF7A, s1;
	s8 =	simm.s32 @!p0 $0x1BF5;
	p2 =	por !p2, p0  }
0x20: {  	[sflag:s8] =	ssyncset.s32 @!p0 $0xFFFFF086;
	s6 =	sadd.s32 @!p0 s3, s7;
	s7 =	simm.s32 @!p0 $0x108  }
0x21: {  	s3 =	sadd.s32 s3, s9;
	s6 =	sadd.s32 @!p0 $0x88, s6;
	s7 =	simm.s32 @p2 $0x1082  }
0x22: {  	[simem:s7], [sflag:s8] =	dma.local @!p0 [hbm:s6], $0xF7A  }
0x23: {  	s9 =	sor.u32 $0xD0000000, s2;
	s6 =	simm.s32 $0x108;
	_ =	swait.ge @!p0 [sflag:s8], $0x0  }
0x24: {  	s3 =	sadd.s32 $0x88, s3;
	s6 =	simm.s32 @!p1 $0x1082;
	[sflag:s4] =	ssyncset.s32 $0xFFFFF086  }
0x25: {  	[simem:s6], [sflag:s4] =	dma.local [hbm:s3], $0xF7A  }
0x26: {  	[smem:$0x3F91] =	sst s1;
	(tag) =	ssettag s2;
	_ =	strace s9  }
0x27: {  	s1 =	sld [smem:$0x3FA1]  }
0x28: {  	s2 =	sld [smem:$0x3FA2]  }
0x29: {  	s4 =	sld [smem:$0x3FA4]  }
0x2a: {  	p0 =	seq.s32 s5, $0x0;
	s5 =	sld [smem:$0x3FA5]  }
0x2b: {  	s6 =	sld [smem:$0x3FA6]  }
0x2c: {  	s7 =	sld [smem:$0x3FA7]  }
0x2d: {  	s3 =	simm.s32 $0x108;
	s8 =	sld [smem:$0x3FA8]  }
0x2e: {  	s3 =	simm.s32 @!p0 $0x1082;
	s9 =	sld [smem:$0x3FA9]  }
0x2f: {  	lr =	sadd.s32 s0, s3;
	s0 =	sld [smem:$0x3FA0]  }
0x30: {  	s3 =	sld [smem:$0x3FA3]  }
0x31: {  	[smem:$0x3FAC] =	sst s10  }
0x32: {  	s10 =	sld [smem:$0x3FAA];
	_ =	sdelay $0x3  }
0x33: {  	p0 =	seq.s32 s10, $0x1;
	s10 =	sld [smem:$0x3FAC];
	_ =	sdelay $0x3  }
0x34: {  	[smem:$0x3FAC] =	sst s10  }
0x35: {  	s10 =	sld [smem:$0x3FAB];
	_ =	sdelay $0x3  }
0x36: {  	p1 =	seq.s32 s10, $0x1;
	s10 =	sld [smem:$0x3FAC];
	_ =	sdelay $0x3  }
0x37: {  	[smem:$0x3FAC] =	sst s10  }
0x38: {  	s10 =	sld [smem:$0x3FAD]  }
0x39: {  	_ = 	snop;
	(pc) =	sbr.ind lr, $3  }
0x3a: {  	_ = 	snop  }
0x3b: {  	_ = 	snop  }
0x3c: {  	p2 =	seq.s32 s10, $0x1;
	s10 =	sld [smem:$0x3FAC]  }
0x3d: {  	_ =	shalt  }
0x3e: {  	_ =	shalt  }
0x3f: {  	_ =	shalt  }
0x40: {  	_ =	shalt  }
0x41: {  	_ =	shalt  }
0x42: {  	_ =	shalt  }
0x43: {  	_ =	shalt  }
0x44: {  	_ =	shalt  }
0x45: {  	_ =	shalt  }
0x46: {  	_ =	shalt  }
0x47: {  	_ =	shalt  }
0x48: {  	_ =	shalt  }
0x49: {  	_ =	shalt  }
0x4a: {  	_ =	shalt  }
0x4b: {  	_ =	shalt  }
0x4c: {  	_ =	shalt  }
0x4d: {  	_ =	shalt  }
0x4e: {  	_ =	shalt  }
0x4f: {  	_ =	shalt  }
0x50: {  	_ =	shalt  }
0x51: {  	_ =	shalt  }
0x52: {  	_ =	shalt  }
0x53: {  	_ =	shalt  }
0x54: {  	_ =	shalt  }
0x55: {  	_ =	shalt  }
0x56: {  	_ =	shalt  }
0x57: {  	_ =	shalt  }
0x58: {  	_ =	shalt  }
0x59: {  	_ =	shalt  }
0x5a: {  	_ =	shalt  }
0x5b: {  	_ =	shalt  }
0x5c: {  	_ =	shalt  }
0x5d: {  	_ =	shalt  }
0x5e: {  	_ =	shalt  }
0x5f: {  	_ =	shalt  }
0x60: {  	_ =	shalt  }
0x61: {  	_ =	shalt  }
0x62: {  	_ =	shalt  }
0x63: {  	_ =	shalt  }
0x64: {  	_ =	shalt  }
0x65: {  	_ =	shalt  }
0x66: {  	_ =	shalt  }
0x67: {  	_ =	shalt  }
0x68: {  	_ =	shalt  }
0x69: {  	_ =	shalt  }
0x6a: {  	_ =	shalt  }
0x6b: {  	_ =	shalt  }
0x6c: {  	_ =	shalt  }
0x6d: {  	_ =	shalt  }
0x6e: {  	_ =	shalt  }
0x6f: {  	_ =	shalt  }
0x70: {  	_ =	shalt  }
0x71: {  	_ =	shalt  }
0x72: {  	_ =	shalt  }
0x73: {  	_ =	shalt  }
0x74: {  	_ =	shalt  }
0x75: {  	_ =	shalt  }
0x76: {  	_ =	shalt  }
0x77: {  	_ =	shalt  }
0x78: {  	_ =	shalt  }
0x79: {  	_ =	shalt  }
0x7a: {  	_ =	shalt  }
0x7b: {  	_ =	shalt  }
0x7c: {  	_ =	shalt  }
0x7d: {  	_ =	shalt  }
0x7e: {  	_ =	shalt  }
0x7f: {  	_ =	shalt  }
0x80: {  	_ =	shalt  }
0x81: {  	_ =	shalt  }
0x82: {  	_ =	shalt  }
0x83: {  	_ =	shalt  }
0x84: {  	_ =	shalt  }
0x85: {  	_ =	shalt  }
0x86: {  	_ =	shalt  }
0x87: {  	_ =	shalt  }
.Lfunc_end0:
.L_simem_size_0:
called_computation.2_lowered:
.L_overlay_start_0:
0x88: {  	s2 =	sld [smem:$0x3FD9]  }
0x89: {  	s3 =	sld [smem:$0x3FFE];
	_ =	sdelay $0x1  }
0x8a: {  	s1 =	srdreg.scid  }
0x8b: {  	s0 =	sand.u32 $0x1, s1  }
0x8c: {  	s16 =	sshll.u32 s0, $0xA;
	s2 =	sadd.s32 s3, s2  }
0x8d: {  	s2 =	sadd.s32 s2, s16  }
0x8e: {  	[smem:$0x3FB8] =	sst s2  }
0x8f: {  	_ = 	snop  }
0x90: {  	(tm) =	ssettm $0x1  }
0x91: {  	s17 =	sld [smem:$0x3FFB];
	_ =	sdelay $0x3  }
0x92: {  	_ =	strace s17  }
0x93: {  	s2 =	sld [smem:$0x3FFC];
	_ =	sdelay $0x3  }
0x94: {  	_ =	strace s2  }
0x95: {  	s2 =	sld [smem:$0x3FFD];
	_ =	sdelay $0x3  }
0x96: {  	_ =	strace s2  }
0x97: {  	_ =	strace $0x8FFFFFFF  }
0x98: {  	s18 =	sld [smem:$0x3FDB];
	_ =	sdelay $0x1  }
0x99: {  	s19 =	simm.s32 $_scs_section_size  }
0x9a: {  	s4 =	simm.s32 $_size__tile_overlayer_lowered;
	s5 =	simm.s32 $_tile_overlayer_lowered  }
0x9b: {  	s22 =	simm.s32 $0x1BFF;
	s21 =	sshll.u32 s5, $0x1;
	s2 =	sadd.s32 s19, s18  }
0x9c: {  	s6 =	simm.s32 $0x0;
	s20 =	sshll.u32 s4, $0x1;
	s4 =	sadd.s32 s21, s2  }
0x9d: {  	[timem:s6], [sflag:s22] =	dma.local [hbm:s4], s20  }
0x9e: {  	_ =	swait.ge [sflag:s22], s20  }
0x9f: {  	s3 =	ssub.s32 $0x0, s20;
	[sflag:s22] =	ssyncset.done $0x0  }
0xa0: {  	[sflag:s22] =	ssyncadd.s32 s3;
	_ =	sdelay $0x1  }
0xa1: {  	s23 =	simm.s32 $0x1B8B  }
0xa2: {  	_ =	swait.ge [sflag:s23], $0x1  }
0xa3: {  	[sflag:s23] =	ssyncset.done $0x0  }
0xa4: {  	s25 =	simm.s32 $0x1B8E;
	s24 =	sld [smem:$0x3FFE];
	[sflag:s23] =	ssyncadd.s32 $0xFFFFFFFF  }
0xa5: {  	s26 =	simm.s32 $execute0_lowered;
	[smem:$0x3FD2] =	sst s25  }
0xa6: {  	s4 =	sshll.u32 s26, $0x1;
	_ =	strace $0x8000004C;
	[dreg:$0x1] =	wrdreg $0xFFFFFFFF  }
0xa7: {  	s28 =	simm.s32 $_size_execute0_lowered;
	s2 =	sadd.s32 s2, s4;
	[dreg:$0x0] =	wrdreg $0x0  }
0xa8: {  	s4 =	sshll.u32 s28, $0x1;
	[dreg:$0x2] =	wrdreg s2  }
0xa9: {  	[dreg:$0x3] =	wrdreg s4  }
0xaa: {  	[dreg:$0x4] =	wrdreg $0xC0  }
0xab: {  	_ =	task [dreg:s6], $0x5FFFF  }
0xac: {  	[dreg:$0x1] =	wrdreg $0xFFFFFFFF  }
0xad: {  	[dreg:$0x0] =	wrdreg $0x60  }
0xae: {  	[dreg:$0x2] =	wrdreg s24  }
0xaf: {  	[dreg:$0x3] =	wrdreg $0x9  }
0xb0: {  	_ =	task.clear_ibuf [dreg:s6], $0x4FFFF;
	_ =	strace $0x9000004C  }
0xb1: {  	s29 =	simm.s32 $0x9;
	_ =	strace $0x8000004E  }
0xb2: {  	_ =	swait.ge [sflag:s29], $0x1  }
0xb3: {  	[sflag:s29] =	ssyncadd.s32 $0xFFFFFFFF  }
0xb4: {  	_ =	strace $0x9000004E  }
0xb5: {  	_ =	sfence  }
0xb6: {  	s30 =	sld [smem:$0x0];
	_ =	sdelay $0x2  }
0xb7: {  	s31 =	sshll.u32 s1, $0xD;
	s1 =	sshrl.u32 s1, $0x2  }
0xb8: {  	s3 =	sand.u32 $0x4000, s31;
	s1 =	sadd.s32 s1, s30  }
0xb9: {  	s0 =	sor.u32 s3, s0;
	s1 =	sshll.u32 s1, $0x11  }
0xba: {  	s0 =	sor.u32 s1, s0  }
0xbb: {  	s0 =	sadd.s32 $0x8F2B, s0  }
0xbc: {  	[sflag:s0] =	ssyncadd.remote.s32 $0x1  }
0xbd: {  	_ =	sfence.sel $0xFFFF  }
0xbe: {  	[dreg:$0x0] =	wrdreg $0xFFFFFFFF;
	(pc) =	sbr.abs _section_cstart, $3  }
0xbf: {  	[dreg:$0x1] =	wrdreg $0xFFFFFFFF  }
0xc0: {  	_ =	task.clear_ibuf [dreg:s6], $0x2FFFF;
	_ =	strace $0x9FFFFFFF  }
0xc1: {  	(tm) =	ssettm $0x7FFFFFFF  }
tec
execute0_lowered:
.L_overlay_start_1:
0x0: {  	(tag) =	ssettag $0x1  }
0x1: {  	s1 =	srdreg.scid;
	s0 =	stileid.u32  }
0x2: {  	s5 =	rddreg [dreg:$0x0];
	s2 =	simm.s32 $0x0;
	s8 =	simm.s32 $0x80  }
0x3: {  	s9 =	simm.s32 $0x1;
	s4 =	sand.u32 $0x1, s1;
	s30 =	sshll.u32 s0, $0x1  }
0x4: {  	s10 =	simm.s32 $0x1400;
	s1 =	rddreg [dreg:$0x1];
	s3 =	sor.u32 s4, s30  }
0x5: {  	s11 =	simm.s32 $0x0;
	[smem:$0x7FF] =	sst s2;
	s6 =	smul.u32 $0x280, s3  }
0x6: {  	_ =	strace $0x8000004D;
	s4 =	ssub.s32 $0x2, s4;
	s7 =	smul.u32 $0x2800, s3  }
0x7: {  	s3 =	sadd.s32 $0x2F200, s5;
	s31 =	sshrl.u32 s4, $0x1;
	s6 =	sadd.s32 s6, s5  }
0x8: {  	s5 =	sadd.s32 s7, s5;
	s7 =	ssub.s32 s4, s31;
	s4 =	sadd.s32 $0x2A200, s6  }
0x9: {  	s5 =	sadd.s32 $0x84200, s5;
	s6 =	smax.u32 s7, $0x1;
	s7 =	simm.s32 $0x2  }
.LBB2_1:
0xa: {  	[tilespmem:s2], [sflag:$0x2] =	stream.linear.gather [hbm4b:s4+s2], $0x1400, $0x38;
	[tilespmem:$0x15400] =	vst v63  }
0xb: {  	_ =	swait.ge [sflag:s7], $0x1400  }
0xc: {  	[sflag:s7] =	ssyncset.done $0x0  }
0xd: {  	s12 =	simm.s32 $0x1400;
	s13 =	simm.s32 $0x0;
	[sflag:s7] =	ssyncadd.s32 $0xFFFFEC00  }
.LBB2_2:
0xe: {  	p0 =	sne.s32 s13, $0x4E00  }
.Ltmp0:
0xf: {  	_ = 	snop;
	(pc) =	sbr.rel @p0 .LBB2_2-.Ltmp0, $4  }
0x10: {  	_ = 	snop  }
0x11: {  	s14 =	sshra.s32 s13, $0x2  }
0x12: {  	[tilespmem:s12], [sflag:$0x1] =	stream.indirect.gather [hbm4b:s3+s8], $0x10, s14, s8, $0xb8;
	[tilespmem:$0x15400] =	vst v63  }
0x13: {  	s13 =	sadd.s32 $0x200, s13;
	s12 =	sadd.s32 $0x800, s12  }
0x14: {  	_ =	swait.ge [sflag:s9], $0x800  }
0x15: {  	s12 =	simm.s32 $0x27;
	[sflag:s9] =	ssyncset.done $0x0  }
.LBB2_4:
0x16: {  	p0 =	sne.s32 s12, $0x1;
	s12 =	sadd.s32 $0xFFFFFFFF, s12;
	[sflag:s9] =	ssyncadd.s32 $0xFFFFF800  }
.Ltmp1:
0x17: {  	(pc) =	sbr.rel @p0 .LBB2_4-.Ltmp1, $3  }
0x18: {  	_ =	sdelay $0x1  }
0x19: {  	_ =	swait.ge [sflag:s9], $0x800  }
0x1a: {  	[sflag:s9] =	ssyncset.done $0x0  }
0x1b: {  	s11 =	sadd.s32 $0x1, s11  }
0x1c: {  	p0 =	sne.s32 s11, s6  }
.Ltmp2:
0x1d: {  	[sflag:s9] =	ssyncadd.s32 $0xFFFFF800;
	(pc) =	sbr.rel @p0 .LBB2_1-.Ltmp2, $4  }
0x1e: {  	[hbm4b:s5+s2] =	stream.linear.scatter [tilespmem:s10], [sflag:$0x2], $0x14000, $0x38;
	[tilespmem:$0x15400] =	vst v63  }
0x1f: {  	_ =	swait.ge [sflag:s7], $0x14000  }
0x20: {  	[sflag:s7] =	ssyncset.done $0x0  }
0x21: {  	[sflag:s7] =	ssyncadd.s32 $0xFFFEC000  }
0x22: {  	_ =	sfence.sel $0x180000  }
0x23: {  	[bflag:$0x0] =	sbarrier.arrive $0xFFFF  }
0x24: {  	p0 =	sne.s32 s0, $0x0;
	_ =	strace $0x9000004D  }
0x25: {  	s0 =	sadd.s32 @!p0 $0x100000, s1;
	[bflag:$0x2] =	sbarrier.arrive $0xFFFF  }
0x26: {  	[sflag:s0] =	ssyncadd.tile.s32 @!p0 $0x1;
	_ =	shalt  }
.Lfunc_end2:
_tile_overlayer_lowered:
.L_overlay_start_2:
0x27: {  	(tag) =	ssettag $0x2  }
0x28: {  	s0 =	rddreg [dreg:$0x0];
	s2 =	stileid.u32  }
0x29: {  	s1 =	rddreg [dreg:$0x1];
	p0 =	sne.s32 s2, $0x0  }
0x2a: {  	s3 =	rddreg [dreg:$0x2];
	[bflag:$0x3] =	sbarrier.arrive $0xFFFF;
	s2 =	simm.s32 @!p0 $0x1C02  }
0x2b: {  	[timem:s3], [sflag:s2] =	dma.local @!p0 [hbm:s0], s1  }
0x2c: {  	s0 =	simm.s32 @!p0 $0x2  }
0x2d: {  	_ =	swait.ge @!p0 [sflag:s0], s1  }
0x2e: {  	s1 =	ssub.s32 @!p0 $0x0, s1;
	[sflag:s0] =	ssyncset.done @!p0 $0x0  }
0x2f: {  	[sflag:s0] =	ssyncadd.s32 @!p0 s1  }
0x30: {  	[bflag:$0x3] =	sbarrier.arrive $0xFFFF  }
0x31: {  	_ =	shalt  }

// kernel: kernel.19.cloned.1.call-start
scs
__scs_entry_jumppad:
0x0: {  	(pc) =	sbr.rel $0x88, $3  }
0x1: {  	(tag) =	ssettag $0x0;
	lr =	simm.s32 $0x1  }
0x2: {  	[smem:$0x3F91] =	sst lr;
	_ =	strace $0xD0000000  }
0x3: {  	_ = 	snop  }
0x4: {  	_ = 	snop  }
0x5: {  	_ = 	snop  }
0x6: {  	_ = 	snop  }
0x7: {  	_ = 	snop  }
__scs_overlays_trampoline_lowered:
0x8: {  	[smem:$0x3FA0] =	sst s0  }
0x9: {  	[smem:$0x3FA1] =	sst s1  }
0xa: {  	[smem:$0x3FA2] =	sst s2  }
0xb: {  	[smem:$0x3FA3] =	sst s3  }
0xc: {  	[smem:$0x3FA4] =	sst s4  }
0xd: {  	[smem:$0x3FA5] =	sst s5  }
0xe: {  	[smem:$0x3FA6] =	sst s6  }
0xf: {  	[smem:$0x3FA7] =	sst s7  }
0x10: {  	[smem:$0x3FA8] =	sst s8  }
0x11: {  	[smem:$0x3FA9] =	sst s9;
	s0 =	simm.s32 @!p0 $0x0  }
0x12: {  	s1 =	sld [smem:$0x3F8F];
	s0 =	simm.s32 @p0 $0x1  }
0x13: {  	[smem:$0x3FAA] =	sst s0;
	s0 =	simm.s32 @!p1 $0x0  }
0x14: {  	s2 =	sld [smem:$0x3F8E];
	s0 =	simm.s32 @p1 $0x1  }
0x15: {  	[smem:$0x3FAB] =	sst s0;
	s0 =	simm.s32 @!p2 $0x0  }
0x16: {  	s3 =	sld [smem:$0x3FDB];
	s0 =	simm.s32 @p2 $0x1  }
0x17: {  	s4 =	simm.s32 $0x1BF5;
	[smem:$0x3FAD] =	sst s0  }
0x18: {  	s0 =	sld [smem:$0x3F90];
	_ =	swait.ge [sflag:s4], $0x0  }
0x19: {  	s7 =	sld [smem:$0x3F91]  }
0x1a: {  	s8 =	sadd.s32 $0xFFFFE003, lr  }
0x1b: {  	s9 =	sadd.s32 $0xFFFFFEF7, lr;
	s5 =	simm.s32 $0xFFFFFFFF;
	p2 =	slt.u32 s8, $0xFFFFF086  }
0x1c: {  	p1 =	slt.u32 s9, $0xF7A;
	s5 =	simm.s32 @!p2 $0x0  }
0x1d: {  	s5 =	simm.s32 @p1 $0x1;
	p0 =	seq.s32 s7, s2  }
0x1e: {  	s7 =	smul.u32 @!p0 $0xF7A, s2;
	p2 =	seq.s32 @!p0 s5, $0x0  }
0x1f: {  	s9 =	smul.u32 $0xF7A, s1;
	s8 =	simm.s32 @!p0 $0x1BF5;
	p2 =	por !p2, p0  }
0x20: {  	[sflag:s8] =	ssyncset.s32 @!p0 $0xFFFFF086;
	s6 =	sadd.s32 @!p0 s3, s7;
	s7 =	simm.s32 @!p0 $0x108  }
0x21: {  	s3 =	sadd.s32 s3, s9;
	s6 =	sadd.s32 @!p0 $0x88, s6;
	s7 =	simm.s32 @p2 $0x1082  }
0x22: {  	[simem:s7], [sflag:s8] =	dma.local @!p0 [hbm:s6], $0xF7A  }
0x23: {  	s9 =	sor.u32 $0xD0000000, s2;
	s6 =	simm.s32 $0x108;
	_ =	swait.ge @!p0 [sflag:s8], $0x0  }
0x24: {  	s3 =	sadd.s32 $0x88, s3;
	s6 =	simm.s32 @!p1 $0x1082;
	[sflag:s4] =	ssyncset.s32 $0xFFFFF086  }
0x25: {  	[simem:s6], [sflag:s4] =	dma.local [hbm:s3], $0xF7A  }
0x26: {  	[smem:$0x3F91] =	sst s1;
	(tag) =	ssettag s2;
	_ =	strace s9  }
0x27: {  	s1 =	sld [smem:$0x3FA1]  }
0x28: {  	s2 =	sld [smem:$0x3FA2]  }
0x29: {  	s4 =	sld [smem:$0x3FA4]  }
0x2a: {  	p0 =	seq.s32 s5, $0x0;
	s5 =	sld [smem:$0x3FA5]  }
0x2b: {  	s6 =	sld [smem:$0x3FA6]  }
0x2c: {  	s7 =	sld [smem:$0x3FA7]  }
0x2d: {  	s3 =	simm.s32 $0x108;
	s8 =	sld [smem:$0x3FA8]  }
0x2e: {  	s3 =	simm.s32 @!p0 $0x1082;
	s9 =	sld [smem:$0x3FA9]  }
0x2f: {  	lr =	sadd.s32 s0, s3;
	s0 =	sld [smem:$0x3FA0]  }
0x30: {  	s3 =	sld [smem:$0x3FA3]  }
0x31: {  	[smem:$0x3FAC] =	sst s10  }
0x32: {  	s10 =	sld [smem:$0x3FAA];
	_ =	sdelay $0x3  }
0x33: {  	p0 =	seq.s32 s10, $0x1;
	s10 =	sld [smem:$0x3FAC];
	_ =	sdelay $0x3  }
0x34: {  	[smem:$0x3FAC] =	sst s10  }
0x35: {  	s10 =	sld [smem:$0x3FAB];
	_ =	sdelay $0x3  }
0x36: {  	p1 =	seq.s32 s10, $0x1;
	s10 =	sld [smem:$0x3FAC];
	_ =	sdelay $0x3  }
0x37: {  	[smem:$0x3FAC] =	sst s10  }
0x38: {  	s10 =	sld [smem:$0x3FAD]  }
0x39: {  	_ = 	snop;
	(pc) =	sbr.ind lr, $3  }
0x3a: {  	_ = 	snop  }
0x3b: {  	_ = 	snop  }
0x3c: {  	p2 =	seq.s32 s10, $0x1;
	s10 =	sld [smem:$0x3FAC]  }
0x3d: {  	_ =	shalt  }
0x3e: {  	_ =	shalt  }
0x3f: {  	_ =	shalt  }
0x40: {  	_ =	shalt  }
0x41: {  	_ =	shalt  }
0x42: {  	_ =	shalt  }
0x43: {  	_ =	shalt  }
0x44: {  	_ =	shalt  }
0x45: {  	_ =	shalt  }
0x46: {  	_ =	shalt  }
0x47: {  	_ =	shalt  }
0x48: {  	_ =	shalt  }
0x49: {  	_ =	shalt  }
0x4a: {  	_ =	shalt  }
0x4b: {  	_ =	shalt  }
0x4c: {  	_ =	shalt  }
0x4d: {  	_ =	shalt  }
0x4e: {  	_ =	shalt  }
0x4f: {  	_ =	shalt  }
0x50: {  	_ =	shalt  }
0x51: {  	_ =	shalt  }
0x52: {  	_ =	shalt  }
0x53: {  	_ =	shalt  }
0x54: {  	_ =	shalt  }
0x55: {  	_ =	shalt  }
0x56: {  	_ =	shalt  }
0x57: {  	_ =	shalt  }
0x58: {  	_ =	shalt  }
0x59: {  	_ =	shalt  }
0x5a: {  	_ =	shalt  }
0x5b: {  	_ =	shalt  }
0x5c: {  	_ =	shalt  }
0x5d: {  	_ =	shalt  }
0x5e: {  	_ =	shalt  }
0x5f: {  	_ =	shalt  }
0x60: {  	_ =	shalt  }
0x61: {  	_ =	shalt  }
0x62: {  	_ =	shalt  }
0x63: {  	_ =	shalt  }
0x64: {  	_ =	shalt  }
0x65: {  	_ =	shalt  }
0x66: {  	_ =	shalt  }
0x67: {  	_ =	shalt  }
0x68: {  	_ =	shalt  }
0x69: {  	_ =	shalt  }
0x6a: {  	_ =	shalt  }
0x6b: {  	_ =	shalt  }
0x6c: {  	_ =	shalt  }
0x6d: {  	_ =	shalt  }
0x6e: {  	_ =	shalt  }
0x6f: {  	_ =	shalt  }
0x70: {  	_ =	shalt  }
0x71: {  	_ =	shalt  }
0x72: {  	_ =	shalt  }
0x73: {  	_ =	shalt  }
0x74: {  	_ =	shalt  }
0x75: {  	_ =	shalt  }
0x76: {  	_ =	shalt  }
0x77: {  	_ =	shalt  }
0x78: {  	_ =	shalt  }
0x79: {  	_ =	shalt  }
0x7a: {  	_ =	shalt  }
0x7b: {  	_ =	shalt  }
0x7c: {  	_ =	shalt  }
0x7d: {  	_ =	shalt  }
0x7e: {  	_ =	shalt  }
0x7f: {  	_ =	shalt  }
0x80: {  	_ =	shalt  }
0x81: {  	_ =	shalt  }
0x82: {  	_ =	shalt  }
0x83: {  	_ =	shalt  }
0x84: {  	_ =	shalt  }
0x85: {  	_ =	shalt  }
0x86: {  	_ =	shalt  }
0x87: {  	_ =	shalt  }
.Lfunc_end0:
.L_simem_size_0:
called_computation.3_lowered:
.L_overlay_start_0:
0x88: {  	s2 =	sld [smem:$0x3FD9]  }
0x89: {  	s3 =	sld [smem:$0x3FFE];
	_ =	sdelay $0x1  }
0x8a: {  	s1 =	srdreg.scid  }
0x8b: {  	s0 =	sand.u32 $0x1, s1  }
0x8c: {  	s14 =	sshll.u32 s0, $0xA;
	s2 =	sadd.s32 s3, s2  }
0x8d: {  	s2 =	sadd.s32 s2, s14  }
0x8e: {  	[smem:$0x3FB8] =	sst s2  }
0x8f: {  	_ = 	snop  }
0x90: {  	s2 =	sld [smem:$0x3FD0];
	_ =	sdelay $0x2  }
0x91: {  	s15 =	simm.s32 $0xA;
	s4 =	simm.s32 $0x10  }
0x92: {  	[smem:s4], [sflag:s15] =	dma.local [hbm:s2], $0x1  }
0x93: {  	_ =	swait.eq [sflag:s15], $0x1  }
0x94: {  	[sflag:s15] =	ssyncset.done $0x0  }
0x95: {  	[sflag:s15] =	ssyncadd.s32 $0xFFFFFFFF  }
0x96: {  	s16 =	sld [smem:$0x10];
	(tm) =	ssettm $0x1  }
0x97: {  	s17 =	sld [smem:$0x3FFB];
	_ =	sdelay $0x3  }
0x98: {  	_ =	strace s17  }
0x99: {  	s3 =	sld [smem:$0x3FFC];
	_ =	sdelay $0x3  }
0x9a: {  	_ =	strace s3  }
0x9b: {  	s3 =	sld [smem:$0x3FFD];
	_ =	sdelay $0x3  }
0x9c: {  	_ =	strace s3  }
0x9d: {  	_ =	strace $0x8FFFFFFF  }
0x9e: {  	s18 =	sld [smem:$0x3FDB];
	_ =	sdelay $0x1  }
0x9f: {  	s19 =	simm.s32 $_scs_section_size  }
0xa0: {  	s5 =	simm.s32 $_size__tile_overlayer_lowered;
	s6 =	simm.s32 $_tile_overlayer_lowered  }
0xa1: {  	s22 =	simm.s32 $0x1BFF;
	s21 =	sshll.u32 s6, $0x1;
	s3 =	sadd.s32 s19, s18  }
0xa2: {  	s7 =	simm.s32 $0x0;
	s20 =	sshll.u32 s5, $0x1;
	s5 =	sadd.s32 s21, s3  }
0xa3: {  	[timem:s7], [sflag:s22] =	dma.local [hbm:s5], s20  }
0xa4: {  	_ =	swait.ge [sflag:s22], s20  }
0xa5: {  	s4 =	ssub.s32 $0x0, s20;
	[sflag:s22] =	ssyncset.done $0x0  }
0xa6: {  	[sflag:s22] =	ssyncadd.s32 s4;
	_ =	sdelay $0x1  }
0xa7: {  	s23 =	simm.s32 $0x1B8B  }
0xa8: {  	_ =	swait.ge [sflag:s23], $0x1  }
0xa9: {  	[sflag:s23] =	ssyncset.done $0x0  }
0xaa: {  	s25 =	simm.s32 $0x1B8E;
	s24 =	sld [smem:$0x3FFE];
	[sflag:s23] =	ssyncadd.s32 $0xFFFFFFFF  }
0xab: {  	s26 =	simm.s32 $execute0_lowered;
	[smem:$0x3FD2] =	sst s25  }
0xac: {  	s5 =	sshll.u32 s26, $0x1;
	_ =	strace $0x8000004F;
	[dreg:$0x1] =	wrdreg $0xFFFFFFFF  }
0xad: {  	s28 =	simm.s32 $_size_execute0_lowered;
	s3 =	sadd.s32 s3, s5;
	[dreg:$0x0] =	wrdreg $0x0  }
0xae: {  	s5 =	sshll.u32 s28, $0x1;
	[dreg:$0x2] =	wrdreg s3  }
0xaf: {  	[dreg:$0x3] =	wrdreg s5  }
0xb0: {  	[dreg:$0x4] =	wrdreg $0xC0  }
0xb1: {  	_ =	task [dreg:s7], $0x5FFFF  }
0xb2: {  	[dreg:$0x1] =	wrdreg $0xFFFFFFFF  }
0xb3: {  	[dreg:$0x0] =	wrdreg $0x60  }
0xb4: {  	[dreg:$0x2] =	wrdreg s24  }
0xb5: {  	[dreg:$0x3] =	wrdreg s16  }
0xb6: {  	[dreg:$0x4] =	wrdreg $0x0  }
0xb7: {  	[dreg:$0x5] =	wrdreg $0x9  }
0xb8: {  	_ =	task.clear_ibuf [dreg:s7], $0x6FFFF;
	_ =	strace $0x9000004F  }
0xb9: {  	s29 =	simm.s32 $0x9;
	_ =	strace $0x80000051  }
0xba: {  	_ =	swait.ge [sflag:s29], $0x1  }
0xbb: {  	[sflag:s29] =	ssyncadd.s32 $0xFFFFFFFF  }
0xbc: {  	_ =	strace $0x90000051  }
0xbd: {  	_ =	sfence  }
0xbe: {  	s30 =	sld [smem:$0x0];
	_ =	sdelay $0x2  }
0xbf: {  	s31 =	sshll.u32 s1, $0xD;
	s1 =	sshrl.u32 s1, $0x2  }
0xc0: {  	s3 =	sand.u32 $0x4000, s31;
	s1 =	sadd.s32 s1, s30  }
0xc1: {  	s0 =	sor.u32 s3, s0;
	s1 =	sshll.u32 s1, $0x11  }
0xc2: {  	s0 =	sor.u32 s1, s0  }
0xc3: {  	s0 =	sadd.s32 $0x8F2B, s0  }
0xc4: {  	[sflag:s0] =	ssyncadd.remote.s32 $0x1  }
0xc5: {  	_ =	sfence.sel $0xFFFF  }
0xc6: {  	[dreg:$0x0] =	wrdreg $0xFFFFFFFF;
	(pc) =	sbr.abs _section_cstart, $3  }
0xc7: {  	[dreg:$0x1] =	wrdreg $0xFFFFFFFF  }
0xc8: {  	_ =	task.clear_ibuf [dreg:s7], $0x2FFFF;
	_ =	strace $0x9FFFFFFF  }
0xc9: {  	(tm) =	ssettm $0x7FFFFFFF  }
tec
execute0_lowered:
.L_overlay_start_1:
0x0: {  	(tag) =	ssettag $0x1  }
0x1: {  	s0 =	rddreg [dreg:$0x0]  }
0x2: {  	s1 =	rddreg [dreg:$0x1]  }
0x3: {  	s2 =	rddreg [dreg:$0x2]  }
0x4: {  	s11 =	rddreg [dreg:$0x3];
	s6 =	simm.s32 $0x0  }
0x5: {  	s22 =	simm.s32 $0x4EA0;
	[smem:$0x7FF] =	sst s6  }
0x6: {  	s23 =	simm.s32 $0x4F20;
	_ =	strace $0x80000050;
	[dreg:$0x9] =	wrdreg s22  }
0x7: {  	s3 =	srdreg.scid;
	s24 =	simm.s32 $0x4FA0;
	[dreg:$0xa] =	wrdreg s23  }
0x8: {  	s10 =	stileid.u32;
	s25 =	simm.s32 $0x5020;
	[dreg:$0xb] =	wrdreg s24  }
0x9: {  	s26 =	simm.s32 $0x50A0;
	s12 =	simm.s32 $0x53A0;
	[dreg:$0xc] =	wrdreg s25  }
0xa: {  	s13 =	simm.s32 $0x5420;
	s14 =	simm.s32 $0x54A0;
	[dreg:$0xd] =	wrdreg s26  }
0xb: {  	s16 =	simm.s32 $0x5520;
	s17 =	simm.s32 $0x55A0;
	[dreg:$0x13] =	wrdreg s12  }
0xc: {  	s18 =	simm.s32 $0x5620;
	s28 =	simm.s32 $0x14220;
	[dreg:$0x14] =	wrdreg s13  }
0xd: {  	p0 =	por $0x0, $0x0;
	s31 =	simm.s32 $0x15220;
	[dreg:$0x15] =	wrdreg s14  }
0xe: {  	s30 =	simm.s32 $0x16220;
	s29 =	simm.s32 $0x17220;
	[dreg:$0x16] =	wrdreg s16  }
0xf: {  	s3 =	sand.u32 $0x1, s3;
	s4 =	sshll.u32 s10, $0x1;
	[dreg:$0x17] =	wrdreg s17  }
0x10: {  	s5 =	smul.u32 $0x4E20, s10;
	[dreg:$0x18] =	wrdreg s18;
	s22 =	simm.s32 $0x5720  }
0x11: {  	s4 =	sor.u32 s3, s4;
	s23 =	simm.s32 $0x57A0;
	[dreg:$0x1a] =	wrdreg s22  }
0x12: {  	s7 =	smul.u32 $0x4E200, s3;
	s24 =	simm.s32 $0x5820;
	[dreg:$0x1b] =	wrdreg s23  }
0x13: {  	s15 =	ssub.s32 $0x2, s3;
	s25 =	simm.s32 $0x58A0;
	[dreg:$0x1c] =	wrdreg s24  }
0x14: {  	s26 =	simm.s32 $0x5920;
	s12 =	simm.s32 $0x5AA0;
	[dreg:$0x1d] =	wrdreg s25  }
0x15: {  	s13 =	simm.s32 $0x5B20;
	s14 =	simm.s32 $0x5BA0;
	[dreg:$0x1e] =	wrdreg s26  }
0x16: {  	s16 =	simm.s32 $0x5CA0;
	s17 =	simm.s32 $0x5D20;
	[smem:$0x7EF] =	sst s12  }
0x17: {  	s18 =	simm.s32 $0x5DA0;
	s8 =	smul.u32 $0x280, s4;
	[smem:$0x7F0] =	sst s13  }
0x18: {  	s4 =	smul.u32 $0x5000, s4;
	s9 =	sshrl.u32 s5, $0x3;
	[smem:$0x7F1] =	sst s14  }
0x19: {  	s3 =	sshrl.u32 s15, $0x1;
	s14 =	simm.s32 $0x9220;
	[smem:$0x7F3] =	sst s16  }
0x1a: {  	s16 =	simm.s32 $0xB220;
	[smem:$0x7F4] =	sst s17;
	s17 =	simm.s32 $0xC220  }
0x1b: {  	[smem:$0x7F5] =	sst s18;
	s18 =	simm.s32 $0xD220;
	s22 =	simm.s32 $0x5FA0  }
0x1c: {  	s23 =	simm.s32 $0x6020;
	s24 =	simm.s32 $0x60A0;
	[smem:$0x7F9] =	sst s22  }
0x1d: {  	s25 =	simm.s32 $0x6120;
	s26 =	simm.s32 $0x61A0;
	[smem:$0x7FA] =	sst s23  }
0x1e: {  	s7 =	sadd.s32 s5, s7;
	s1 =	sadd.s32 s1, s9;
	[smem:$0x7FB] =	sst s24  }
0x1f: {  	s9 =	simm.s32 $0x5320;
	s22 =	simm.s32 $0x11220;
	[smem:$0x7FC] =	sst s25  }
0x20: {  	s23 =	simm.s32 $0x12220;
	s24 =	simm.s32 $0x13220;
	[smem:$0x7FD] =	sst s26  }
0x21: {  	s25 =	simm.s32 $0x18220;
	s8 =	sadd.s32 s8, s0;
	[dreg:$0x4] =	wrdreg s1  }
0x22: {  	s7 =	sshrl.u32 s7, $0x3;
	s1 =	simm.s32 $0x5120;
	[dreg:$0x12] =	wrdreg s9  }
0x23: {  	s7 =	sadd.s32 s7, s0;
	s19 =	sadd.s32 $0x7F200, s8;
	[dreg:$0xe] =	wrdreg s1  }
0x24: {  	s0 =	sadd.s32 s4, s0;
	s4 =	simm.s32 $0x51A0;
	[dreg:$0x5] =	wrdreg s19  }
0x25: {  	s26 =	simm.s32 $0x19220;
	s8 =	simm.s32 $0x52A0;
	[dreg:$0xf] =	wrdreg s4  }
0x26: {  	s1 =	ssub.s32 s15, s3;
	s15 =	simm.s32 $0x5C20;
	[dreg:$0x11] =	wrdreg s8  }
0x27: {  	s9 =	simm.s32 $0x6220;
	s20 =	sadd.s32 $0x2A200, s7;
	[smem:$0x7F2] =	sst s15  }
0x28: {  	s21 =	sadd.s32 $0x84200, s0;
	s0 =	sadd.s32 $0x86A00, s0;
	[dreg:$0x6] =	wrdreg s20  }
0x29: {  	s7 =	simm.s32 $0x5220;
	s19 =	sadd.s32 s5, s2;
	[dreg:$0x7] =	wrdreg s21  }
0x2a: {  	s5 =	simm.s32 $0x3;
	s8 =	simm.s32 $0x5A20;
	[dreg:$0x8] =	wrdreg s0  }
0x2b: {  	s15 =	simm.s32 $0xA220;
	[dreg:$0x10] =	wrdreg s7;
	s20 =	simm.s32 $0x56A0  }
0x2c: {  	s21 =	sshll.u32 s10, $0x6;
	s0 =	smax.u32 s1, $0x1;
	[smem:$0x7EE] =	sst s8  }
0x2d: {  	s4 =	sshrl.u32 s19, $0x3;
	s7 =	simm.s32 $0x59A0;
	s1 =	rddreg [dreg:$0x4]  }
0x2e: {  	s10 =	simm.s32 $0x1;
	[dreg:$0x19] =	wrdreg s20;
	p1 =	sne.s32 s0, $0x1  }
.Ltmp0:
0x2f: {  	s19 =	simm.s32 $0x5E20;
	[dreg:$0x1f] =	wrdreg s7;
	(pc) =	sbr.rel @!p1 .LBB2_5-.Ltmp0, $4  }
0x30: {  	s8 =	simm.s32 $0x80;
	s3 =	sor.u32 $0x1C03, s21;
	[smem:$0x7F6] =	sst s19  }
0x31: {  	s20 =	simm.s32 $0x5EA0;
	s19 =	simm.s32 $0xE220;
	s21 =	simm.s32 $0x5F20  }
0x32: {  	s13 =	sadd.s32 $0xFFFFFFFF, s0;
	s7 =	simm.s32 $0x2;
	[smem:$0x7F7] =	sst s20  }
0x33: {  	s20 =	simm.s32 $0xF220;
	[smem:$0x7F8] =	sst s21;
	s21 =	simm.s32 $0x10220  }
0x34: {  	[spmem:s4], [sflag:s3] =	dma.local [hbm:s1], $0x9C4  }
0x35: {  	_ =	swait.ge [sflag:s5], $0x9C4  }
0x36: {  	[sflag:s5] =	ssyncset.done $0x0  }
0x37: {  	s0 =	simm.s32 $0x4E20;
	s12 =	rddreg [dreg:$0x5];
	[sflag:s5] =	ssyncadd.s32 $0xFFFFF63C  }
0x38: {  	[tilespmem:s0], [sflag:$0x3] =	stream.linear.gather [hbm4b:s12+s6], $0x1400, $0x38;
	[tilespmem:$0x1A220] =	vst v63  }
0x39: {  	_ =	swait.ge [sflag:s5], $0x1400  }
0x3a: {  	[sflag:s5] =	ssyncset.done $0x0  }
0x3b: {  	[sflag:s5] =	ssyncadd.s32 $0xFFFFEC00  }
0x3c: {  	[bflag:$0x0] =	sbarrier.arrive $0xFFFF  }
0x3d: {  	s11 =	rddreg [dreg:$0x7]  }
0x3e: {  	[tilespmem:s9], [sflag:$0x1] =	stream.linear.gather [hbm4b:s11+s6], $0x14000, $0x38;
	[tilespmem:$0x1A220] =	vst v63  }
0x3f: {  	_ =	swait.ge [sflag:s10], $0x14000  }
0x40: {  	[sflag:s10] =	ssyncset.done $0x0  }
0x41: {  	[sflag:s10] =	ssyncadd.s32 $0xFFFEC000  }
0x42: {  	[spmem:s2] =	stream.indirect.scatter.add.f32 [tilespmem:s9], [sflag:$0x2], $0x20, s0, s8, $0xb8;
	[tilespmem:$0x1A220] =	vst v63  }
0x43: {  	s11 =	simm.s32 $0x7220;
	s12 =	rddreg [dreg:$0x9]  }
0x44: {  	[spmem:s2] =	stream.indirect.scatter.add.f32 [tilespmem:s11], [sflag:$0x2], $0x20, s12, s8, $0xb8;
	[tilespmem:$0x1A220] =	vst v63  }
0x45: {  	s0 =	rddreg [dreg:$0xa];
	s12 =	simm.s32 $0x8220  }
0x46: {  	[spmem:s2] =	stream.indirect.scatter.add.f32 [tilespmem:s12], [sflag:$0x2], $0x20, s0, s8, $0xb8;
	[tilespmem:$0x1A220] =	vst v63  }
0x47: {  	s1 =	rddreg [dreg:$0xb]  }
0x48: {  	[spmem:s2] =	stream.indirect.scatter.add.f32 [tilespmem:s14], [sflag:$0x2], $0x20, s1, s8, $0xb8;
	[tilespmem:$0x1A220] =	vst v63  }
0x49: {  	s0 =	rddreg [dreg:$0xc]  }
0x4a: {  	[spmem:s2] =	stream.indirect.scatter.add.f32 [tilespmem:s15], [sflag:$0x2], $0x20, s0, s8, $0xb8;
	[tilespmem:$0x1A220] =	vst v63  }
0x4b: {  	s1 =	rddreg [dreg:$0xd]  }
0x4c: {  	[spmem:s2] =	stream.indirect.scatter.add.f32 [tilespmem:s16], [sflag:$0x2], $0x20, s1, s8, $0xb8;
	[tilespmem:$0x1A220] =	vst v63  }
0x4d: {  	s0 =	rddreg [dreg:$0xe]  }
0x4e: {  	[spmem:s2] =	stream.indirect.scatter.add.f32 [tilespmem:s17], [sflag:$0x2], $0x20, s0, s8, $0xb8;
	[tilespmem:$0x1A220] =	vst v63  }
0x4f: {  	s1 =	rddreg [dreg:$0xf]  }
0x50: {  	[spmem:s2] =	stream.indirect.scatter.add.f32 [tilespmem:s18], [sflag:$0x2], $0x20, s1, s8, $0xb8;
	[tilespmem:$0x1A220] =	vst v63  }
0x51: {  	s0 =	rddreg [dreg:$0x10]  }
0x52: {  	[spmem:s2] =	stream.indirect.scatter.add.f32 [tilespmem:s19], [sflag:$0x2], $0x20, s0, s8, $0xb8;
	[tilespmem:$0x1A220] =	vst v63  }
0x53: {  	s1 =	rddreg [dreg:$0x11]  }
0x54: {  	[spmem:s2] =	stream.indirect.scatter.add.f32 [tilespmem:s20], [sflag:$0x2], $0x20, s1, s8, $0xb8;
	[tilespmem:$0x1A220] =	vst v63  }
0x55: {  	s0 =	rddreg [dreg:$0x12]  }
0x56: {  	[spmem:s2] =	stream.indirect.scatter.add.f32 [tilespmem:s21], [sflag:$0x2], $0x20, s0, s8, $0xb8;
	[tilespmem:$0x1A220] =	vst v63  }
0x57: {  	s1 =	rddreg [dreg:$0x13]  }
0x58: {  	[spmem:s2] =	stream.indirect.scatter.add.f32 [tilespmem:s22], [sflag:$0x2], $0x20, s1, s8, $0xb8;
	[tilespmem:$0x1A220] =	vst v63  }
0x59: {  	s0 =	rddreg [dreg:$0x14]  }
0x5a: {  	[spmem:s2] =	stream.indirect.scatter.add.f32 [tilespmem:s23], [sflag:$0x2], $0x20, s0, s8, $0xb8;
	[tilespmem:$0x1A220] =	vst v63  }
0x5b: {  	s1 =	rddreg [dreg:$0x15]  }
0x5c: {  	[spmem:s2] =	stream.indirect.scatter.add.f32 [tilespmem:s24], [sflag:$0x2], $0x20, s1, s8, $0xb8;
	[tilespmem:$0x1A220] =	vst v63  }
0x5d: {  	s0 =	rddreg [dreg:$0x16]  }
0x5e: {  	[spmem:s2] =	stream.indirect.scatter.add.f32 [tilespmem:s28], [sflag:$0x2], $0x20, s0, s8, $0xb8;
	[tilespmem:$0x1A220] =	vst v63  }
0x5f: {  	s1 =	rddreg [dreg:$0x17]  }
0x60: {  	[spmem:s2] =	stream.indirect.scatter.add.f32 [tilespmem:s31], [sflag:$0x2], $0x20, s1, s8, $0xb8;
	[tilespmem:$0x1A220] =	vst v63  }
0x61: {  	s0 =	rddreg [dreg:$0x18]  }
0x62: {  	[spmem:s2] =	stream.indirect.scatter.add.f32 [tilespmem:s30], [sflag:$0x2], $0x20, s0, s8, $0xb8;
	[tilespmem:$0x1A220] =	vst v63  }
0x63: {  	s1 =	rddreg [dreg:$0x19]  }
0x64: {  	[spmem:s2] =	stream.indirect.scatter.add.f32 [tilespmem:s29], [sflag:$0x2], $0x20, s1, s8, $0xb8;
	[tilespmem:$0x1A220] =	vst v63  }
0x65: {  	s0 =	rddreg [dreg:$0x1a]  }
0x66: {  	[spmem:s2] =	stream.indirect.scatter.add.f32 [tilespmem:s25], [sflag:$0x2], $0x20, s0, s8, $0xb8;
	[tilespmem:$0x1A220] =	vst v63  }
0x67: {  	s1 =	rddreg [dreg:$0x1b]  }
0x68: {  	[spmem:s2] =	stream.indirect.scatter.add.f32 [tilespmem:s26], [sflag:$0x2], $0x20, s1, s8, $0xb8;
	[tilespmem:$0x1A220] =	vst v63  }
0x69: {  	_ =	swait.ge [sflag:s7], $0x1000  }
0x6a: {  	[sflag:s7] =	ssyncset.done $0x0  }
0x6b: {  	[sflag:s7] =	ssyncadd.s32 $0xFFFFF000  }
0x6c: {  	_ =	swait.ge [sflag:s7], $0x1000  }
0x6d: {  	[sflag:s7] =	ssyncset.done $0x0  }
0x6e: {  	[sflag:s7] =	ssyncadd.s32 $0xFFFFF000  }
0x6f: {  	_ =	swait.ge [sflag:s7], $0x1000  }
0x70: {  	[sflag:s7] =	ssyncset.done $0x0  }
0x71: {  	[sflag:s7] =	ssyncadd.s32 $0xFFFFF000  }
0x72: {  	_ =	swait.ge [sflag:s7], $0x1000  }
0x73: {  	[sflag:s7] =	ssyncset.done $0x0  }
0x74: {  	[sflag:s7] =	ssyncadd.s32 $0xFFFFF000  }
0x75: {  	_ =	swait.ge [sflag:s7], $0x1000  }
0x76: {  	[sflag:s7] =	ssyncset.done $0x0  }
0x77: {  	[sflag:s7] =	ssyncadd.s32 $0xFFFFF000  }
0x78: {  	_ =	swait.ge [sflag:s7], $0x1000  }
0x79: {  	[sflag:s7] =	ssyncset.done $0x0  }
0x7a: {  	[sflag:s7] =	ssyncadd.s32 $0xFFFFF000  }
0x7b: {  	_ =	swait.ge [sflag:s7], $0x1000  }
0x7c: {  	[sflag:s7] =	ssyncset.done $0x0  }
0x7d: {  	[sflag:s7] =	ssyncadd.s32 $0xFFFFF000  }
0x7e: {  	_ =	swait.ge [sflag:s7], $0x1000  }
0x7f: {  	[sflag:s7] =	ssyncset.done $0x0  }
0x80: {  	[sflag:s7] =	ssyncadd.s32 $0xFFFFF000  }
0x81: {  	_ =	swait.ge [sflag:s7], $0x1000  }
0x82: {  	[sflag:s7] =	ssyncset.done $0x0  }
0x83: {  	[sflag:s7] =	ssyncadd.s32 $0xFFFFF000  }
0x84: {  	_ =	swait.ge [sflag:s7], $0x1000  }
0x85: {  	[sflag:s7] =	ssyncset.done $0x0  }
0x86: {  	[sflag:s7] =	ssyncadd.s32 $0xFFFFF000  }
0x87: {  	_ =	swait.ge [sflag:s7], $0x1000  }
0x88: {  	[sflag:s7] =	ssyncset.done $0x0  }
0x89: {  	[sflag:s7] =	ssyncadd.s32 $0xFFFFF000  }
0x8a: {  	_ =	swait.ge [sflag:s7], $0x1000  }
0x8b: {  	[sflag:s7] =	ssyncset.done $0x0  }
0x8c: {  	[sflag:s7] =	ssyncadd.s32 $0xFFFFF000  }
0x8d: {  	_ =	swait.ge [sflag:s7], $0x1000  }
0x8e: {  	[sflag:s7] =	ssyncset.done $0x0  }
0x8f: {  	[sflag:s7] =	ssyncadd.s32 $0xFFFFF000  }
0x90: {  	_ =	swait.ge [sflag:s7], $0x1000  }
0x91: {  	[sflag:s7] =	ssyncset.done $0x0  }
0x92: {  	[sflag:s7] =	ssyncadd.s32 $0xFFFFF000  }
0x93: {  	_ =	swait.ge [sflag:s7], $0x1000  }
0x94: {  	[sflag:s7] =	ssyncset.done $0x0  }
0x95: {  	[sflag:s7] =	ssyncadd.s32 $0xFFFFF000  }
0x96: {  	_ =	swait.ge [sflag:s7], $0x1000  }
0x97: {  	[sflag:s7] =	ssyncset.done $0x0  }
0x98: {  	[sflag:s7] =	ssyncadd.s32 $0xFFFFF000  }
0x99: {  	_ =	swait.ge [sflag:s7], $0x1000  }
0x9a: {  	[sflag:s7] =	ssyncset.done $0x0  }
0x9b: {  	[sflag:s7] =	ssyncadd.s32 $0xFFFFF000  }
0x9c: {  	_ =	swait.ge [sflag:s7], $0x1000  }
0x9d: {  	[sflag:s7] =	ssyncset.done $0x0  }
0x9e: {  	[sflag:s7] =	ssyncadd.s32 $0xFFFFF000  }
0x9f: {  	_ =	swait.ge [sflag:s7], $0x1000  }
0xa0: {  	[sflag:s7] =	ssyncset.done $0x0  }
0xa1: {  	[sflag:s7] =	ssyncadd.s32 $0xFFFFF000  }
0xa2: {  	_ =	swait.ge [sflag:s7], $0x1000  }
0xa3: {  	[sflag:s7] =	ssyncset.done $0x0  }
0xa4: {  	s1 =	rddreg [dreg:$0x8];
	[sflag:s7] =	ssyncadd.s32 $0xFFFFF000  }
0xa5: {  	[tilespmem:s9], [sflag:$0x1] =	stream.linear.gather [hbm4b:s1+s6], $0x14000, $0x38;
	[tilespmem:$0x1A220] =	vst v63  }
0xa6: {  	_ =	swait.ge [sflag:s10], $0x14000  }
0xa7: {  	s0 =	rddreg [dreg:$0x1c];
	[sflag:s10] =	ssyncset.done $0x0  }
0xa8: {  	s1 =	rddreg [dreg:$0x1d];
	[sflag:s10] =	ssyncadd.s32 $0xFFFEC000  }
0xa9: {  	[spmem:s2] =	stream.indirect.scatter.add.f32 [tilespmem:s9], [sflag:$0x2], $0x20, s0, s8, $0xb8;
	[tilespmem:$0x1A220] =	vst v63  }
0xaa: {  	s0 =	rddreg [dreg:$0x1e]  }
0xab: {  	[spmem:s2] =	stream.indirect.scatter.add.f32 [tilespmem:s11], [sflag:$0x2], $0x20, s1, s8, $0xb8;
	[tilespmem:$0x1A220] =	vst v63  }
0xac: {  	s11 =	rddreg [dreg:$0x1f]  }
0xad: {  	[spmem:s2] =	stream.indirect.scatter.add.f32 [tilespmem:s12], [sflag:$0x2], $0x20, s0, s8, $0xb8;
	[tilespmem:$0x1A220] =	vst v63  }
0xae: {  	s12 =	sld [smem:$0x7EE]  }
0xaf: {  	[spmem:s2] =	stream.indirect.scatter.add.f32 [tilespmem:s14], [sflag:$0x2], $0x20, s11, s8, $0xb8;
	[tilespmem:$0x1A220] =	vst v63  }
0xb0: {  	s11 =	sld [smem:$0x7EF]  }
0xb1: {  	[spmem:s2] =	stream.indirect.scatter.add.f32 [tilespmem:s15], [sflag:$0x2], $0x20, s12, s8, $0xb8;
	[tilespmem:$0x1A220] =	vst v63  }
0xb2: {  	s12 =	sld [smem:$0x7F0]  }
0xb3: {  	[spmem:s2] =	stream.indirect.scatter.add.f32 [tilespmem:s16], [sflag:$0x2], $0x20, s11, s8, $0xb8;
	[tilespmem:$0x1A220] =	vst v63  }
0xb4: {  	s11 =	sld [smem:$0x7F1]  }
0xb5: {  	[spmem:s2] =	stream.indirect.scatter.add.f32 [tilespmem:s17], [sflag:$0x2], $0x20, s12, s8, $0xb8;
	[tilespmem:$0x1A220] =	vst v63  }
0xb6: {  	s12 =	sld [smem:$0x7F2]  }
0xb7: {  	[spmem:s2] =	stream.indirect.scatter.add.f32 [tilespmem:s18], [sflag:$0x2], $0x20, s11, s8, $0xb8;
	[tilespmem:$0x1A220] =	vst v63  }
0xb8: {  	s11 =	sld [smem:$0x7F3]  }
0xb9: {  	[spmem:s2] =	stream.indirect.scatter.add.f32 [tilespmem:s19], [sflag:$0x2], $0x20, s12, s8, $0xb8;
	[tilespmem:$0x1A220] =	vst v63  }
0xba: {  	s12 =	sld [smem:$0x7F4]  }
0xbb: {  	[spmem:s2] =	stream.indirect.scatter.add.f32 [tilespmem:s20], [sflag:$0x2], $0x20, s11, s8, $0xb8;
	[tilespmem:$0x1A220] =	vst v63  }
0xbc: {  	s11 =	sld [smem:$0x7F5]  }
0xbd: {  	[spmem:s2] =	stream.indirect.scatter.add.f32 [tilespmem:s21], [sflag:$0x2], $0x20, s12, s8, $0xb8;
	[tilespmem:$0x1A220] =	vst v63  }
0xbe: {  	s12 =	sld [smem:$0x7F6]  }
0xbf: {  	[spmem:s2] =	stream.indirect.scatter.add.f32 [tilespmem:s22], [sflag:$0x2], $0x20, s11, s8, $0xb8;
	[tilespmem:$0x1A220] =	vst v63  }
0xc0: {  	s11 =	sld [smem:$0x7F7]  }
0xc1: {  	[spmem:s2] =	stream.indirect.scatter.add.f32 [tilespmem:s23], [sflag:$0x2], $0x20, s12, s8, $0xb8;
	[tilespmem:$0x1A220] =	vst v63  }
0xc2: {  	s12 =	sld [smem:$0x7F8]  }
0xc3: {  	[spmem:s2] =	stream.indirect.scatter.add.f32 [tilespmem:s24], [sflag:$0x2], $0x20, s11, s8, $0xb8;
	[tilespmem:$0x1A220] =	vst v63  }
0xc4: {  	s11 =	sld [smem:$0x7F9]  }
0xc5: {  	[spmem:s2] =	stream.indirect.scatter.add.f32 [tilespmem:s28], [sflag:$0x2], $0x20, s12, s8, $0xb8;
	[tilespmem:$0x1A220] =	vst v63  }
0xc6: {  	s12 =	sld [smem:$0x7FA]  }
0xc7: {  	[spmem:s2] =	stream.indirect.scatter.add.f32 [tilespmem:s31], [sflag:$0x2], $0x20, s11, s8, $0xb8;
	[tilespmem:$0x1A220] =	vst v63  }
0xc8: {  	s11 =	sld [smem:$0x7FB]  }
0xc9: {  	[spmem:s2] =	stream.indirect.scatter.add.f32 [tilespmem:s30], [sflag:$0x2], $0x20, s12, s8, $0xb8;
	[tilespmem:$0x1A220] =	vst v63  }
0xca: {  	s12 =	sld [smem:$0x7FC]  }
0xcb: {  	[spmem:s2] =	stream.indirect.scatter.add.f32 [tilespmem:s29], [sflag:$0x2], $0x20, s11, s8, $0xb8;
	[tilespmem:$0x1A220] =	vst v63  }
0xcc: {  	s11 =	sld [smem:$0x7FD]  }
0xcd: {  	[spmem:s2] =	stream.indirect.scatter.add.f32 [tilespmem:s25], [sflag:$0x2], $0x20, s12, s8, $0xb8;
	[tilespmem:$0x1A220] =	vst v63  }
0xce: {  	_ = 	snop  }
0xcf: {  	[spmem:s2] =	stream.indirect.scatter.add.f32 [tilespmem:s26], [sflag:$0x2], $0x20, s11, s8, $0xb8;
	[tilespmem:$0x1A220] =	vst v63  }
0xd0: {  	_ =	swait.ge [sflag:s7], $0x1000  }
0xd1: {  	[sflag:s7] =	ssyncset.done $0x0  }
0xd2: {  	[sflag:s7] =	ssyncadd.s32 $0xFFFFF000  }
0xd3: {  	_ =	swait.ge [sflag:s7], $0x1000  }
0xd4: {  	[sflag:s7] =	ssyncset.done $0x0  }
0xd5: {  	[sflag:s7] =	ssyncadd.s32 $0xFFFFF000  }
0xd6: {  	_ =	swait.ge [sflag:s7], $0x1000  }
0xd7: {  	[sflag:s7] =	ssyncset.done $0x0  }
0xd8: {  	[sflag:s7] =	ssyncadd.s32 $0xFFFFF000  }
0xd9: {  	_ =	swait.ge [sflag:s7], $0x1000  }
0xda: {  	[sflag:s7] =	ssyncset.done $0x0  }
0xdb: {  	[sflag:s7] =	ssyncadd.s32 $0xFFFFF000  }
0xdc: {  	_ =	swait.ge [sflag:s7], $0x1000  }
0xdd: {  	[sflag:s7] =	ssyncset.done $0x0  }
0xde: {  	[sflag:s7] =	ssyncadd.s32 $0xFFFFF000  }
0xdf: {  	_ =	swait.ge [sflag:s7], $0x1000  }
0xe0: {  	[sflag:s7] =	ssyncset.done $0x0  }
0xe1: {  	[sflag:s7] =	ssyncadd.s32 $0xFFFFF000  }
0xe2: {  	_ =	swait.ge [sflag:s7], $0x1000  }
0xe3: {  	[sflag:s7] =	ssyncset.done $0x0  }
0xe4: {  	[sflag:s7] =	ssyncadd.s32 $0xFFFFF000  }
0xe5: {  	_ =	swait.ge [sflag:s7], $0x1000  }
0xe6: {  	[sflag:s7] =	ssyncset.done $0x0  }
0xe7: {  	[sflag:s7] =	ssyncadd.s32 $0xFFFFF000  }
0xe8: {  	_ =	swait.ge [sflag:s7], $0x1000  }
0xe9: {  	[sflag:s7] =	ssyncset.done $0x0  }
0xea: {  	[sflag:s7] =	ssyncadd.s32 $0xFFFFF000  }
0xeb: {  	_ =	swait.ge [sflag:s7], $0x1000  }
0xec: {  	[sflag:s7] =	ssyncset.done $0x0  }
0xed: {  	[sflag:s7] =	ssyncadd.s32 $0xFFFFF000  }
0xee: {  	_ =	swait.ge [sflag:s7], $0x1000  }
0xef: {  	[sflag:s7] =	ssyncset.done $0x0  }
0xf0: {  	[sflag:s7] =	ssyncadd.s32 $0xFFFFF000  }
0xf1: {  	_ =	swait.ge [sflag:s7], $0x1000  }
0xf2: {  	[sflag:s7] =	ssyncset.done $0x0  }
0xf3: {  	[sflag:s7] =	ssyncadd.s32 $0xFFFFF000  }
0xf4: {  	_ =	swait.ge [sflag:s7], $0x1000  }
0xf5: {  	[sflag:s7] =	ssyncset.done $0x0  }
0xf6: {  	[sflag:s7] =	ssyncadd.s32 $0xFFFFF000  }
0xf7: {  	_ =	swait.ge [sflag:s7], $0x1000  }
0xf8: {  	[sflag:s7] =	ssyncset.done $0x0  }
0xf9: {  	[sflag:s7] =	ssyncadd.s32 $0xFFFFF000  }
0xfa: {  	_ =	swait.ge [sflag:s7], $0x1000  }
0xfb: {  	[sflag:s7] =	ssyncset.done $0x0  }
0xfc: {  	[sflag:s7] =	ssyncadd.s32 $0xFFFFF000  }
0xfd: {  	_ =	swait.ge [sflag:s7], $0x1000  }
0xfe: {  	[sflag:s7] =	ssyncset.done $0x0  }
0xff: {  	[sflag:s7] =	ssyncadd.s32 $0xFFFFF000  }
0x100: {  	_ =	swait.ge [sflag:s7], $0x1000  }
0x101: {  	[sflag:s7] =	ssyncset.done $0x0  }
0x102: {  	[sflag:s7] =	ssyncadd.s32 $0xFFFFF000  }
0x103: {  	_ =	swait.ge [sflag:s7], $0x1000  }
0x104: {  	[sflag:s7] =	ssyncset.done $0x0  }
0x105: {  	[sflag:s7] =	ssyncadd.s32 $0xFFFFF000  }
0x106: {  	_ =	swait.ge [sflag:s7], $0x1000  }
0x107: {  	[sflag:s7] =	ssyncset.done $0x0  }
0x108: {  	[sflag:s7] =	ssyncadd.s32 $0xFFFFF000  }
0x109: {  	_ =	swait.ge [sflag:s7], $0x1000  }
0x10a: {  	[sflag:s7] =	ssyncset.done $0x0  }
0x10b: {  	p1 =	sne.s32 s13, $0x1;
	[sflag:s7] =	ssyncadd.s32 $0xFFFFF000  }
.Ltmp1:
0x10c: {  	[bflag:$0x0] =	sbarrier.arrive $0xFFFF;
	(pc) =	sbr.rel @!p1 .LBB2_6-.Ltmp1, $4  }
0x10d: {  	s12 =	rddreg [dreg:$0x6]  }
0x10e: {  	[hbm:s12], [sflag:s3] =	dma.local [spmem:s4], $0x9C4  }
0x10f: {  	p0 =	por $0x1, $0x1;
	_ =	swait.ge [sflag:s5], $0x9C4  }
0x110: {  	s0 =	sadd.s32 $0xFFFFFFFF, s13;
	s1 =	rddreg [dreg:$0x4];
	[sflag:s5] =	ssyncset.done $0x0  }
0x111: {  	s13 =	simm.s32 $0x7220;
	s12 =	simm.s32 $0x8220  }
.LBB2_3:
0x112: {  	[sflag:s5] =	ssyncadd.s32 $0xFFFFF63C  }
0x113: {  	[spmem:s4], [sflag:s3] =	dma.local [hbm:s1], $0x9C4  }
0x114: {  	_ =	swait.ge [sflag:s5], $0x9C4  }
0x115: {  	[sflag:s5] =	ssyncset.done $0x0  }
0x116: {  	s11 =	simm.s32 $0x4E20;
	s1 =	rddreg [dreg:$0x5];
	[sflag:s5] =	ssyncadd.s32 $0xFFFFF63C  }
0x117: {  	[tilespmem:s11], [sflag:$0x3] =	stream.linear.gather [hbm4b:s1+s6], $0x1400, $0x38;
	[tilespmem:$0x1A220] =	vst v63  }
0x118: {  	_ =	swait.ge [sflag:s5], $0x1400  }
0x119: {  	[sflag:s5] =	ssyncset.done $0x0  }
0x11a: {  	[sflag:s5] =	ssyncadd.s32 $0xFFFFEC00  }
0x11b: {  	[bflag:$0x0] =	sbarrier.arrive $0xFFFF  }
0x11c: {  	s1 =	rddreg [dreg:$0x7]  }
0x11d: {  	[tilespmem:s9], [sflag:$0x1] =	stream.linear.gather [hbm4b:s1+s6], $0x14000, $0x38;
	[tilespmem:$0x1A220] =	vst v63  }
0x11e: {  	_ =	swait.ge [sflag:s10], $0x14000  }
0x11f: {  	[sflag:s10] =	ssyncset.done $0x0  }
0x120: {  	[sflag:s10] =	ssyncadd.s32 $0xFFFEC000  }
0x121: {  	[spmem:s2] =	stream.indirect.scatter.add.f32 [tilespmem:s9], [sflag:$0x2], $0x20, s11, s8, $0xb8;
	[tilespmem:$0x1A220] =	vst v63  }
0x122: {  	s1 =	rddreg [dreg:$0x9]  }
0x123: {  	[spmem:s2] =	stream.indirect.scatter.add.f32 [tilespmem:s13], [sflag:$0x2], $0x20, s1, s8, $0xb8;
	[tilespmem:$0x1A220] =	vst v63  }
0x124: {  	s11 =	rddreg [dreg:$0xa]  }
0x125: {  	[spmem:s2] =	stream.indirect.scatter.add.f32 [tilespmem:s12], [sflag:$0x2], $0x20, s11, s8, $0xb8;
	[tilespmem:$0x1A220] =	vst v63  }
0x126: {  	s1 =	rddreg [dreg:$0xb]  }
0x127: {  	[spmem:s2] =	stream.indirect.scatter.add.f32 [tilespmem:s14], [sflag:$0x2], $0x20, s1, s8, $0xb8;
	[tilespmem:$0x1A220] =	vst v63  }
0x128: {  	s11 =	rddreg [dreg:$0xc]  }
0x129: {  	[spmem:s2] =	stream.indirect.scatter.add.f32 [tilespmem:s15], [sflag:$0x2], $0x20, s11, s8, $0xb8;
	[tilespmem:$0x1A220] =	vst v63  }
0x12a: {  	s1 =	rddreg [dreg:$0xd]  }
0x12b: {  	[spmem:s2] =	stream.indirect.scatter.add.f32 [tilespmem:s16], [sflag:$0x2], $0x20, s1, s8, $0xb8;
	[tilespmem:$0x1A220] =	vst v63  }
0x12c: {  	s11 =	rddreg [dreg:$0xe]  }
0x12d: {  	[spmem:s2] =	stream.indirect.scatter.add.f32 [tilespmem:s17], [sflag:$0x2], $0x20, s11, s8, $0xb8;
	[tilespmem:$0x1A220] =	vst v63  }
0x12e: {  	s1 =	rddreg [dreg:$0xf]  }
0x12f: {  	[spmem:s2] =	stream.indirect.scatter.add.f32 [tilespmem:s18], [sflag:$0x2], $0x20, s1, s8, $0xb8;
	[tilespmem:$0x1A220] =	vst v63  }
0x130: {  	s11 =	rddreg [dreg:$0x10]  }
0x131: {  	[spmem:s2] =	stream.indirect.scatter.add.f32 [tilespmem:s19], [sflag:$0x2], $0x20, s11, s8, $0xb8;
	[tilespmem:$0x1A220] =	vst v63  }
0x132: {  	s1 =	rddreg [dreg:$0x11]  }
0x133: {  	[spmem:s2] =	stream.indirect.scatter.add.f32 [tilespmem:s20], [sflag:$0x2], $0x20, s1, s8, $0xb8;
	[tilespmem:$0x1A220] =	vst v63  }
0x134: {  	s11 =	rddreg [dreg:$0x12]  }
0x135: {  	[spmem:s2] =	stream.indirect.scatter.add.f32 [tilespmem:s21], [sflag:$0x2], $0x20, s11, s8, $0xb8;
	[tilespmem:$0x1A220] =	vst v63  }
0x136: {  	s1 =	rddreg [dreg:$0x13]  }
0x137: {  	[spmem:s2] =	stream.indirect.scatter.add.f32 [tilespmem:s22], [sflag:$0x2], $0x20, s1, s8, $0xb8;
	[tilespmem:$0x1A220] =	vst v63  }
0x138: {  	s11 =	rddreg [dreg:$0x14]  }
0x139: {  	[spmem:s2] =	stream.indirect.scatter.add.f32 [tilespmem:s23], [sflag:$0x2], $0x20, s11, s8, $0xb8;
	[tilespmem:$0x1A220] =	vst v63  }
0x13a: {  	s1 =	rddreg [dreg:$0x15]  }
0x13b: {  	[spmem:s2] =	stream.indirect.scatter.add.f32 [tilespmem:s24], [sflag:$0x2], $0x20, s1, s8, $0xb8;
	[tilespmem:$0x1A220] =	vst v63  }
0x13c: {  	s11 =	rddreg [dreg:$0x16]  }
0x13d: {  	[spmem:s2] =	stream.indirect.scatter.add.f32 [tilespmem:s28], [sflag:$0x2], $0x20, s11, s8, $0xb8;
	[tilespmem:$0x1A220] =	vst v63  }
0x13e: {  	s1 =	rddreg [dreg:$0x17]  }
0x13f: {  	[spmem:s2] =	stream.indirect.scatter.add.f32 [tilespmem:s31], [sflag:$0x2], $0x20, s1, s8, $0xb8;
	[tilespmem:$0x1A220] =	vst v63  }
0x140: {  	s11 =	rddreg [dreg:$0x18]  }
0x141: {  	[spmem:s2] =	stream.indirect.scatter.add.f32 [tilespmem:s30], [sflag:$0x2], $0x20, s11, s8, $0xb8;
	[tilespmem:$0x1A220] =	vst v63  }
0x142: {  	s1 =	rddreg [dreg:$0x19]  }
0x143: {  	[spmem:s2] =	stream.indirect.scatter.add.f32 [tilespmem:s29], [sflag:$0x2], $0x20, s1, s8, $0xb8;
	[tilespmem:$0x1A220] =	vst v63  }
0x144: {  	s11 =	rddreg [dreg:$0x1a]  }
0x145: {  	[spmem:s2] =	stream.indirect.scatter.add.f32 [tilespmem:s25], [sflag:$0x2], $0x20, s11, s8, $0xb8;
	[tilespmem:$0x1A220] =	vst v63  }
0x146: {  	s1 =	rddreg [dreg:$0x1b]  }
0x147: {  	[spmem:s2] =	stream.indirect.scatter.add.f32 [tilespmem:s26], [sflag:$0x2], $0x20, s1, s8, $0xb8;
	[tilespmem:$0x1A220] =	vst v63  }
0x148: {  	_ =	swait.ge [sflag:s7], $0x1000  }
0x149: {  	[sflag:s7] =	ssyncset.done $0x0  }
0x14a: {  	[sflag:s7] =	ssyncadd.s32 $0xFFFFF000  }
0x14b: {  	_ =	swait.ge [sflag:s7], $0x1000  }
0x14c: {  	[sflag:s7] =	ssyncset.done $0x0  }
0x14d: {  	[sflag:s7] =	ssyncadd.s32 $0xFFFFF000  }
0x14e: {  	_ =	swait.ge [sflag:s7], $0x1000  }
0x14f: {  	[sflag:s7] =	ssyncset.done $0x0  }
0x150: {  	[sflag:s7] =	ssyncadd.s32 $0xFFFFF000  }
0x151: {  	_ =	swait.ge [sflag:s7], $0x1000  }
0x152: {  	[sflag:s7] =	ssyncset.done $0x0  }
0x153: {  	[sflag:s7] =	ssyncadd.s32 $0xFFFFF000  }
0x154: {  	_ =	swait.ge [sflag:s7], $0x1000  }
0x155: {  	[sflag:s7] =	ssyncset.done $0x0  }
0x156: {  	[sflag:s7] =	ssyncadd.s32 $0xFFFFF000  }
0x157: {  	_ =	swait.ge [sflag:s7], $0x1000  }
0x158: {  	[sflag:s7] =	ssyncset.done $0x0  }
0x159: {  	[sflag:s7] =	ssyncadd.s32 $0xFFFFF000  }
0x15a: {  	_ =	swait.ge [sflag:s7], $0x1000  }
0x15b: {  	[sflag:s7] =	ssyncset.done $0x0  }
0x15c: {  	[sflag:s7] =	ssyncadd.s32 $0xFFFFF000  }
0x15d: {  	_ =	swait.ge [sflag:s7], $0x1000  }
0x15e: {  	[sflag:s7] =	ssyncset.done $0x0  }
0x15f: {  	[sflag:s7] =	ssyncadd.s32 $0xFFFFF000  }
0x160: {  	_ =	swait.ge [sflag:s7], $0x1000  }
0x161: {  	[sflag:s7] =	ssyncset.done $0x0  }
0x162: {  	[sflag:s7] =	ssyncadd.s32 $0xFFFFF000  }
0x163: {  	_ =	swait.ge [sflag:s7], $0x1000  }
0x164: {  	[sflag:s7] =	ssyncset.done $0x0  }
0x165: {  	[sflag:s7] =	ssyncadd.s32 $0xFFFFF000  }
0x166: {  	_ =	swait.ge [sflag:s7], $0x1000  }
0x167: {  	[sflag:s7] =	ssyncset.done $0x0  }
0x168: {  	[sflag:s7] =	ssyncadd.s32 $0xFFFFF000  }
0x169: {  	_ =	swait.ge [sflag:s7], $0x1000  }
0x16a: {  	[sflag:s7] =	ssyncset.done $0x0  }
0x16b: {  	[sflag:s7] =	ssyncadd.s32 $0xFFFFF000  }
0x16c: {  	_ =	swait.ge [sflag:s7], $0x1000  }
0x16d: {  	[sflag:s7] =	ssyncset.done $0x0  }
0x16e: {  	[sflag:s7] =	ssyncadd.s32 $0xFFFFF000  }
0x16f: {  	_ =	swait.ge [sflag:s7], $0x1000  }
0x170: {  	[sflag:s7] =	ssyncset.done $0x0  }
0x171: {  	[sflag:s7] =	ssyncadd.s32 $0xFFFFF000  }
0x172: {  	_ =	swait.ge [sflag:s7], $0x1000  }
0x173: {  	[sflag:s7] =	ssyncset.done $0x0  }
0x174: {  	[sflag:s7] =	ssyncadd.s32 $0xFFFFF000  }
0x175: {  	_ =	swait.ge [sflag:s7], $0x1000  }
0x176: {  	[sflag:s7] =	ssyncset.done $0x0  }
0x177: {  	[sflag:s7] =	ssyncadd.s32 $0xFFFFF000  }
0x178: {  	_ =	swait.ge [sflag:s7], $0x1000  }
0x179: {  	[sflag:s7] =	ssyncset.done $0x0  }
0x17a: {  	[sflag:s7] =	ssyncadd.s32 $0xFFFFF000  }
0x17b: {  	_ =	swait.ge [sflag:s7], $0x1000  }
0x17c: {  	[sflag:s7] =	ssyncset.done $0x0  }
0x17d: {  	[sflag:s7] =	ssyncadd.s32 $0xFFFFF000  }
0x17e: {  	_ =	swait.ge [sflag:s7], $0x1000  }
0x17f: {  	[sflag:s7] =	ssyncset.done $0x0  }
0x180: {  	[sflag:s7] =	ssyncadd.s32 $0xFFFFF000  }
0x181: {  	_ =	swait.ge [sflag:s7], $0x1000  }
0x182: {  	[sflag:s7] =	ssyncset.done $0x0  }
0x183: {  	s11 =	rddreg [dreg:$0x8];
	[sflag:s7] =	ssyncadd.s32 $0xFFFFF000  }
0x184: {  	[tilespmem:s9], [sflag:$0x1] =	stream.linear.gather [hbm4b:s11+s6], $0x14000, $0x38;
	[tilespmem:$0x1A220] =	vst v63  }
0x185: {  	_ =	swait.ge [sflag:s10], $0x14000  }
0x186: {  	s1 =	rddreg [dreg:$0x1c];
	[sflag:s10] =	ssyncset.done $0x0  }
0x187: {  	s11 =	rddreg [dreg:$0x1d];
	[sflag:s10] =	ssyncadd.s32 $0xFFFEC000  }
0x188: {  	[spmem:s2] =	stream.indirect.scatter.add.f32 [tilespmem:s9], [sflag:$0x2], $0x20, s1, s8, $0xb8;
	[tilespmem:$0x1A220] =	vst v63  }
0x189: {  	s1 =	rddreg [dreg:$0x1e]  }
0x18a: {  	[spmem:s2] =	stream.indirect.scatter.add.f32 [tilespmem:s13], [sflag:$0x2], $0x20, s11, s8, $0xb8;
	[tilespmem:$0x1A220] =	vst v63  }
0x18b: {  	s11 =	rddreg [dreg:$0x1f]  }
0x18c: {  	[spmem:s2] =	stream.indirect.scatter.add.f32 [tilespmem:s12], [sflag:$0x2], $0x20, s1, s8, $0xb8;
	[tilespmem:$0x1A220] =	vst v63  }
0x18d: {  	s1 =	sld [smem:$0x7EE]  }
0x18e: {  	[spmem:s2] =	stream.indirect.scatter.add.f32 [tilespmem:s14], [sflag:$0x2], $0x20, s11, s8, $0xb8;
	[tilespmem:$0x1A220] =	vst v63  }
0x18f: {  	s11 =	sld [smem:$0x7EF]  }
0x190: {  	[spmem:s2] =	stream.indirect.scatter.add.f32 [tilespmem:s15], [sflag:$0x2], $0x20, s1, s8, $0xb8;
	[tilespmem:$0x1A220] =	vst v63  }
0x191: {  	s1 =	sld [smem:$0x7F0]  }
0x192: {  	[spmem:s2] =	stream.indirect.scatter.add.f32 [tilespmem:s16], [sflag:$0x2], $0x20, s11, s8, $0xb8;
	[tilespmem:$0x1A220] =	vst v63  }
0x193: {  	s11 =	sld [smem:$0x7F1]  }
0x194: {  	[spmem:s2] =	stream.indirect.scatter.add.f32 [tilespmem:s17], [sflag:$0x2], $0x20, s1, s8, $0xb8;
	[tilespmem:$0x1A220] =	vst v63  }
0x195: {  	s1 =	sld [smem:$0x7F2]  }
0x196: {  	[spmem:s2] =	stream.indirect.scatter.add.f32 [tilespmem:s18], [sflag:$0x2], $0x20, s11, s8, $0xb8;
	[tilespmem:$0x1A220] =	vst v63  }
0x197: {  	s11 =	sld [smem:$0x7F3]  }
0x198: {  	[spmem:s2] =	stream.indirect.scatter.add.f32 [tilespmem:s19], [sflag:$0x2], $0x20, s1, s8, $0xb8;
	[tilespmem:$0x1A220] =	vst v63  }
0x199: {  	s1 =	sld [smem:$0x7F4]  }
0x19a: {  	[spmem:s2] =	stream.indirect.scatter.add.f32 [tilespmem:s20], [sflag:$0x2], $0x20, s11, s8, $0xb8;
	[tilespmem:$0x1A220] =	vst v63  }
0x19b: {  	s11 =	sld [smem:$0x7F5]  }
0x19c: {  	[spmem:s2] =	stream.indirect.scatter.add.f32 [tilespmem:s21], [sflag:$0x2], $0x20, s1, s8, $0xb8;
	[tilespmem:$0x1A220] =	vst v63  }
0x19d: {  	s1 =	sld [smem:$0x7F6]  }
0x19e: {  	[spmem:s2] =	stream.indirect.scatter.add.f32 [tilespmem:s22], [sflag:$0x2], $0x20, s11, s8, $0xb8;
	[tilespmem:$0x1A220] =	vst v63  }
0x19f: {  	s11 =	sld [smem:$0x7F7]  }
0x1a0: {  	[spmem:s2] =	stream.indirect.scatter.add.f32 [tilespmem:s23], [sflag:$0x2], $0x20, s1, s8, $0xb8;
	[tilespmem:$0x1A220] =	vst v63  }
0x1a1: {  	s1 =	sld [smem:$0x7F8]  }
0x1a2: {  	[spmem:s2] =	stream.indirect.scatter.add.f32 [tilespmem:s24], [sflag:$0x2], $0x20, s11, s8, $0xb8;
	[tilespmem:$0x1A220] =	vst v63  }
0x1a3: {  	s11 =	sld [smem:$0x7F9]  }
0x1a4: {  	[spmem:s2] =	stream.indirect.scatter.add.f32 [tilespmem:s28], [sflag:$0x2], $0x20, s1, s8, $0xb8;
	[tilespmem:$0x1A220] =	vst v63  }
0x1a5: {  	s1 =	sld [smem:$0x7FA]  }
0x1a6: {  	[spmem:s2] =	stream.indirect.scatter.add.f32 [tilespmem:s31], [sflag:$0x2], $0x20, s11, s8, $0xb8;
	[tilespmem:$0x1A220] =	vst v63  }
0x1a7: {  	s11 =	sld [smem:$0x7FB]  }
0x1a8: {  	[spmem:s2] =	stream.indirect.scatter.add.f32 [tilespmem:s30], [sflag:$0x2], $0x20, s1, s8, $0xb8;
	[tilespmem:$0x1A220] =	vst v63  }
0x1a9: {  	s1 =	sld [smem:$0x7FC]  }
0x1aa: {  	[spmem:s2] =	stream.indirect.scatter.add.f32 [tilespmem:s29], [sflag:$0x2], $0x20, s11, s8, $0xb8;
	[tilespmem:$0x1A220] =	vst v63  }
0x1ab: {  	s11 =	sld [smem:$0x7FD]  }
0x1ac: {  	[spmem:s2] =	stream.indirect.scatter.add.f32 [tilespmem:s25], [sflag:$0x2], $0x20, s1, s8, $0xb8;
	[tilespmem:$0x1A220] =	vst v63  }
0x1ad: {  	_ = 	snop  }
0x1ae: {  	[spmem:s2] =	stream.indirect.scatter.add.f32 [tilespmem:s26], [sflag:$0x2], $0x20, s11, s8, $0xb8;
	[tilespmem:$0x1A220] =	vst v63  }
0x1af: {  	_ =	swait.ge [sflag:s7], $0x1000  }
0x1b0: {  	[sflag:s7] =	ssyncset.done $0x0  }
0x1b1: {  	[sflag:s7] =	ssyncadd.s32 $0xFFFFF000  }
0x1b2: {  	_ =	swait.ge [sflag:s7], $0x1000  }
0x1b3: {  	[sflag:s7] =	ssyncset.done $0x0  }
0x1b4: {  	[sflag:s7] =	ssyncadd.s32 $0xFFFFF000  }
0x1b5: {  	_ =	swait.ge [sflag:s7], $0x1000  }
0x1b6: {  	[sflag:s7] =	ssyncset.done $0x0  }
0x1b7: {  	[sflag:s7] =	ssyncadd.s32 $0xFFFFF000  }
0x1b8: {  	_ =	swait.ge [sflag:s7], $0x1000  }
0x1b9: {  	[sflag:s7] =	ssyncset.done $0x0  }
0x1ba: {  	[sflag:s7] =	ssyncadd.s32 $0xFFFFF000  }
0x1bb: {  	_ =	swait.ge [sflag:s7], $0x1000  }
0x1bc: {  	[sflag:s7] =	ssyncset.done $0x0  }
0x1bd: {  	[sflag:s7] =	ssyncadd.s32 $0xFFFFF000  }
0x1be: {  	_ =	swait.ge [sflag:s7], $0x1000  }
0x1bf: {  	[sflag:s7] =	ssyncset.done $0x0  }
0x1c0: {  	[sflag:s7] =	ssyncadd.s32 $0xFFFFF000  }
0x1c1: {  	_ =	swait.ge [sflag:s7], $0x1000  }
0x1c2: {  	[sflag:s7] =	ssyncset.done $0x0  }
0x1c3: {  	[sflag:s7] =	ssyncadd.s32 $0xFFFFF000  }
0x1c4: {  	_ =	swait.ge [sflag:s7], $0x1000  }
0x1c5: {  	[sflag:s7] =	ssyncset.done $0x0  }
0x1c6: {  	[sflag:s7] =	ssyncadd.s32 $0xFFFFF000  }
0x1c7: {  	_ =	swait.ge [sflag:s7], $0x1000  }
0x1c8: {  	[sflag:s7] =	ssyncset.done $0x0  }
0x1c9: {  	[sflag:s7] =	ssyncadd.s32 $0xFFFFF000  }
0x1ca: {  	_ =	swait.ge [sflag:s7], $0x1000  }
0x1cb: {  	[sflag:s7] =	ssyncset.done $0x0  }
0x1cc: {  	[sflag:s7] =	ssyncadd.s32 $0xFFFFF000  }
0x1cd: {  	_ =	swait.ge [sflag:s7], $0x1000  }
0x1ce: {  	[sflag:s7] =	ssyncset.done $0x0  }
0x1cf: {  	[sflag:s7] =	ssyncadd.s32 $0xFFFFF000  }
0x1d0: {  	_ =	swait.ge [sflag:s7], $0x1000  }
0x1d1: {  	[sflag:s7] =	ssyncset.done $0x0  }
0x1d2: {  	[sflag:s7] =	ssyncadd.s32 $0xFFFFF000  }
0x1d3: {  	_ =	swait.ge [sflag:s7], $0x1000  }
0x1d4: {  	[sflag:s7] =	ssyncset.done $0x0  }
0x1d5: {  	[sflag:s7] =	ssyncadd.s32 $0xFFFFF000  }
0x1d6: {  	_ =	swait.ge [sflag:s7], $0x1000  }
0x1d7: {  	[sflag:s7] =	ssyncset.done $0x0  }
0x1d8: {  	[sflag:s7] =	ssyncadd.s32 $0xFFFFF000  }
0x1d9: {  	_ =	swait.ge [sflag:s7], $0x1000  }
0x1da: {  	[sflag:s7] =	ssyncset.done $0x0  }
0x1db: {  	[sflag:s7] =	ssyncadd.s32 $0xFFFFF000  }
0x1dc: {  	_ =	swait.ge [sflag:s7], $0x1000  }
0x1dd: {  	[sflag:s7] =	ssyncset.done $0x0  }
0x1de: {  	[sflag:s7] =	ssyncadd.s32 $0xFFFFF000  }
0x1df: {  	_ =	swait.ge [sflag:s7], $0x1000  }
0x1e0: {  	[sflag:s7] =	ssyncset.done $0x0  }
0x1e1: {  	[sflag:s7] =	ssyncadd.s32 $0xFFFFF000  }
0x1e2: {  	_ =	swait.ge [sflag:s7], $0x1000  }
0x1e3: {  	[sflag:s7] =	ssyncset.done $0x0  }
0x1e4: {  	[sflag:s7] =	ssyncadd.s32 $0xFFFFF000  }
0x1e5: {  	_ =	swait.ge [sflag:s7], $0x1000  }
0x1e6: {  	[sflag:s7] =	ssyncset.done $0x0  }
0x1e7: {  	[sflag:s7] =	ssyncadd.s32 $0xFFFFF000  }
0x1e8: {  	_ =	swait.ge [sflag:s7], $0x1000  }
0x1e9: {  	[sflag:s7] =	ssyncset.done $0x0  }
0x1ea: {  	p1 =	sne.s32 s0, $0x1;
	[sflag:s7] =	ssyncadd.s32 $0xFFFFF000  }
.Ltmp2:
0x1eb: {  	[bflag:$0x0] =	sbarrier.arrive $0xFFFF;
	(pc) =	sbr.rel @p1 .LBB2_3-.Ltmp2, $4  }
0x1ec: {  	s11 =	rddreg [dreg:$0x6]  }
0x1ed: {  	[hbm:s11], [sflag:s3] =	dma.local [spmem:s4], $0x9C4  }
0x1ee: {  	_ =	swait.ge [sflag:s5], $0x9C4  }
0x1ef: {  	s0 =	sadd.s32 $0xFFFFFFFF, s0;
	s1 =	rddreg [dreg:$0x4];
	[sflag:s5] =	ssyncset.done $0x0  }
0x1f0: {  	s11 =	rddreg [dreg:$0x3]  }
.LBB2_5:
0x1f1: {  	[sflag:s5] =	ssyncadd.s32 @p0 $0xFFFFF63C  }
0x1f2: {  	[spmem:s4], [sflag:s3] =	dma.local [hbm:s1], $0x9C4  }
0x1f3: {  	_ =	swait.ge [sflag:s5], $0x9C4  }
0x1f4: {  	[sflag:s5] =	ssyncset.done $0x0  }
0x1f5: {  	s16 =	simm.s32 $0x4E20;
	s0 =	rddreg [dreg:$0x5];
	[sflag:s5] =	ssyncadd.s32 $0xFFFFF63C  }
0x1f6: {  	[tilespmem:s16], [sflag:$0x3] =	stream.linear.gather [hbm4b:s0+s6], $0x1400, $0x38;
	[tilespmem:$0x1A220] =	vst v63  }
0x1f7: {  	_ =	swait.ge [sflag:s5], $0x1400  }
0x1f8: {  	[sflag:s5] =	ssyncset.done $0x0  }
0x1f9: {  	[sflag:s5] =	ssyncadd.s32 $0xFFFFEC00  }
0x1fa: {  	[bflag:$0x0] =	sbarrier.arrive $0xFFFF  }
0x1fb: {  	s17 =	rddreg [dreg:$0x7]  }
0x1fc: {  	[tilespmem:s9], [sflag:$0x1] =	stream.linear.gather [hbm4b:s17+s6], $0x14000, $0x38;
	[tilespmem:$0x1A220] =	vst v63  }
0x1fd: {  	_ =	swait.ge [sflag:s10], $0x14000  }
0x1fe: {  	[sflag:s10] =	ssyncset.done $0x0  }
0x1ff: {  	[sflag:s10] =	ssyncadd.s32 $0xFFFEC000  }
0x200: {  	[spmem:s2] =	stream.indirect.scatter.add.f32 [tilespmem:s9], [sflag:$0x2], $0x20, s16, s8, $0xb8;
	[tilespmem:$0x1A220] =	vst v63  }
0x201: {  	s12 =	simm.s32 $0x7220;
	s18 =	rddreg [dreg:$0x9]  }
0x202: {  	[spmem:s2] =	stream.indirect.scatter.add.f32 [tilespmem:s12], [sflag:$0x2], $0x20, s18, s8, $0xb8;
	[tilespmem:$0x1A220] =	vst v63  }
0x203: {  	s13 =	simm.s32 $0x8220;
	s19 =	rddreg [dreg:$0xa]  }
0x204: {  	[spmem:s2] =	stream.indirect.scatter.add.f32 [tilespmem:s13], [sflag:$0x2], $0x20, s19, s8, $0xb8;
	[tilespmem:$0x1A220] =	vst v63  }
0x205: {  	s14 =	simm.s32 $0x9220;
	s20 =	rddreg [dreg:$0xb]  }
0x206: {  	[spmem:s2] =	stream.indirect.scatter.add.f32 [tilespmem:s14], [sflag:$0x2], $0x20, s20, s8, $0xb8;
	[tilespmem:$0x1A220] =	vst v63  }
0x207: {  	s15 =	simm.s32 $0xA220;
	s21 =	rddreg [dreg:$0xc]  }
0x208: {  	[spmem:s2] =	stream.indirect.scatter.add.f32 [tilespmem:s15], [sflag:$0x2], $0x20, s21, s8, $0xb8;
	[tilespmem:$0x1A220] =	vst v63  }
0x209: {  	s22 =	rddreg [dreg:$0xd];
	s16 =	simm.s32 $0xB220  }
0x20a: {  	[spmem:s2] =	stream.indirect.scatter.add.f32 [tilespmem:s16], [sflag:$0x2], $0x20, s22, s8, $0xb8;
	[tilespmem:$0x1A220] =	vst v63  }
0x20b: {  	s17 =	simm.s32 $0xC220;
	s23 =	rddreg [dreg:$0xe]  }
0x20c: {  	[spmem:s2] =	stream.indirect.scatter.add.f32 [tilespmem:s17], [sflag:$0x2], $0x20, s23, s8, $0xb8;
	[tilespmem:$0x1A220] =	vst v63  }
0x20d: {  	s24 =	rddreg [dreg:$0xf];
	s18 =	simm.s32 $0xD220  }
0x20e: {  	[spmem:s2] =	stream.indirect.scatter.add.f32 [tilespmem:s18], [sflag:$0x2], $0x20, s24, s8, $0xb8;
	[tilespmem:$0x1A220] =	vst v63  }
0x20f: {  	s25 =	rddreg [dreg:$0x10];
	s19 =	simm.s32 $0xE220  }
0x210: {  	[spmem:s2] =	stream.indirect.scatter.add.f32 [tilespmem:s19], [sflag:$0x2], $0x20, s25, s8, $0xb8;
	[tilespmem:$0x1A220] =	vst v63  }
0x211: {  	s26 =	rddreg [dreg:$0x11];
	s20 =	simm.s32 $0xF220  }
0x212: {  	[spmem:s2] =	stream.indirect.scatter.add.f32 [tilespmem:s20], [sflag:$0x2], $0x20, s26, s8, $0xb8;
	[tilespmem:$0x1A220] =	vst v63  }
0x213: {  	s28 =	rddreg [dreg:$0x12];
	s21 =	simm.s32 $0x10220  }
0x214: {  	[spmem:s2] =	stream.indirect.scatter.add.f32 [tilespmem:s21], [sflag:$0x2], $0x20, s28, s8, $0xb8;
	[tilespmem:$0x1A220] =	vst v63  }
0x215: {  	s29 =	rddreg [dreg:$0x13];
	s22 =	simm.s32 $0x11220  }
0x216: {  	[spmem:s2] =	stream.indirect.scatter.add.f32 [tilespmem:s22], [sflag:$0x2], $0x20, s29, s8, $0xb8;
	[tilespmem:$0x1A220] =	vst v63  }
0x217: {  	s30 =	rddreg [dreg:$0x14];
	s23 =	simm.s32 $0x12220  }
0x218: {  	[spmem:s2] =	stream.indirect.scatter.add.f32 [tilespmem:s23], [sflag:$0x2], $0x20, s30, s8, $0xb8;
	[tilespmem:$0x1A220] =	vst v63  }
0x219: {  	s31 =	rddreg [dreg:$0x15];
	s24 =	simm.s32 $0x13220  }
0x21a: {  	[spmem:s2] =	stream.indirect.scatter.add.f32 [tilespmem:s24], [sflag:$0x2], $0x20, s31, s8, $0xb8;
	[tilespmem:$0x1A220] =	vst v63  }
0x21b: {  	s25 =	rddreg [dreg:$0x16];
	s28 =	simm.s32 $0x14220  }
0x21c: {  	[spmem:s2] =	stream.indirect.scatter.add.f32 [tilespmem:s28], [sflag:$0x2], $0x20, s25, s8, $0xb8;
	[tilespmem:$0x1A220] =	vst v63  }
0x21d: {  	s26 =	rddreg [dreg:$0x17];
	s31 =	simm.s32 $0x15220  }
0x21e: {  	[spmem:s2] =	stream.indirect.scatter.add.f32 [tilespmem:s31], [sflag:$0x2], $0x20, s26, s8, $0xb8;
	[tilespmem:$0x1A220] =	vst v63  }
0x21f: {  	s29 =	rddreg [dreg:$0x18];
	s30 =	simm.s32 $0x16220  }
0x220: {  	[spmem:s2] =	stream.indirect.scatter.add.f32 [tilespmem:s30], [sflag:$0x2], $0x20, s29, s8, $0xb8;
	[tilespmem:$0x1A220] =	vst v63  }
0x221: {  	s25 =	rddreg [dreg:$0x19];
	s29 =	simm.s32 $0x17220  }
0x222: {  	[spmem:s2] =	stream.indirect.scatter.add.f32 [tilespmem:s29], [sflag:$0x2], $0x20, s25, s8, $0xb8;
	[tilespmem:$0x1A220] =	vst v63  }
0x223: {  	s26 =	rddreg [dreg:$0x1a];
	s25 =	simm.s32 $0x18220  }
0x224: {  	[spmem:s2] =	stream.indirect.scatter.add.f32 [tilespmem:s25], [sflag:$0x2], $0x20, s26, s8, $0xb8;
	[tilespmem:$0x1A220] =	vst v63  }
0x225: {  	s0 =	rddreg [dreg:$0x1b];
	s26 =	simm.s32 $0x19220  }
0x226: {  	[spmem:s2] =	stream.indirect.scatter.add.f32 [tilespmem:s26], [sflag:$0x2], $0x20, s0, s8, $0xb8;
	[tilespmem:$0x1A220] =	vst v63  }
0x227: {  	_ =	swait.ge [sflag:s7], $0x1000  }
0x228: {  	[sflag:s7] =	ssyncset.done $0x0  }
0x229: {  	[sflag:s7] =	ssyncadd.s32 $0xFFFFF000  }
0x22a: {  	_ =	swait.ge [sflag:s7], $0x1000  }
0x22b: {  	[sflag:s7] =	ssyncset.done $0x0  }
0x22c: {  	[sflag:s7] =	ssyncadd.s32 $0xFFFFF000  }
0x22d: {  	_ =	swait.ge [sflag:s7], $0x1000  }
0x22e: {  	[sflag:s7] =	ssyncset.done $0x0  }
0x22f: {  	[sflag:s7] =	ssyncadd.s32 $0xFFFFF000  }
0x230: {  	_ =	swait.ge [sflag:s7], $0x1000  }
0x231: {  	[sflag:s7] =	ssyncset.done $0x0  }
0x232: {  	[sflag:s7] =	ssyncadd.s32 $0xFFFFF000  }
0x233: {  	_ =	swait.ge [sflag:s7], $0x1000  }
0x234: {  	[sflag:s7] =	ssyncset.done $0x0  }
0x235: {  	[sflag:s7] =	ssyncadd.s32 $0xFFFFF000  }
0x236: {  	_ =	swait.ge [sflag:s7], $0x1000  }
0x237: {  	[sflag:s7] =	ssyncset.done $0x0  }
0x238: {  	[sflag:s7] =	ssyncadd.s32 $0xFFFFF000  }
0x239: {  	_ =	swait.ge [sflag:s7], $0x1000  }
0x23a: {  	[sflag:s7] =	ssyncset.done $0x0  }
0x23b: {  	[sflag:s7] =	ssyncadd.s32 $0xFFFFF000  }
0x23c: {  	_ =	swait.ge [sflag:s7], $0x1000  }
0x23d: {  	[sflag:s7] =	ssyncset.done $0x0  }
0x23e: {  	[sflag:s7] =	ssyncadd.s32 $0xFFFFF000  }
0x23f: {  	_ =	swait.ge [sflag:s7], $0x1000  }
0x240: {  	[sflag:s7] =	ssyncset.done $0x0  }
0x241: {  	[sflag:s7] =	ssyncadd.s32 $0xFFFFF000  }
0x242: {  	_ =	swait.ge [sflag:s7], $0x1000  }
0x243: {  	[sflag:s7] =	ssyncset.done $0x0  }
0x244: {  	[sflag:s7] =	ssyncadd.s32 $0xFFFFF000  }
0x245: {  	_ =	swait.ge [sflag:s7], $0x1000  }
0x246: {  	[sflag:s7] =	ssyncset.done $0x0  }
0x247: {  	[sflag:s7] =	ssyncadd.s32 $0xFFFFF000  }
0x248: {  	_ =	swait.ge [sflag:s7], $0x1000  }
0x249: {  	[sflag:s7] =	ssyncset.done $0x0  }
0x24a: {  	[sflag:s7] =	ssyncadd.s32 $0xFFFFF000  }
0x24b: {  	_ =	swait.ge [sflag:s7], $0x1000  }
0x24c: {  	[sflag:s7] =	ssyncset.done $0x0  }
0x24d: {  	[sflag:s7] =	ssyncadd.s32 $0xFFFFF000  }
0x24e: {  	_ =	swait.ge [sflag:s7], $0x1000  }
0x24f: {  	[sflag:s7] =	ssyncset.done $0x0  }
0x250: {  	[sflag:s7] =	ssyncadd.s32 $0xFFFFF000  }
0x251: {  	_ =	swait.ge [sflag:s7], $0x1000  }
0x252: {  	[sflag:s7] =	ssyncset.done $0x0  }
0x253: {  	[sflag:s7] =	ssyncadd.s32 $0xFFFFF000  }
0x254: {  	_ =	swait.ge [sflag:s7], $0x1000  }
0x255: {  	[sflag:s7] =	ssyncset.done $0x0  }
0x256: {  	[sflag:s7] =	ssyncadd.s32 $0xFFFFF000  }
0x257: {  	_ =	swait.ge [sflag:s7], $0x1000  }
0x258: {  	[sflag:s7] =	ssyncset.done $0x0  }
0x259: {  	[sflag:s7] =	ssyncadd.s32 $0xFFFFF000  }
0x25a: {  	_ =	swait.ge [sflag:s7], $0x1000  }
0x25b: {  	[sflag:s7] =	ssyncset.done $0x0  }
0x25c: {  	[sflag:s7] =	ssyncadd.s32 $0xFFFFF000  }
0x25d: {  	_ =	swait.ge [sflag:s7], $0x1000  }
0x25e: {  	[sflag:s7] =	ssyncset.done $0x0  }
0x25f: {  	[sflag:s7] =	ssyncadd.s32 $0xFFFFF000  }
0x260: {  	_ =	swait.ge [sflag:s7], $0x1000  }
0x261: {  	[sflag:s7] =	ssyncset.done $0x0  }
0x262: {  	s1 =	rddreg [dreg:$0x8];
	[sflag:s7] =	ssyncadd.s32 $0xFFFFF000  }
0x263: {  	[tilespmem:s9], [sflag:$0x1] =	stream.linear.gather [hbm4b:s1+s6], $0x14000, $0x38;
	[tilespmem:$0x1A220] =	vst v63  }
0x264: {  	_ =	swait.ge [sflag:s10], $0x14000  }
0x265: {  	s6 =	rddreg [dreg:$0x1c];
	[sflag:s10] =	ssyncset.done $0x0  }
0x266: {  	[sflag:s10] =	ssyncadd.s32 $0xFFFEC000;
	s10 =	rddreg [dreg:$0x1d]  }
0x267: {  	[spmem:s2] =	stream.indirect.scatter.add.f32 [tilespmem:s9], [sflag:$0x2], $0x20, s6, s8, $0xb8;
	[tilespmem:$0x1A220] =	vst v63  }
0x268: {  	s6 =	rddreg [dreg:$0x1e]  }
0x269: {  	[spmem:s2] =	stream.indirect.scatter.add.f32 [tilespmem:s12], [sflag:$0x2], $0x20, s10, s8, $0xb8;
	[tilespmem:$0x1A220] =	vst v63  }
0x26a: {  	s9 =	rddreg [dreg:$0x1f]  }
0x26b: {  	[spmem:s2] =	stream.indirect.scatter.add.f32 [tilespmem:s13], [sflag:$0x2], $0x20, s6, s8, $0xb8;
	[tilespmem:$0x1A220] =	vst v63  }
0x26c: {  	s10 =	sld [smem:$0x7EE]  }
0x26d: {  	[spmem:s2] =	stream.indirect.scatter.add.f32 [tilespmem:s14], [sflag:$0x2], $0x20, s9, s8, $0xb8;
	[tilespmem:$0x1A220] =	vst v63  }
0x26e: {  	s12 =	sld [smem:$0x7EF]  }
0x26f: {  	[spmem:s2] =	stream.indirect.scatter.add.f32 [tilespmem:s15], [sflag:$0x2], $0x20, s10, s8, $0xb8;
	[tilespmem:$0x1A220] =	vst v63  }
0x270: {  	s13 =	sld [smem:$0x7F0]  }
0x271: {  	[spmem:s2] =	stream.indirect.scatter.add.f32 [tilespmem:s16], [sflag:$0x2], $0x20, s12, s8, $0xb8;
	[tilespmem:$0x1A220] =	vst v63  }
0x272: {  	s14 =	sld [smem:$0x7F1]  }
0x273: {  	[spmem:s2] =	stream.indirect.scatter.add.f32 [tilespmem:s17], [sflag:$0x2], $0x20, s13, s8, $0xb8;
	[tilespmem:$0x1A220] =	vst v63  }
0x274: {  	s15 =	sld [smem:$0x7F2]  }
0x275: {  	[spmem:s2] =	stream.indirect.scatter.add.f32 [tilespmem:s18], [sflag:$0x2], $0x20, s14, s8, $0xb8;
	[tilespmem:$0x1A220] =	vst v63  }
0x276: {  	s16 =	sld [smem:$0x7F3]  }
0x277: {  	[spmem:s2] =	stream.indirect.scatter.add.f32 [tilespmem:s19], [sflag:$0x2], $0x20, s15, s8, $0xb8;
	[tilespmem:$0x1A220] =	vst v63  }
0x278: {  	s17 =	sld [smem:$0x7F4]  }
0x279: {  	[spmem:s2] =	stream.indirect.scatter.add.f32 [tilespmem:s20], [sflag:$0x2], $0x20, s16, s8, $0xb8;
	[tilespmem:$0x1A220] =	vst v63  }
0x27a: {  	s18 =	sld [smem:$0x7F5]  }
0x27b: {  	[spmem:s2] =	stream.indirect.scatter.add.f32 [tilespmem:s21], [sflag:$0x2], $0x20, s17, s8, $0xb8;
	[tilespmem:$0x1A220] =	vst v63  }
0x27c: {  	s19 =	sld [smem:$0x7F6]  }
0x27d: {  	[spmem:s2] =	stream.indirect.scatter.add.f32 [tilespmem:s22], [sflag:$0x2], $0x20, s18, s8, $0xb8;
	[tilespmem:$0x1A220] =	vst v63  }
0x27e: {  	s20 =	sld [smem:$0x7F7]  }
0x27f: {  	[spmem:s2] =	stream.indirect.scatter.add.f32 [tilespmem:s23], [sflag:$0x2], $0x20, s19, s8, $0xb8;
	[tilespmem:$0x1A220] =	vst v63  }
0x280: {  	s21 =	sld [smem:$0x7F8]  }
0x281: {  	[spmem:s2] =	stream.indirect.scatter.add.f32 [tilespmem:s24], [sflag:$0x2], $0x20, s20, s8, $0xb8;
	[tilespmem:$0x1A220] =	vst v63  }
0x282: {  	s22 =	sld [smem:$0x7F9]  }
0x283: {  	[spmem:s2] =	stream.indirect.scatter.add.f32 [tilespmem:s28], [sflag:$0x2], $0x20, s21, s8, $0xb8;
	[tilespmem:$0x1A220] =	vst v63  }
0x284: {  	s23 =	sld [smem:$0x7FA]  }
0x285: {  	[spmem:s2] =	stream.indirect.scatter.add.f32 [tilespmem:s31], [sflag:$0x2], $0x20, s22, s8, $0xb8;
	[tilespmem:$0x1A220] =	vst v63  }
0x286: {  	s24 =	sld [smem:$0x7FB]  }
0x287: {  	[spmem:s2] =	stream.indirect.scatter.add.f32 [tilespmem:s30], [sflag:$0x2], $0x20, s23, s8, $0xb8;
	[tilespmem:$0x1A220] =	vst v63  }
0x288: {  	s28 =	sld [smem:$0x7FC]  }
0x289: {  	[spmem:s2] =	stream.indirect.scatter.add.f32 [tilespmem:s29], [sflag:$0x2], $0x20, s24, s8, $0xb8;
	[tilespmem:$0x1A220] =	vst v63  }
0x28a: {  	s29 =	sld [smem:$0x7FD]  }
0x28b: {  	[spmem:s2] =	stream.indirect.scatter.add.f32 [tilespmem:s25], [sflag:$0x2], $0x20, s28, s8, $0xb8;
	[tilespmem:$0x1A220] =	vst v63  }
0x28c: {  	_ = 	snop  }
0x28d: {  	[spmem:s2] =	stream.indirect.scatter.add.f32 [tilespmem:s26], [sflag:$0x2], $0x20, s29, s8, $0xb8;
	[tilespmem:$0x1A220] =	vst v63  }
0x28e: {  	_ =	swait.ge [sflag:s7], $0x1000  }
0x28f: {  	[sflag:s7] =	ssyncset.done $0x0  }
0x290: {  	[sflag:s7] =	ssyncadd.s32 $0xFFFFF000  }
0x291: {  	_ =	swait.ge [sflag:s7], $0x1000  }
0x292: {  	[sflag:s7] =	ssyncset.done $0x0  }
0x293: {  	[sflag:s7] =	ssyncadd.s32 $0xFFFFF000  }
0x294: {  	_ =	swait.ge [sflag:s7], $0x1000  }
0x295: {  	[sflag:s7] =	ssyncset.done $0x0  }
0x296: {  	[sflag:s7] =	ssyncadd.s32 $0xFFFFF000  }
0x297: {  	_ =	swait.ge [sflag:s7], $0x1000  }
0x298: {  	[sflag:s7] =	ssyncset.done $0x0  }
0x299: {  	[sflag:s7] =	ssyncadd.s32 $0xFFFFF000  }
0x29a: {  	_ =	swait.ge [sflag:s7], $0x1000  }
0x29b: {  	[sflag:s7] =	ssyncset.done $0x0  }
0x29c: {  	[sflag:s7] =	ssyncadd.s32 $0xFFFFF000  }
0x29d: {  	_ =	swait.ge [sflag:s7], $0x1000  }
0x29e: {  	[sflag:s7] =	ssyncset.done $0x0  }
0x29f: {  	[sflag:s7] =	ssyncadd.s32 $0xFFFFF000  }
0x2a0: {  	_ =	swait.ge [sflag:s7], $0x1000  }
0x2a1: {  	[sflag:s7] =	ssyncset.done $0x0  }
0x2a2: {  	[sflag:s7] =	ssyncadd.s32 $0xFFFFF000  }
0x2a3: {  	_ =	swait.ge [sflag:s7], $0x1000  }
0x2a4: {  	[sflag:s7] =	ssyncset.done $0x0  }
0x2a5: {  	[sflag:s7] =	ssyncadd.s32 $0xFFFFF000  }
0x2a6: {  	_ =	swait.ge [sflag:s7], $0x1000  }
0x2a7: {  	[sflag:s7] =	ssyncset.done $0x0  }
0x2a8: {  	[sflag:s7] =	ssyncadd.s32 $0xFFFFF000  }
0x2a9: {  	_ =	swait.ge [sflag:s7], $0x1000  }
0x2aa: {  	[sflag:s7] =	ssyncset.done $0x0  }
0x2ab: {  	[sflag:s7] =	ssyncadd.s32 $0xFFFFF000  }
0x2ac: {  	_ =	swait.ge [sflag:s7], $0x1000  }
0x2ad: {  	[sflag:s7] =	ssyncset.done $0x0  }
0x2ae: {  	[sflag:s7] =	ssyncadd.s32 $0xFFFFF000  }
0x2af: {  	_ =	swait.ge [sflag:s7], $0x1000  }
0x2b0: {  	[sflag:s7] =	ssyncset.done $0x0  }
0x2b1: {  	[sflag:s7] =	ssyncadd.s32 $0xFFFFF000  }
0x2b2: {  	_ =	swait.ge [sflag:s7], $0x1000  }
0x2b3: {  	[sflag:s7] =	ssyncset.done $0x0  }
0x2b4: {  	[sflag:s7] =	ssyncadd.s32 $0xFFFFF000  }
0x2b5: {  	_ =	swait.ge [sflag:s7], $0x1000  }
0x2b6: {  	[sflag:s7] =	ssyncset.done $0x0  }
0x2b7: {  	[sflag:s7] =	ssyncadd.s32 $0xFFFFF000  }
0x2b8: {  	_ =	swait.ge [sflag:s7], $0x1000  }
0x2b9: {  	[sflag:s7] =	ssyncset.done $0x0  }
0x2ba: {  	[sflag:s7] =	ssyncadd.s32 $0xFFFFF000  }
0x2bb: {  	_ =	swait.ge [sflag:s7], $0x1000  }
0x2bc: {  	[sflag:s7] =	ssyncset.done $0x0  }
0x2bd: {  	[sflag:s7] =	ssyncadd.s32 $0xFFFFF000  }
0x2be: {  	_ =	swait.ge [sflag:s7], $0x1000  }
0x2bf: {  	[sflag:s7] =	ssyncset.done $0x0  }
0x2c0: {  	[sflag:s7] =	ssyncadd.s32 $0xFFFFF000  }
0x2c1: {  	_ =	swait.ge [sflag:s7], $0x1000  }
0x2c2: {  	[sflag:s7] =	ssyncset.done $0x0  }
0x2c3: {  	[sflag:s7] =	ssyncadd.s32 $0xFFFFF000  }
0x2c4: {  	_ =	swait.ge [sflag:s7], $0x1000  }
0x2c5: {  	[sflag:s7] =	ssyncset.done $0x0  }
0x2c6: {  	[sflag:s7] =	ssyncadd.s32 $0xFFFFF000  }
0x2c7: {  	_ =	swait.ge [sflag:s7], $0x1000  }
0x2c8: {  	[sflag:s7] =	ssyncset.done $0x0  }
0x2c9: {  	[sflag:s7] =	ssyncadd.s32 $0xFFFFF000  }
0x2ca: {  	[bflag:$0x0] =	sbarrier.arrive $0xFFFF  }
0x2cb: {  	s30 =	rddreg [dreg:$0x6]  }
0x2cc: {  	[hbm:s30], [sflag:s3] =	dma.local [spmem:s4], $0x9C4  }
0x2cd: {  	_ =	swait.ge [sflag:s5], $0x9C4  }
0x2ce: {  	[sflag:s5] =	ssyncset.done $0x0  }
0x2cf: {  	[sflag:s5] =	ssyncadd.s32 $0xFFFFF63C  }
0x2d0: {  	_ =	sfence.sel $0x180000  }
0x2d1: {  	s31 =	stileid.u32;
	[bflag:$0x0] =	sbarrier.arrive $0xFFFF  }
0x2d2: {  	p0 =	sne.s32 s31, $0x0;
	_ =	strace $0x90000050  }
0x2d3: {  	s0 =	sadd.s32 @!p0 $0x100000, s11;
	[bflag:$0x2] =	sbarrier.arrive $0xFFFF  }
0x2d4: {  	[sflag:s0] =	ssyncadd.tile.s32 @!p0 $0x1;
	_ =	shalt  }
.LBB2_6:
.Ltmp3:
0x2d5: {  	(pc) =	sbr.rel .LBB2_5-.Ltmp3, $2  }
0x2d6: {  	_ =	sdelay $0x2  }
0x2d7: {  	s11 =	rddreg [dreg:$0x3]  }
.Lfunc_end2:
_tile_overlayer_lowered:
.L_overlay_start_2:
0x2d8: {  	(tag) =	ssettag $0x2  }
0x2d9: {  	s0 =	rddreg [dreg:$0x0];
	s2 =	stileid.u32  }
0x2da: {  	s1 =	rddreg [dreg:$0x1];
	p0 =	sne.s32 s2, $0x0  }
0x2db: {  	s3 =	rddreg [dreg:$0x2];
	[bflag:$0x3] =	sbarrier.arrive $0xFFFF;
	s2 =	simm.s32 @!p0 $0x1C03  }
0x2dc: {  	[timem:s3], [sflag:s2] =	dma.local @!p0 [hbm:s0], s1  }
0x2dd: {  	s0 =	simm.s32 @!p0 $0x3  }
0x2de: {  	_ =	swait.ge @!p0 [sflag:s0], s1  }
0x2df: {  	s1 =	ssub.s32 @!p0 $0x0, s1;
	[sflag:s0] =	ssyncset.done @!p0 $0x0  }
0x2e0: {  	[sflag:s0] =	ssyncadd.s32 @!p0 s1  }
0x2e1: {  	[bflag:$0x3] =	sbarrier.arrive $0xFFFF  }
0x2e2: {  	_ =	shalt  }

</sc_bundles>
